<compile_context>
chip_gen: v7x
topology: tpu7x:2x2x1
jax: 0.10.2.dev20260603
libtpu: 0.0.44.dev20260713+nightly
codegen_flags: <defaults>
</compile_context>

<pallas_src>
import functools

import jax
import jax.numpy as jnp
from jax import lax
from jax.experimental import pallas as pl
from jax.experimental.pallas import tpu as pltpu
from jax.experimental.pallas import tpu_sc as plsc

N = 10000
E = 320000
D = 128
DE = 16

NC = 2
NS = 16
NW = NC * NS
CHUNK = 128
CPT = 80
TOTAL_CHUNKS = CPT * NW
EPAD = TOTAL_CHUNKS * CHUNK
N_SC = 10240
RPT = N_SC // NS
RB = RPT // CHUNK
BE = 2048
BN = 512


def _gather_body(hv_hbm, ei_hbm, gs_hbm, sidx, rows, sem):
    cid = lax.axis_index("c")
    sid = lax.axis_index("s")
    wid = sid * NC + cid

    @pl.loop(0, CPT)
    def _edges(i):
        chunk = wid * CPT + i
        pltpu.sync_copy(ei_hbm.at[chunk, 0], sidx)
        pltpu.async_copy(hv_hbm.at[sidx], rows, sem).wait()
        pltpu.sync_copy(rows, gs_hbm.at[chunk])


_gather = functools.partial(
    pl.kernel,
    out_type=jax.ShapeDtypeStruct((TOTAL_CHUNKS, CHUNK, D), jnp.float32),
    mesh=plsc.VectorSubcoreMesh(core_axis_name="c", subcore_axis_name="s"),
    scratch_types=[
        pltpu.VMEM((CHUNK,), jnp.int32),
        pltpu.VMEM((CHUNK, D), jnp.float32),
        pltpu.SemaphoreType.DMA,
    ],
)(_gather_body)


def _deg_body(ei_hbm, out_hbm, didx, rows, acc, sem):
    cid = lax.axis_index("c")
    sid = lax.axis_index("s")
    wid = sid * NC + cid
    base = sid * RPT

    @pl.loop(0, CHUNK)
    def _zero(i):
        for j in range(D // 16):
            rows[i, pl.ds(j * 16, 16)] = jnp.zeros((16,), jnp.float32)

    for j in range(RB):
        pltpu.sync_copy(rows, acc.at[pl.ds(base + j * CHUNK, CHUNK)])

    @pl.loop(0, CHUNK)
    def _ones(i):
        for j in range(D // 16):
            rows[i, pl.ds(j * 16, 16)] = jnp.ones((16,), jnp.float32)

    plsc.subcore_barrier()

    @pl.loop(0, CPT)
    def _edges(i):
        chunk = wid * CPT + i
        pltpu.sync_copy(ei_hbm.at[chunk, 1], didx)
        pltpu.sync_copy(rows, acc.at[didx], add=True)

    plsc.subcore_barrier()
    for j in range(RB):
        pltpu.sync_copy(acc.at[pl.ds(base + j * CHUNK, CHUNK)], rows)
        pltpu.sync_copy(rows, out_hbm.at[cid, pl.ds(base + j * CHUNK, CHUNK)])


_deg = functools.partial(
    pl.kernel,
    out_type=jax.ShapeDtypeStruct((NC, N_SC, D), jnp.float32),
    mesh=plsc.VectorSubcoreMesh(core_axis_name="c", subcore_axis_name="s"),
    scratch_types=[
        pltpu.VMEM((CHUNK,), jnp.int32),
        pltpu.VMEM((CHUNK, D), jnp.float32),
        pltpu.VMEM_SHARED((N_SC, D), jnp.float32),
        pltpu.SemaphoreType.DMA,
    ],
)(_deg_body)


def _scatter_body(act_hbm, ei_hbm, out_hbm, didx, rows, acc, sem):
    cid = lax.axis_index("c")
    sid = lax.axis_index("s")
    wid = sid * NC + cid
    base = sid * RPT

    @pl.loop(0, CHUNK)
    def _zero(i):
        for j in range(D // 16):
            rows[i, pl.ds(j * 16, 16)] = jnp.zeros((16,), jnp.float32)

    for j in range(RB):
        pltpu.sync_copy(rows, acc.at[pl.ds(base + j * CHUNK, CHUNK)])
    plsc.subcore_barrier()

    @pl.loop(0, CPT)
    def _edges(i):
        chunk = wid * CPT + i
        pltpu.sync_copy(ei_hbm.at[chunk, 1], didx)
        pltpu.async_copy(act_hbm.at[chunk], rows, sem).wait()
        pltpu.sync_copy(rows, acc.at[didx], add=True)

    plsc.subcore_barrier()
    for j in range(RB):
        pltpu.sync_copy(acc.at[pl.ds(base + j * CHUNK, CHUNK)], rows)
        pltpu.sync_copy(rows, out_hbm.at[cid, pl.ds(base + j * CHUNK, CHUNK)])


_scatter = functools.partial(
    pl.kernel,
    out_type=jax.ShapeDtypeStruct((NC, N_SC, D), jnp.float32),
    mesh=plsc.VectorSubcoreMesh(core_axis_name="c", subcore_axis_name="s"),
    scratch_types=[
        pltpu.VMEM((CHUNK,), jnp.int32),
        pltpu.VMEM((CHUNK, D), jnp.float32),
        pltpu.VMEM_SHARED((N_SC, D), jnp.float32),
        pltpu.SemaphoreType.DMA,
    ],
)(_scatter_body)


def _act_body(gs, hee, WsT, WeT, bm_r, out):
    out[...] = (jnp.dot(gs[...], WsT[...], preferred_element_type=jnp.float32)
                + jnp.dot(hee[...], WeT[...], preferred_element_type=jnp.float32)
                + bm_r[...])


def _act(gs, hee, WsT, WeT, bm_r):
    const = lambda i: (0, 0)
    return pl.pallas_call(
        _act_body,
        grid=(EPAD // BE,),
        in_specs=[
            pl.BlockSpec((BE, D), lambda i: (i, 0)),
            pl.BlockSpec((BE, DE), lambda i: (i, 0)),
            pl.BlockSpec((D, D), const),
            pl.BlockSpec((DE, D), const),
            pl.BlockSpec((1, D), const),
        ],
        out_specs=pl.BlockSpec((BE, D), lambda i: (i, 0)),
        out_shape=jax.ShapeDtypeStruct((EPAD, D), jnp.float32),
    )(gs, hee, WsT, WeT, bm_r)


def _dense_body(ap, degp, hvp, WdT, WihT, bih_r, WhhT, bhh_r, out):
    hv = hvp[...]
    deg = degp[0][:, 0:1] + degp[1][:, 0:1]
    a = (ap[0] + ap[1]
         + deg * jnp.dot(hv, WdT[...], preferred_element_type=jnp.float32))
    gi = jnp.dot(a, WihT[...], preferred_element_type=jnp.float32) + bih_r[...]
    gh = jnp.dot(hv, WhhT[...], preferred_element_type=jnp.float32) + bhh_r[...]
    r = jax.nn.sigmoid(gi[:, :D] + gh[:, :D])
    z = jax.nn.sigmoid(gi[:, D:2 * D] + gh[:, D:2 * D])
    n = jnp.tanh(gi[:, 2 * D:] + r * gh[:, 2 * D:])
    out[...] = (1.0 - z) * n + z * hv


def _dense(ap, degp, hvp, WdT, WihT, bih_r, WhhT, bhh_r):
    const = lambda i: (0, 0)
    return pl.pallas_call(
        _dense_body,
        grid=(N_SC // BN,),
        in_specs=[
            pl.BlockSpec((NC, BN, D), lambda i: (0, i, 0)),
            pl.BlockSpec((NC, BN, D), lambda i: (0, i, 0)),
            pl.BlockSpec((BN, D), lambda i: (i, 0)),
            pl.BlockSpec((D, D), const),
            pl.BlockSpec((D, 3 * D), const),
            pl.BlockSpec((1, 3 * D), const),
            pl.BlockSpec((D, 3 * D), const),
            pl.BlockSpec((1, 3 * D), const),
        ],
        out_specs=pl.BlockSpec((BN, D), lambda i: (i, 0)),
        out_shape=jax.ShapeDtypeStruct((N_SC, D), jnp.float32),
    )(ap, degp, hvp, WdT, WihT, bih_r, WhhT, bhh_r)


def kernel(hv, edge_index, he,
           Wm0, bm0, Wih0, Whh0, bih0, bhh0,
           Wm1, bm1, Wih1, Whh1, bih1, bhh1):
    src = edge_index[0]
    dst = edge_index[1]
    pad_e = EPAD - E
    src_p = jnp.concatenate(
        [src, jnp.zeros((pad_e,), jnp.int32)]).reshape(TOTAL_CHUNKS, CHUNK)
    dst_p = jnp.concatenate(
        [dst, jnp.full((pad_e,), N, jnp.int32)]).reshape(TOTAL_CHUNKS, CHUNK)
    ei_p = jnp.stack([src_p, dst_p], axis=1)
    he_p = jnp.concatenate(
        [he, jnp.zeros((pad_e, DE), jnp.float32)])
    hv_p = jnp.pad(hv, ((0, N_SC - N), (0, 0)))

    degp = _deg(ei_p)

    for (Wm, bm, Wih, Whh, bih, bhh) in (
            (Wm0, bm0, Wih0, Whh0, bih0, bhh0),
            (Wm1, bm1, Wih1, Whh1, bih1, bhh1)):
        gs = _gather(hv_p, ei_p)
        act = _act(gs.reshape(EPAD, D), he_p,
                   Wm[:, :D].T, Wm[:, 2 * D:].T, bm.reshape(1, D))
        ap = _scatter(act.reshape(TOTAL_CHUNKS, CHUNK, D), ei_p)
        hv_p = _dense(ap, degp, hv_p, Wm[:, D:2 * D].T,
                      Wih.T, bih.reshape(1, 3 * D),
                      Whh.T, bhh.reshape(1, 3 * D))
    return hv_p[:N]

# --- scband reference (transcript-rebuilt; emitter-appended) ---
"""Pipeline reference for scband-graph-prop-68058051772923 (READ-ONLY COPY).

The authoritative reference and input builder live on the scoring server;
editing this copy changes nothing except your own understanding.
"""

import jax, jax.numpy as jnp
import numpy as np

N = 10000
E = 320000
D = 128      # node_dim
DE = 16      # edge_dim
DA = 128     # node_act_dim
R = 2        # rounds
MSG_IN = 2 * D + DE


def setup_inputs(seed: int = 0) -> dict:
    key = jax.random.key(seed)
    ks = jax.random.split(key, 16)
    hv = jax.random.normal(ks[0], (N, D), dtype=jnp.float32)
    edge_index = jax.random.randint(ks[1], (2, E), 0, N, dtype=jnp.int32)
    he = jax.random.normal(ks[2], (E, DE), dtype=jnp.float32)
    s_msg = 1.0 / np.sqrt(MSG_IN)
    s_gru = 1.0 / np.sqrt(D)
    inp = {"hv": hv, "edge_index": edge_index, "he": he}
    for t in range(R):
        k = jax.random.split(ks[3 + t], 6)
        inp[f"Wm{t}"] = jax.random.normal(k[0], (DA, MSG_IN), dtype=jnp.float32) * s_msg
        inp[f"bm{t}"] = jnp.zeros((DA,), dtype=jnp.float32)
        inp[f"Wih{t}"] = jax.random.normal(k[1], (3 * D, DA), dtype=jnp.float32) * s_gru
        inp[f"Whh{t}"] = jax.random.normal(k[2], (3 * D, D), dtype=jnp.float32) * s_gru
        inp[f"bih{t}"] = jax.random.normal(k[3], (3 * D,), dtype=jnp.float32) * s_gru
        inp[f"bhh{t}"] = jax.random.normal(k[4], (3 * D,), dtype=jnp.float32) * s_gru
    return inp


def _gru_cell(a, h, Wih, Whh, bih, bhh):
    gi = a @ Wih.T + bih
    gh = h @ Whh.T + bhh
    i_r, i_z, i_n = jnp.split(gi, 3, axis=1)
    h_r, h_z, h_n = jnp.split(gh, 3, axis=1)
    r = jax.nn.sigmoid(i_r + h_r)
    z = jax.nn.sigmoid(i_z + h_z)
    n = jnp.tanh(i_n + r * h_n)
    return (1.0 - z) * n + z * h


def reference(hv, edge_index, he,
              Wm0, bm0, Wih0, Whh0, bih0, bhh0,
              Wm1, bm1, Wih1, Whh1, bih1, bhh1):
    src = edge_index[0]
    dst = edge_index[1]
    params = [(Wm0, bm0, Wih0, Whh0, bih0, bhh0),
              (Wm1, bm1, Wih1, Whh1, bih1, bhh1)]
    for (Wm, bm, Wih, Whh, bih, bhh) in params:
        # dgmg_msg: m = cat([src hv, dst hv, he])
        m = jnp.concatenate([hv[src], hv[dst], he], axis=1)
        # dgmg_reduce: linear per message, then sum over mailbox (== segment_sum by dst)
        act = m @ Wm.T + bm
        a = jax.ops.segment_sum(act, dst, num_segments=hv.shape[0])
        # node update: GRUCell(a, hv)
        hv = _gru_cell(a, hv, Wih, Whh, bih, bhh)
    return hv

if __name__ == "__main__":
    import jax
    _d = setup_inputs()
    print(jax.jit(kernel)(*tuple(_d.values())))

</pallas_src>

<mosaic_0001>
#map = affine_map<(d0, d1) -> (0, 0)>
#map1 = affine_map<(d0, d1) -> (0, 0, 0)>
module attributes {stable_mosaic.version = 14 : i64} {
  func.func @_gather_body(%arg0: i32, %arg1: i32, %arg2: memref<10240x128xf32, #tpu.memory_space<hbm>>, %arg3: memref<2560x2x128xi32, #tpu.memory_space<hbm>>, %arg4: memref<2560x128x128xf32, #tpu.memory_space<hbm>>, %arg5: memref<128xi32, #tpu.memory_space<vmem>>, %arg6: memref<128x128xf32, #tpu.memory_space<vmem>>, %arg7: memref<!tpu.dma_semaphore, #tpu.memory_space<semaphore_mem>>) attributes {dimension_semantics = [#tpu.dimension_semantics<core_parallel>, #tpu.dimension_semantics<subcore_parallel>], iteration_bounds = array<i64: 2, 16>, scalar_prefetch = 0 : i64, scratch_operands = 3 : i64, tpu.core_type = #tpu.core_type<sc_vector_subcore>, window_params = [{transform_indices = #map}, {transform_indices = #map1}, {transform_indices = #map1}]} {
    %mul3A = arith.constant 2 : i32
    %mul3A_0 = arith.muli %arg1, %mul3A : i32
    %add3A = arith.addi %mul3A_0, %arg0 : i32
    %scan3A = arith.constant 0 : i32
    %scan3A_1 = arith.constant 80 : i32
    %scan3A_2 = arith.addi %scan3A, %scan3A_1 : i32
    %scan3A_3 = arith.constant 1 : i32
    scf.for %scan3A_5 = %scan3A to %scan3A_2 step %scan3A_3  : i32 {
      %mul3A_6 = arith.constant 1 : i32
      %mul3A_7 = arith.muli %scan3A_5, %mul3A_6 : i32
      %add3A_8 = arith.constant 0 : i32
      %add3A_9 = arith.addi %add3A_8, %mul3A_7 : i32
      %mul3A_10 = arith.constant 80 : i32
      %mul3A_11 = arith.muli %add3A, %mul3A_10 : i32
      %add3A_12 = arith.addi %mul3A_11, %add3A_9 : i32
      %run_scoped3A = arith.constant 0 : i32
      "tpu.region"() ({
        %run_scoped3A_17 = tpu.sem_alloc : memref<!tpu.dma_semaphore, #tpu.memory_space<semaphore_mem>>
        %dma_start3A_18 = arith.constant 0 : i32
        %dma_start3A_19 = tpu.memref_slice %arg3[%add3A_12, %run_scoped3A, %dma_start3A_18] : memref<2560x2x128xi32, #tpu.memory_space<hbm>> -> memref<1x1x128xi32, #tpu.memory_space<hbm>>
        %dma_start3A_20 = tpu.memref_squeeze %dma_start3A_19 : memref<1x1x128xi32, #tpu.memory_space<hbm>> -> memref<128xi32, #tpu.memory_space<hbm>>
        %dma_start3A_21 = arith.constant 0 : i32
        %dma_start3A_22 = tpu.memref_slice %arg3[%add3A_12, %run_scoped3A, %dma_start3A_21] : memref<2560x2x128xi32, #tpu.memory_space<hbm>> -> memref<1x1x128xi32, #tpu.memory_space<hbm>>
        %dma_start3A_23 = tpu.memref_squeeze %dma_start3A_22 : memref<1x1x128xi32, #tpu.memory_space<hbm>> -> memref<128xi32, #tpu.memory_space<hbm>>
        tpu.enqueue_dma source(%dma_start3A_23 : memref<128xi32, #tpu.memory_space<hbm>>) target(%arg5 : memref<128xi32, #tpu.memory_space<vmem>>) target_semaphore(%run_scoped3A_17 : memref<!tpu.dma_semaphore, #tpu.memory_space<semaphore_mem>>)
        %dma_wait3A_24 = arith.constant 0 : i32
        %dma_wait3A_25 = tpu.memref_slice %arg3[%add3A_12, %run_scoped3A, %dma_wait3A_24] : memref<2560x2x128xi32, #tpu.memory_space<hbm>> -> memref<1x1x128xi32, #tpu.memory_space<hbm>>
        %dma_wait3A_26 = tpu.memref_squeeze %dma_wait3A_25 : memref<1x1x128xi32, #tpu.memory_space<hbm>> -> memref<128xi32, #tpu.memory_space<hbm>>
        %dma_wait3A_27 = arith.constant 0 : i32
        %dma_wait3A_28 = tpu.memref_slice %arg3[%add3A_12, %run_scoped3A, %dma_wait3A_27] : memref<2560x2x128xi32, #tpu.memory_space<hbm>> -> memref<1x1x128xi32, #tpu.memory_space<hbm>>
        %dma_wait3A_29 = tpu.memref_squeeze %dma_wait3A_28 : memref<1x1x128xi32, #tpu.memory_space<hbm>> -> memref<128xi32, #tpu.memory_space<hbm>>
        tpu.wait_dma2 semaphore(%run_scoped3A_17 : memref<!tpu.dma_semaphore, #tpu.memory_space<semaphore_mem>>) src(%dma_wait3A_29 : memref<128xi32, #tpu.memory_space<hbm>>) dst(%arg5 : memref<128xi32, #tpu.memory_space<vmem>>)
        tpu.yield
      }) : () -> ()
      %dma_start3A = arith.constant 0 : i32
      %dma_start3A_13 = arith.constant 0 : i32
      %dma_start3A_14 = tpu.memref_slice %arg2[%dma_start3A, %dma_start3A_13] : memref<10240x128xf32, #tpu.memory_space<hbm>> -> memref<10240x128xf32, #tpu.memory_space<hbm>>
      tpu.enqueue_indirect_dma source(%dma_start3A_14 : memref<10240x128xf32, #tpu.memory_space<hbm>>) target(%arg6 : memref<128x128xf32, #tpu.memory_space<vmem>>) offsets(%arg5 : memref<128xi32, #tpu.memory_space<vmem>>) semaphore(%arg7 : memref<!tpu.dma_semaphore, #tpu.memory_space<semaphore_mem>>)
      %dma_wait3A = arith.constant 0 : i32
      %dma_wait3A_15 = arith.constant 0 : i32
      %dma_wait3A_16 = tpu.memref_slice %arg2[%dma_wait3A, %dma_wait3A_15] : memref<10240x128xf32, #tpu.memory_space<hbm>> -> memref<10240x128xf32, #tpu.memory_space<hbm>>
      tpu.wait_indirect_dma semaphore(%arg7 : memref<!tpu.dma_semaphore, #tpu.memory_space<semaphore_mem>>) src(%dma_wait3A_16 : memref<10240x128xf32, #tpu.memory_space<hbm>>) dst(%arg6 : memref<128x128xf32, #tpu.memory_space<vmem>>)
      "tpu.region"() ({
        %run_scoped3A_17 = tpu.sem_alloc : memref<!tpu.dma_semaphore, #tpu.memory_space<semaphore_mem>>
        %dma_start3A_18 = arith.constant 0 : i32
        %dma_start3A_19 = arith.constant 0 : i32
        %dma_start3A_20 = tpu.memref_slice %arg4[%add3A_12, %dma_start3A_18, %dma_start3A_19] : memref<2560x128x128xf32, #tpu.memory_space<hbm>> -> memref<1x128x128xf32, #tpu.memory_space<hbm>>
        %dma_start3A_21 = tpu.memref_squeeze %dma_start3A_20 : memref<1x128x128xf32, #tpu.memory_space<hbm>> -> memref<128x128xf32, #tpu.memory_space<hbm>>
        %dma_start3A_22 = arith.constant 0 : i32
        %dma_start3A_23 = arith.constant 0 : i32
        %dma_start3A_24 = tpu.memref_slice %arg4[%add3A_12, %dma_start3A_22, %dma_start3A_23] : memref<2560x128x128xf32, #tpu.memory_space<hbm>> -> memref<1x128x128xf32, #tpu.memory_space<hbm>>
        %dma_start3A_25 = tpu.memref_squeeze %dma_start3A_24 : memref<1x128x128xf32, #tpu.memory_space<hbm>> -> memref<128x128xf32, #tpu.memory_space<hbm>>
        tpu.enqueue_dma source(%arg6 : memref<128x128xf32, #tpu.memory_space<vmem>>) target(%dma_start3A_25 : memref<128x128xf32, #tpu.memory_space<hbm>>) target_semaphore(%run_scoped3A_17 : memref<!tpu.dma_semaphore, #tpu.memory_space<semaphore_mem>>)
        %dma_wait3A_26 = arith.constant 0 : i32
        %dma_wait3A_27 = arith.constant 0 : i32
        %dma_wait3A_28 = tpu.memref_slice %arg4[%add3A_12, %dma_wait3A_26, %dma_wait3A_27] : memref<2560x128x128xf32, #tpu.memory_space<hbm>> -> memref<1x128x128xf32, #tpu.memory_space<hbm>>
        %dma_wait3A_29 = tpu.memref_squeeze %dma_wait3A_28 : memref<1x128x128xf32, #tpu.memory_space<hbm>> -> memref<128x128xf32, #tpu.memory_space<hbm>>
        %dma_wait3A_30 = arith.constant 0 : i32
        %dma_wait3A_31 = arith.constant 0 : i32
        %dma_wait3A_32 = tpu.memref_slice %arg4[%add3A_12, %dma_wait3A_30, %dma_wait3A_31] : memref<2560x128x128xf32, #tpu.memory_space<hbm>> -> memref<1x128x128xf32, #tpu.memory_space<hbm>>
        %dma_wait3A_33 = tpu.memref_squeeze %dma_wait3A_32 : memref<1x128x128xf32, #tpu.memory_space<hbm>> -> memref<128x128xf32, #tpu.memory_space<hbm>>
        tpu.wait_dma2 semaphore(%run_scoped3A_17 : memref<!tpu.dma_semaphore, #tpu.memory_space<semaphore_mem>>) src(%arg6 : memref<128x128xf32, #tpu.memory_space<vmem>>) dst(%dma_wait3A_33 : memref<128x128xf32, #tpu.memory_space<hbm>>)
        tpu.yield
      }) : () -> ()
    }
    %scan3A_4 = arith.constant 80 : i32
    return
  }
}

#map = affine_map<(d0, d1) -> (0, 0)>
#map1 = affine_map<(d0, d1) -> (0, 0, 0)>
module attributes {stable_mosaic.version = 14 : i64} {
  func.func @_gather_body(%arg0: i32, %arg1: i32, %arg2: memref<10240x128xf32, #tpu.memory_space<hbm>>, %arg3: memref<2560x2x128xi32, #tpu.memory_space<hbm>>, %arg4: memref<2560x128x128xf32, #tpu.memory_space<hbm>>, %arg5: memref<128xi32, #tpu.memory_space<vmem>>, %arg6: memref<128x128xf32, #tpu.memory_space<vmem>>, %arg7: memref<!tpu.dma_semaphore, #tpu.memory_space<semaphore_mem>>) attributes {dimension_semantics = [#tpu.dimension_semantics<core_parallel>, #tpu.dimension_semantics<subcore_parallel>], iteration_bounds = array<i64: 2, 16>, scalar_prefetch = 0 : i64, scratch_operands = 3 : i64, tpu.core_type = #tpu.core_type<sc_vector_subcore>, window_params = [{transform_indices = #map}, {transform_indices = #map1}, {transform_indices = #map1}]} {
    %mul3A = arith.constant 2 : i32
    %mul3A_0 = arith.muli %arg1, %mul3A : i32
    %add3A = arith.addi %mul3A_0, %arg0 : i32
    %scan3A = arith.constant 0 : i32
    %scan3A_1 = arith.constant 80 : i32
    %scan3A_2 = arith.addi %scan3A, %scan3A_1 : i32
    %scan3A_3 = arith.constant 1 : i32
    scf.for %scan3A_5 = %scan3A to %scan3A_2 step %scan3A_3  : i32 {
      %mul3A_6 = arith.constant 1 : i32
      %mul3A_7 = arith.muli %scan3A_5, %mul3A_6 : i32
      %add3A_8 = arith.constant 0 : i32
      %add3A_9 = arith.addi %add3A_8, %mul3A_7 : i32
      %mul3A_10 = arith.constant 80 : i32
      %mul3A_11 = arith.muli %add3A, %mul3A_10 : i32
      %add3A_12 = arith.addi %mul3A_11, %add3A_9 : i32
      %run_scoped3A = arith.constant 0 : i32
      "tpu.region"() ({
        %run_scoped3A_17 = tpu.sem_alloc : memref<!tpu.dma_semaphore, #tpu.memory_space<semaphore_mem>>
        %dma_start3A_18 = arith.constant 0 : i32
        %dma_start3A_19 = tpu.memref_slice %arg3[%add3A_12, %run_scoped3A, %dma_start3A_18] : memref<2560x2x128xi32, #tpu.memory_space<hbm>> -> memref<1x1x128xi32, #tpu.memory_space<hbm>>
        %dma_start3A_20 = tpu.memref_squeeze %dma_start3A_19 : memref<1x1x128xi32, #tpu.memory_space<hbm>> -> memref<128xi32, #tpu.memory_space<hbm>>
        %dma_start3A_21 = arith.constant 0 : i32
        %dma_start3A_22 = tpu.memref_slice %arg3[%add3A_12, %run_scoped3A, %dma_start3A_21] : memref<2560x2x128xi32, #tpu.memory_space<hbm>> -> memref<1x1x128xi32, #tpu.memory_space<hbm>>
        %dma_start3A_23 = tpu.memref_squeeze %dma_start3A_22 : memref<1x1x128xi32, #tpu.memory_space<hbm>> -> memref<128xi32, #tpu.memory_space<hbm>>
        tpu.enqueue_dma source(%dma_start3A_23 : memref<128xi32, #tpu.memory_space<hbm>>) target(%arg5 : memref<128xi32, #tpu.memory_space<vmem>>) target_semaphore(%run_scoped3A_17 : memref<!tpu.dma_semaphore, #tpu.memory_space<semaphore_mem>>)
        %dma_wait3A_24 = arith.constant 0 : i32
        %dma_wait3A_25 = tpu.memref_slice %arg3[%add3A_12, %run_scoped3A, %dma_wait3A_24] : memref<2560x2x128xi32, #tpu.memory_space<hbm>> -> memref<1x1x128xi32, #tpu.memory_space<hbm>>
        %dma_wait3A_26 = tpu.memref_squeeze %dma_wait3A_25 : memref<1x1x128xi32, #tpu.memory_space<hbm>> -> memref<128xi32, #tpu.memory_space<hbm>>
        %dma_wait3A_27 = arith.constant 0 : i32
        %dma_wait3A_28 = tpu.memref_slice %arg3[%add3A_12, %run_scoped3A, %dma_wait3A_27] : memref<2560x2x128xi32, #tpu.memory_space<hbm>> -> memref<1x1x128xi32, #tpu.memory_space<hbm>>
        %dma_wait3A_29 = tpu.memref_squeeze %dma_wait3A_28 : memref<1x1x128xi32, #tpu.memory_space<hbm>> -> memref<128xi32, #tpu.memory_space<hbm>>
        tpu.wait_dma2 semaphore(%run_scoped3A_17 : memref<!tpu.dma_semaphore, #tpu.memory_space<semaphore_mem>>) src(%dma_wait3A_29 : memref<128xi32, #tpu.memory_space<hbm>>) dst(%arg5 : memref<128xi32, #tpu.memory_space<vmem>>)
        tpu.yield
      }) : () -> ()
      %dma_start3A = arith.constant 0 : i32
      %dma_start3A_13 = arith.constant 0 : i32
      %dma_start3A_14 = tpu.memref_slice %arg2[%dma_start3A, %dma_start3A_13] : memref<10240x128xf32, #tpu.memory_space<hbm>> -> memref<10240x128xf32, #tpu.memory_space<hbm>>
      tpu.enqueue_indirect_dma source(%dma_start3A_14 : memref<10240x128xf32, #tpu.memory_space<hbm>>) target(%arg6 : memref<128x128xf32, #tpu.memory_space<vmem>>) offsets(%arg5 : memref<128xi32, #tpu.memory_space<vmem>>) semaphore(%arg7 : memref<!tpu.dma_semaphore, #tpu.memory_space<semaphore_mem>>)
      %dma_wait3A = arith.constant 0 : i32
      %dma_wait3A_15 = arith.constant 0 : i32
      %dma_wait3A_16 = tpu.memref_slice %arg2[%dma_wait3A, %dma_wait3A_15] : memref<10240x128xf32, #tpu.memory_space<hbm>> -> memref<10240x128xf32, #tpu.memory_space<hbm>>
      tpu.wait_indirect_dma semaphore(%arg7 : memref<!tpu.dma_semaphore, #tpu.memory_space<semaphore_mem>>) src(%dma_wait3A_16 : memref<10240x128xf32, #tpu.memory_space<hbm>>) dst(%arg6 : memref<128x128xf32, #tpu.memory_space<vmem>>)
      "tpu.region"() ({
        %run_scoped3A_17 = tpu.sem_alloc : memref<!tpu.dma_semaphore, #tpu.memory_space<semaphore_mem>>
        %dma_start3A_18 = arith.constant 0 : i32
        %dma_start3A_19 = arith.constant 0 : i32
        %dma_start3A_20 = tpu.memref_slice %arg4[%add3A_12, %dma_start3A_18, %dma_start3A_19] : memref<2560x128x128xf32, #tpu.memory_space<hbm>> -> memref<1x128x128xf32, #tpu.memory_space<hbm>>
        %dma_start3A_21 = tpu.memref_squeeze %dma_start3A_20 : memref<1x128x128xf32, #tpu.memory_space<hbm>> -> memref<128x128xf32, #tpu.memory_space<hbm>>
        %dma_start3A_22 = arith.constant 0 : i32
        %dma_start3A_23 = arith.constant 0 : i32
        %dma_start3A_24 = tpu.memref_slice %arg4[%add3A_12, %dma_start3A_22, %dma_start3A_23] : memref<2560x128x128xf32, #tpu.memory_space<hbm>> -> memref<1x128x128xf32, #tpu.memory_space<hbm>>
        %dma_start3A_25 = tpu.memref_squeeze %dma_start3A_24 : memref<1x128x128xf32, #tpu.memory_space<hbm>> -> memref<128x128xf32, #tpu.memory_space<hbm>>
        tpu.enqueue_dma source(%arg6 : memref<128x128xf32, #tpu.memory_space<vmem>>) target(%dma_start3A_25 : memref<128x128xf32, #tpu.memory_space<hbm>>) target_semaphore(%run_scoped3A_17 : memref<!tpu.dma_semaphore, #tpu.memory_space<semaphore_mem>>)
        %dma_wait3A_26 = arith.constant 0 : i32
        %dma_wait3A_27 = arith.constant 0 : i32
        %dma_wait3A_28 = tpu.memref_slice %arg4[%add3A_12, %dma_wait3A_26, %dma_wait3A_27] : memref<2560x128x128xf32, #tpu.memory_space<hbm>> -> memref<1x128x128xf32, #tpu.memory_space<hbm>>
        %dma_wait3A_29 = tpu.memref_squeeze %dma_wait3A_28 : memref<1x128x128xf32, #tpu.memory_space<hbm>> -> memref<128x128xf32, #tpu.memory_space<hbm>>
        %dma_wait3A_30 = arith.constant 0 : i32
        %dma_wait3A_31 = arith.constant 0 : i32
        %dma_wait3A_32 = tpu.memref_slice %arg4[%add3A_12, %dma_wait3A_30, %dma_wait3A_31] : memref<2560x128x128xf32, #tpu.memory_space<hbm>> -> memref<1x128x128xf32, #tpu.memory_space<hbm>>
        %dma_wait3A_33 = tpu.memref_squeeze %dma_wait3A_32 : memref<1x128x128xf32, #tpu.memory_space<hbm>> -> memref<128x128xf32, #tpu.memory_space<hbm>>
        tpu.wait_dma2 semaphore(%run_scoped3A_17 : memref<!tpu.dma_semaphore, #tpu.memory_space<semaphore_mem>>) src(%arg6 : memref<128x128xf32, #tpu.memory_space<vmem>>) dst(%dma_wait3A_33 : memref<128x128xf32, #tpu.memory_space<hbm>>)
        tpu.yield
      }) : () -> ()
    }
    %scan3A_4 = arith.constant 80 : i32
    return
  }
}

#map = affine_map<(d0, d1) -> (0, 0, 0)>
module attributes {stable_mosaic.version = 14 : i64} {
  func.func @_scatter_body(%arg0: i32, %arg1: i32, %arg2: memref<2560x128x128xf32, #tpu.memory_space<hbm>>, %arg3: memref<2560x2x128xi32, #tpu.memory_space<hbm>>, %arg4: memref<2x10240x128xf32, #tpu.memory_space<hbm>>, %arg5: memref<128xi32, #tpu.memory_space<vmem>>, %arg6: memref<128x128xf32, #tpu.memory_space<vmem>>, %arg7: memref<10240x128xf32, #tpu.memory_space<vmem_shared>>, %arg8: memref<!tpu.dma_semaphore, #tpu.memory_space<semaphore_mem>>) attributes {dimension_semantics = [#tpu.dimension_semantics<core_parallel>, #tpu.dimension_semantics<subcore_parallel>], iteration_bounds = array<i64: 2, 16>, scalar_prefetch = 0 : i64, scratch_operands = 4 : i64, tpu.core_type = #tpu.core_type<sc_vector_subcore>, window_params = [{transform_indices = #map}, {transform_indices = #map}, {transform_indices = #map}]} {
    %mul3A = arith.constant 2 : i32
    %mul3A_0 = arith.muli %arg1, %mul3A : i32
    %add3A = arith.addi %mul3A_0, %arg0 : i32
    %mul3A_1 = arith.constant 640 : i32
    %mul3A_2 = arith.muli %arg1, %mul3A_1 : i32
    %scan3A = arith.constant 0 : i32
    %scan3A_3 = arith.constant 128 : i32
    %scan3A_4 = arith.addi %scan3A, %scan3A_3 : i32
    %scan3A_5 = arith.constant 1 : i32
    scf.for %scan3A_43 = %scan3A to %scan3A_4 step %scan3A_5  : i32 {
      %mul3A_44 = arith.constant 1 : i32
      %mul3A_45 = arith.muli %scan3A_43, %mul3A_44 : i32
      %add3A_46 = arith.constant 0 : i32
      %add3A_47 = arith.addi %add3A_46, %mul3A_45 : i32
      %broadcast_in_dim3A = arith.constant 0.000000e+00 : f32
      %broadcast_in_dim3A_48 = vector.broadcast %broadcast_in_dim3A : f32 to vector<16xf32>
      %swap3A = arith.index_cast %add3A_47 : i32 to index
      %swap3A_49 = arith.constant 0 : index
      %swap3A_50 = tpu.vector_load %arg6[%swap3A, %swap3A_49] {strides = array<i32>} : memref<128x128xf32, #tpu.memory_space<vmem>>, vector<1x16xf32>,
      %swap3A_51 = vector.shape_cast %swap3A_50 : vector<1x16xf32> to vector<16xf32>
      %swap3A_52 = vector.shape_cast %broadcast_in_dim3A_48 : vector<16xf32> to vector<1x16xf32>
      tpu.vector_store %arg6[%swap3A, %swap3A_49], %swap3A_52 {strides = array<i32>} : memref<128x128xf32, #tpu.memory_space<vmem>>, vector<1x16xf32>,
      %broadcast_in_dim3A_53 = arith.constant 0.000000e+00 : f32
      %broadcast_in_dim3A_54 = vector.broadcast %broadcast_in_dim3A_53 : f32 to vector<16xf32>
      %swap3A_55 = arith.index_cast %add3A_47 : i32 to index
      %swap3A_56 = arith.constant 16 : index
      %swap3A_57 = tpu.vector_load %arg6[%swap3A_55, %swap3A_56] {strides = array<i32>} : memref<128x128xf32, #tpu.memory_space<vmem>>, vector<1x16xf32>,
      %swap3A_58 = vector.shape_cast %swap3A_57 : vector<1x16xf32> to vector<16xf32>
      %swap3A_59 = vector.shape_cast %broadcast_in_dim3A_54 : vector<16xf32> to vector<1x16xf32>
      tpu.vector_store %arg6[%swap3A_55, %swap3A_56], %swap3A_59 {strides = array<i32>} : memref<128x128xf32, #tpu.memory_space<vmem>>, vector<1x16xf32>,
      %broadcast_in_dim3A_60 = arith.constant 0.000000e+00 : f32
      %broadcast_in_dim3A_61 = vector.broadcast %broadcast_in_dim3A_60 : f32 to vector<16xf32>
      %swap3A_62 = arith.index_cast %add3A_47 : i32 to index
      %swap3A_63 = arith.constant 32 : index
      %swap3A_64 = tpu.vector_load %arg6[%swap3A_62, %swap3A_63] {strides = array<i32>} : memref<128x128xf32, #tpu.memory_space<vmem>>, vector<1x16xf32>,
      %swap3A_65 = vector.shape_cast %swap3A_64 : vector<1x16xf32> to vector<16xf32>
      %swap3A_66 = vector.shape_cast %broadcast_in_dim3A_61 : vector<16xf32> to vector<1x16xf32>
      tpu.vector_store %arg6[%swap3A_62, %swap3A_63], %swap3A_66 {strides = array<i32>} : memref<128x128xf32, #tpu.memory_space<vmem>>, vector<1x16xf32>,
      %broadcast_in_dim3A_67 = arith.constant 0.000000e+00 : f32
      %broadcast_in_dim3A_68 = vector.broadcast %broadcast_in_dim3A_67 : f32 to vector<16xf32>
      %swap3A_69 = arith.index_cast %add3A_47 : i32 to index
      %swap3A_70 = arith.constant 48 : index
      %swap3A_71 = tpu.vector_load %arg6[%swap3A_69, %swap3A_70] {strides = array<i32>} : memref<128x128xf32, #tpu.memory_space<vmem>>, vector<1x16xf32>,
      %swap3A_72 = vector.shape_cast %swap3A_71 : vector<1x16xf32> to vector<16xf32>
      %swap3A_73 = vector.shape_cast %broadcast_in_dim3A_68 : vector<16xf32> to vector<1x16xf32>
      tpu.vector_store %arg6[%swap3A_69, %swap3A_70], %swap3A_73 {strides = array<i32>} : memref<128x128xf32, #tpu.memory_space<vmem>>, vector<1x16xf32>,
      %broadcast_in_dim3A_74 = arith.constant 0.000000e+00 : f32
      %broadcast_in_dim3A_75 = vector.broadcast %broadcast_in_dim3A_74 : f32 to vector<16xf32>
      %swap3A_76 = arith.index_cast %add3A_47 : i32 to index
      %swap3A_77 = arith.constant 64 : index
      %swap3A_78 = tpu.vector_load %arg6[%swap3A_76, %swap3A_77] {strides = array<i32>} : memref<128x128xf32, #tpu.memory_space<vmem>>, vector<1x16xf32>,
      %swap3A_79 = vector.shape_cast %swap3A_78 : vector<1x16xf32> to vector<16xf32>
      %swap3A_80 = vector.shape_cast %broadcast_in_dim3A_75 : vector<16xf32> to vector<1x16xf32>
      tpu.vector_store %arg6[%swap3A_76, %swap3A_77], %swap3A_80 {strides = array<i32>} : memref<128x128xf32, #tpu.memory_space<vmem>>, vector<1x16xf32>,
      %broadcast_in_dim3A_81 = arith.constant 0.000000e+00 : f32
      %broadcast_in_dim3A_82 = vector.broadcast %broadcast_in_dim3A_81 : f32 to vector<16xf32>
      %swap3A_83 = arith.index_cast %add3A_47 : i32 to index
      %swap3A_84 = arith.constant 80 : index
      %swap3A_85 = tpu.vector_load %arg6[%swap3A_83, %swap3A_84] {strides = array<i32>} : memref<128x128xf32, #tpu.memory_space<vmem>>, vector<1x16xf32>,
      %swap3A_86 = vector.shape_cast %swap3A_85 : vector<1x16xf32> to vector<16xf32>
      %swap3A_87 = vector.shape_cast %broadcast_in_dim3A_82 : vector<16xf32> to vector<1x16xf32>
      tpu.vector_store %arg6[%swap3A_83, %swap3A_84], %swap3A_87 {strides = array<i32>} : memref<128x128xf32, #tpu.memory_space<vmem>>, vector<1x16xf32>,
      %broadcast_in_dim3A_88 = arith.constant 0.000000e+00 : f32
      %broadcast_in_dim3A_89 = vector.broadcast %broadcast_in_dim3A_88 : f32 to vector<16xf32>
      %swap3A_90 = arith.index_cast %add3A_47 : i32 to index
      %swap3A_91 = arith.constant 96 : index
      %swap3A_92 = tpu.vector_load %arg6[%swap3A_90, %swap3A_91] {strides = array<i32>} : memref<128x128xf32, #tpu.memory_space<vmem>>, vector<1x16xf32>,
      %swap3A_93 = vector.shape_cast %swap3A_92 : vector<1x16xf32> to vector<16xf32>
      %swap3A_94 = vector.shape_cast %broadcast_in_dim3A_89 : vector<16xf32> to vector<1x16xf32>
      tpu.vector_store %arg6[%swap3A_90, %swap3A_91], %swap3A_94 {strides = array<i32>} : memref<128x128xf32, #tpu.memory_space<vmem>>, vector<1x16xf32>,
      %broadcast_in_dim3A_95 = arith.constant 0.000000e+00 : f32
      %broadcast_in_dim3A_96 = vector.broadcast %broadcast_in_dim3A_95 : f32 to vector<16xf32>
      %swap3A_97 = arith.index_cast %add3A_47 : i32 to index
      %swap3A_98 = arith.constant 112 : index
      %swap3A_99 = tpu.vector_load %arg6[%swap3A_97, %swap3A_98] {strides = array<i32>} : memref<128x128xf32, #tpu.memory_space<vmem>>, vector<1x16xf32>,
      %swap3A_100 = vector.shape_cast %swap3A_99 : vector<1x16xf32> to vector<16xf32>
      %swap3A_101 = vector.shape_cast %broadcast_in_dim3A_96 : vector<16xf32> to vector<1x16xf32>
      tpu.vector_store %arg6[%swap3A_97, %swap3A_98], %swap3A_101 {strides = array<i32>} : memref<128x128xf32, #tpu.memory_space<vmem>>, vector<1x16xf32>,
    }
    %scan3A_6 = arith.constant 128 : i32
    %add3A_7 = arith.constant 0 : i32
    %add3A_8 = arith.addi %mul3A_2, %add3A_7 : i32
    "tpu.region"() ({
      %run_scoped3A = tpu.sem_alloc : memref<!tpu.dma_semaphore, #tpu.memory_space<semaphore_mem>>
      %dma_start3A = arith.constant 0 : i32
      %dma_start3A_43 = tpu.memref_slice %arg7[%add3A_8, %dma_start3A] : memref<10240x128xf32, #tpu.memory_space<vmem_shared>> -> memref<128x128xf32, #tpu.memory_space<vmem_shared>>
      %dma_start3A_44 = arith.constant 0 : i32
      %dma_start3A_45 = tpu.memref_slice %arg7[%add3A_8, %dma_start3A_44] : memref<10240x128xf32, #tpu.memory_space<vmem_shared>> -> memref<128x128xf32, #tpu.memory_space<vmem_shared>>
      tpu.enqueue_dma source(%arg6 : memref<128x128xf32, #tpu.memory_space<vmem>>) target(%dma_start3A_45 : memref<128x128xf32, #tpu.memory_space<vmem_shared>>) target_semaphore(%run_scoped3A : memref<!tpu.dma_semaphore, #tpu.memory_space<semaphore_mem>>)
      %dma_wait3A = arith.constant 0 : i32
      %dma_wait3A_46 = tpu.memref_slice %arg7[%add3A_8, %dma_wait3A] : memref<10240x128xf32, #tpu.memory_space<vmem_shared>> -> memref<128x128xf32, #tpu.memory_space<vmem_shared>>
      %dma_wait3A_47 = arith.constant 0 : i32
      %dma_wait3A_48 = tpu.memref_slice %arg7[%add3A_8, %dma_wait3A_47] : memref<10240x128xf32, #tpu.memory_space<vmem_shared>> -> memref<128x128xf32, #tpu.memory_space<vmem_shared>>
      tpu.wait_dma2 semaphore(%run_scoped3A : memref<!tpu.dma_semaphore, #tpu.memory_space<semaphore_mem>>) src(%arg6 : memref<128x128xf32, #tpu.memory_space<vmem>>) dst(%dma_wait3A_48 : memref<128x128xf32, #tpu.memory_space<vmem_shared>>)
      tpu.yield
    }) : () -> ()
    %add3A_9 = arith.constant 128 : i32
    %add3A_10 = arith.addi %mul3A_2, %add3A_9 : i32
    "tpu.region"() ({
      %run_scoped3A = tpu.sem_alloc : memref<!tpu.dma_semaphore, #tpu.memory_space<semaphore_mem>>
      %dma_start3A = arith.constant 0 : i32
      %dma_start3A_43 = tpu.memref_slice %arg7[%add3A_10, %dma_start3A] : memref<10240x128xf32, #tpu.memory_space<vmem_shared>> -> memref<128x128xf32, #tpu.memory_space<vmem_shared>>
      %dma_start3A_44 = arith.constant 0 : i32
      %dma_start3A_45 = tpu.memref_slice %arg7[%add3A_10, %dma_start3A_44] : memref<10240x128xf32, #tpu.memory_space<vmem_shared>> -> memref<128x128xf32, #tpu.memory_space<vmem_shared>>
      tpu.enqueue_dma source(%arg6 : memref<128x128xf32, #tpu.memory_space<vmem>>) target(%dma_start3A_45 : memref<128x128xf32, #tpu.memory_space<vmem_shared>>) target_semaphore(%run_scoped3A : memref<!tpu.dma_semaphore, #tpu.memory_space<semaphore_mem>>)
      %dma_wait3A = arith.constant 0 : i32
      %dma_wait3A_46 = tpu.memref_slice %arg7[%add3A_10, %dma_wait3A] : memref<10240x128xf32, #tpu.memory_space<vmem_shared>> -> memref<128x128xf32, #tpu.memory_space<vmem_shared>>
      %dma_wait3A_47 = arith.constant 0 : i32
      %dma_wait3A_48 = tpu.memref_slice %arg7[%add3A_10, %dma_wait3A_47] : memref<10240x128xf32, #tpu.memory_space<vmem_shared>> -> memref<128x128xf32, #tpu.memory_space<vmem_shared>>
      tpu.wait_dma2 semaphore(%run_scoped3A : memref<!tpu.dma_semaphore, #tpu.memory_space<semaphore_mem>>) src(%arg6 : memref<128x128xf32, #tpu.memory_space<vmem>>) dst(%dma_wait3A_48 : memref<128x128xf32, #tpu.memory_space<vmem_shared>>)
      tpu.yield
    }) : () -> ()
    %add3A_11 = arith.constant 256 : i32
    %add3A_12 = arith.addi %mul3A_2, %add3A_11 : i32
    "tpu.region"() ({
      %run_scoped3A = tpu.sem_alloc : memref<!tpu.dma_semaphore, #tpu.memory_space<semaphore_mem>>
      %dma_start3A = arith.constant 0 : i32
      %dma_start3A_43 = tpu.memref_slice %arg7[%add3A_12, %dma_start3A] : memref<10240x128xf32, #tpu.memory_space<vmem_shared>> -> memref<128x128xf32, #tpu.memory_space<vmem_shared>>
      %dma_start3A_44 = arith.constant 0 : i32
      %dma_start3A_45 = tpu.memref_slice %arg7[%add3A_12, %dma_start3A_44] : memref<10240x128xf32, #tpu.memory_space<vmem_shared>> -> memref<128x128xf32, #tpu.memory_space<vmem_shared>>
      tpu.enqueue_dma source(%arg6 : memref<128x128xf32, #tpu.memory_space<vmem>>) target(%dma_start3A_45 : memref<128x128xf32, #tpu.memory_space<vmem_shared>>) target_semaphore(%run_scoped3A : memref<!tpu.dma_semaphore, #tpu.memory_space<semaphore_mem>>)
      %dma_wait3A = arith.constant 0 : i32
      %dma_wait3A_46 = tpu.memref_slice %arg7[%add3A_12, %dma_wait3A] : memref<10240x128xf32, #tpu.memory_space<vmem_shared>> -> memref<128x128xf32, #tpu.memory_space<vmem_shared>>
      %dma_wait3A_47 = arith.constant 0 : i32
      %dma_wait3A_48 = tpu.memref_slice %arg7[%add3A_12, %dma_wait3A_47] : memref<10240x128xf32, #tpu.memory_space<vmem_shared>> -> memref<128x128xf32, #tpu.memory_space<vmem_shared>>
      tpu.wait_dma2 semaphore(%run_scoped3A : memref<!tpu.dma_semaphore, #tpu.memory_space<semaphore_mem>>) src(%arg6 : memref<128x128xf32, #tpu.memory_space<vmem>>) dst(%dma_wait3A_48 : memref<128x128xf32, #tpu.memory_space<vmem_shared>>)
      tpu.yield
    }) : () -> ()
    %add3A_13 = arith.constant 384 : i32
    %add3A_14 = arith.addi %mul3A_2, %add3A_13 : i32
    "tpu.region"() ({
      %run_scoped3A = tpu.sem_alloc : memref<!tpu.dma_semaphore, #tpu.memory_space<semaphore_mem>>
      %dma_start3A = arith.constant 0 : i32
      %dma_start3A_43 = tpu.memref_slice %arg7[%add3A_14, %dma_start3A] : memref<10240x128xf32, #tpu.memory_space<vmem_shared>> -> memref<128x128xf32, #tpu.memory_space<vmem_shared>>
      %dma_start3A_44 = arith.constant 0 : i32
      %dma_start3A_45 = tpu.memref_slice %arg7[%add3A_14, %dma_start3A_44] : memref<10240x128xf32, #tpu.memory_space<vmem_shared>> -> memref<128x128xf32, #tpu.memory_space<vmem_shared>>
      tpu.enqueue_dma source(%arg6 : memref<128x128xf32, #tpu.memory_space<vmem>>) target(%dma_start3A_45 : memref<128x128xf32, #tpu.memory_space<vmem_shared>>) target_semaphore(%run_scoped3A : memref<!tpu.dma_semaphore, #tpu.memory_space<semaphore_mem>>)
      %dma_wait3A = arith.constant 0 : i32
      %dma_wait3A_46 = tpu.memref_slice %arg7[%add3A_14, %dma_wait3A] : memref<10240x128xf32, #tpu.memory_space<vmem_shared>> -> memref<128x128xf32, #tpu.memory_space<vmem_shared>>
      %dma_wait3A_47 = arith.constant 0 : i32
      %dma_wait3A_48 = tpu.memref_slice %arg7[%add3A_14, %dma_wait3A_47] : memref<10240x128xf32, #tpu.memory_space<vmem_shared>> -> memref<128x128xf32, #tpu.memory_space<vmem_shared>>
      tpu.wait_dma2 semaphore(%run_scoped3A : memref<!tpu.dma_semaphore, #tpu.memory_space<semaphore_mem>>) src(%arg6 : memref<128x128xf32, #tpu.memory_space<vmem>>) dst(%dma_wait3A_48 : memref<128x128xf32, #tpu.memory_space<vmem_shared>>)
      tpu.yield
    }) : () -> ()
    %add3A_15 = arith.constant 512 : i32
    %add3A_16 = arith.addi %mul3A_2, %add3A_15 : i32
    "tpu.region"() ({
      %run_scoped3A = tpu.sem_alloc : memref<!tpu.dma_semaphore, #tpu.memory_space<semaphore_mem>>
      %dma_start3A = arith.constant 0 : i32
      %dma_start3A_43 = tpu.memref_slice %arg7[%add3A_16, %dma_start3A] : memref<10240x128xf32, #tpu.memory_space<vmem_shared>> -> memref<128x128xf32, #tpu.memory_space<vmem_shared>>
      %dma_start3A_44 = arith.constant 0 : i32
      %dma_start3A_45 = tpu.memref_slice %arg7[%add3A_16, %dma_start3A_44] : memref<10240x128xf32, #tpu.memory_space<vmem_shared>> -> memref<128x128xf32, #tpu.memory_space<vmem_shared>>
      tpu.enqueue_dma source(%arg6 : memref<128x128xf32, #tpu.memory_space<vmem>>) target(%dma_start3A_45 : memref<128x128xf32, #tpu.memory_space<vmem_shared>>) target_semaphore(%run_scoped3A : memref<!tpu.dma_semaphore, #tpu.memory_space<semaphore_mem>>)
      %dma_wait3A = arith.constant 0 : i32
      %dma_wait3A_46 = tpu.memref_slice %arg7[%add3A_16, %dma_wait3A] : memref<10240x128xf32, #tpu.memory_space<vmem_shared>> -> memref<128x128xf32, #tpu.memory_space<vmem_shared>>
      %dma_wait3A_47 = arith.constant 0 : i32
      %dma_wait3A_48 = tpu.memref_slice %arg7[%add3A_16, %dma_wait3A_47] : memref<10240x128xf32, #tpu.memory_space<vmem_shared>> -> memref<128x128xf32, #tpu.memory_space<vmem_shared>>
      tpu.wait_dma2 semaphore(%run_scoped3A : memref<!tpu.dma_semaphore, #tpu.memory_space<semaphore_mem>>) src(%arg6 : memref<128x128xf32, #tpu.memory_space<vmem>>) dst(%dma_wait3A_48 : memref<128x128xf32, #tpu.memory_space<vmem_shared>>)
      tpu.yield
    }) : () -> ()
    %barrier3A = arith.constant 0 : index
    tpu.barrier barrier_id(%barrier3A)
    %scan3A_17 = arith.constant 0 : i32
    %scan3A_18 = arith.constant 80 : i32
    %scan3A_19 = arith.addi %scan3A_17, %scan3A_18 : i32
    %scan3A_20 = arith.constant 1 : i32
    scf.for %scan3A_43 = %scan3A_17 to %scan3A_19 step %scan3A_20  : i32 {
      %mul3A_44 = arith.constant 1 : i32
      %mul3A_45 = arith.muli %scan3A_43, %mul3A_44 : i32
      %add3A_46 = arith.constant 0 : i32
      %add3A_47 = arith.addi %add3A_46, %mul3A_45 : i32
      %mul3A_48 = arith.constant 80 : i32
      %mul3A_49 = arith.muli %add3A, %mul3A_48 : i32
      %add3A_50 = arith.addi %mul3A_49, %add3A_47 : i32
      %run_scoped3A = arith.constant 1 : i32
      "tpu.region"() ({
        %run_scoped3A_65 = tpu.sem_alloc : memref<!tpu.dma_semaphore, #tpu.memory_space<semaphore_mem>>
        %dma_start3A_66 = arith.constant 0 : i32
        %dma_start3A_67 = tpu.memref_slice %arg3[%add3A_50, %run_scoped3A, %dma_start3A_66] : memref<2560x2x128xi32, #tpu.memory_space<hbm>> -> memref<1x1x128xi32, #tpu.memory_space<hbm>>
        %dma_start3A_68 = tpu.memref_squeeze %dma_start3A_67 : memref<1x1x128xi32, #tpu.memory_space<hbm>> -> memref<128xi32, #tpu.memory_space<hbm>>
        %dma_start3A_69 = arith.constant 0 : i32
        %dma_start3A_70 = tpu.memref_slice %arg3[%add3A_50, %run_scoped3A, %dma_start3A_69] : memref<2560x2x128xi32, #tpu.memory_space<hbm>> -> memref<1x1x128xi32, #tpu.memory_space<hbm>>
        %dma_start3A_71 = tpu.memref_squeeze %dma_start3A_70 : memref<1x1x128xi32, #tpu.memory_space<hbm>> -> memref<128xi32, #tpu.memory_space<hbm>>
        tpu.enqueue_dma source(%dma_start3A_71 : memref<128xi32, #tpu.memory_space<hbm>>) target(%arg5 : memref<128xi32, #tpu.memory_space<vmem>>) target_semaphore(%run_scoped3A_65 : memref<!tpu.dma_semaphore, #tpu.memory_space<semaphore_mem>>)
        %dma_wait3A_72 = arith.constant 0 : i32
        %dma_wait3A_73 = tpu.memref_slice %arg3[%add3A_50, %run_scoped3A, %dma_wait3A_72] : memref<2560x2x128xi32, #tpu.memory_space<hbm>> -> memref<1x1x128xi32, #tpu.memory_space<hbm>>
        %dma_wait3A_74 = tpu.memref_squeeze %dma_wait3A_73 : memref<1x1x128xi32, #tpu.memory_space<hbm>> -> memref<128xi32, #tpu.memory_space<hbm>>
        %dma_wait3A_75 = arith.constant 0 : i32
        %dma_wait3A_76 = tpu.memref_slice %arg3[%add3A_50, %run_scoped3A, %dma_wait3A_75] : memref<2560x2x128xi32, #tpu.memory_space<hbm>> -> memref<1x1x128xi32, #tpu.memory_space<hbm>>
        %dma_wait3A_77 = tpu.memref_squeeze %dma_wait3A_76 : memref<1x1x128xi32, #tpu.memory_space<hbm>> -> memref<128xi32, #tpu.memory_space<hbm>>
        tpu.wait_dma2 semaphore(%run_scoped3A_65 : memref<!tpu.dma_semaphore, #tpu.memory_space<semaphore_mem>>) src(%dma_wait3A_77 : memref<128xi32, #tpu.memory_space<hbm>>) dst(%arg5 : memref<128xi32, #tpu.memory_space<vmem>>)
        tpu.yield
      }) : () -> ()
      %dma_start3A = arith.constant 0 : i32
      %dma_start3A_51 = arith.constant 0 : i32
      %dma_start3A_52 = tpu.memref_slice %arg2[%add3A_50, %dma_start3A, %dma_start3A_51] : memref<2560x128x128xf32, #tpu.memory_space<hbm>> -> memref<1x128x128xf32, #tpu.memory_space<hbm>>
      %dma_start3A_53 = tpu.memref_squeeze %dma_start3A_52 : memref<1x128x128xf32, #tpu.memory_space<hbm>> -> memref<128x128xf32, #tpu.memory_space<hbm>>
      %dma_start3A_54 = arith.constant 0 : i32
      %dma_start3A_55 = arith.constant 0 : i32
      %dma_start3A_56 = tpu.memref_slice %arg2[%add3A_50, %dma_start3A_54, %dma_start3A_55] : memref<2560x128x128xf32, #tpu.memory_space<hbm>> -> memref<1x128x128xf32, #tpu.memory_space<hbm>>
      %dma_start3A_57 = tpu.memref_squeeze %dma_start3A_56 : memref<1x128x128xf32, #tpu.memory_space<hbm>> -> memref<128x128xf32, #tpu.memory_space<hbm>>
      tpu.enqueue_dma source(%dma_start3A_57 : memref<128x128xf32, #tpu.memory_space<hbm>>) target(%arg6 : memref<128x128xf32, #tpu.memory_space<vmem>>) target_semaphore(%arg8 : memref<!tpu.dma_semaphore, #tpu.memory_space<semaphore_mem>>)
      %dma_wait3A = arith.constant 0 : i32
      %dma_wait3A_58 = arith.constant 0 : i32
      %dma_wait3A_59 = tpu.memref_slice %arg2[%add3A_50, %dma_wait3A, %dma_wait3A_58] : memref<2560x128x128xf32, #tpu.memory_space<hbm>> -> memref<1x128x128xf32, #tpu.memory_space<hbm>>
      %dma_wait3A_60 = tpu.memref_squeeze %dma_wait3A_59 : memref<1x128x128xf32, #tpu.memory_space<hbm>> -> memref<128x128xf32, #tpu.memory_space<hbm>>
      %dma_wait3A_61 = arith.constant 0 : i32
      %dma_wait3A_62 = arith.constant 0 : i32
      %dma_wait3A_63 = tpu.memref_slice %arg2[%add3A_50, %dma_wait3A_61, %dma_wait3A_62] : memref<2560x128x128xf32, #tpu.memory_space<hbm>> -> memref<1x128x128xf32, #tpu.memory_space<hbm>>
      %dma_wait3A_64 = tpu.memref_squeeze %dma_wait3A_63 : memref<1x128x128xf32, #tpu.memory_space<hbm>> -> memref<128x128xf32, #tpu.memory_space<hbm>>
      tpu.wait_dma2 semaphore(%arg8 : memref<!tpu.dma_semaphore, #tpu.memory_space<semaphore_mem>>) src(%dma_wait3A_64 : memref<128x128xf32, #tpu.memory_space<hbm>>) dst(%arg6 : memref<128x128xf32, #tpu.memory_space<vmem>>)
      "tpu.region"() ({
        %run_scoped3A_65 = tpu.sem_alloc : memref<!tpu.dma_semaphore, #tpu.memory_space<semaphore_mem>>
        %dma_start3A_66 = arith.constant 0 : i32
        %dma_start3A_67 = arith.constant 0 : i32
        %dma_start3A_68 = tpu.memref_slice %arg7[%dma_start3A_66, %dma_start3A_67] : memref<10240x128xf32, #tpu.memory_space<vmem_shared>> -> memref<10240x128xf32, #tpu.memory_space<vmem_shared>>
        tpu.enqueue_indirect_dma source(%arg6 : memref<128x128xf32, #tpu.memory_space<vmem>>) target(%dma_start3A_68 : memref<10240x128xf32, #tpu.memory_space<vmem_shared>>) offsets(%arg5 : memref<128xi32, #tpu.memory_space<vmem>>) semaphore(%run_scoped3A_65 : memref<!tpu.dma_semaphore, #tpu.memory_space<semaphore_mem>>) {add = true}
        %dma_wait3A_69 = arith.constant 0 : i32
        %dma_wait3A_70 = arith.constant 0 : i32
        %dma_wait3A_71 = tpu.memref_slice %arg7[%dma_wait3A_69, %dma_wait3A_70] : memref<10240x128xf32, #tpu.memory_space<vmem_shared>> -> memref<10240x128xf32, #tpu.memory_space<vmem_shared>>
        tpu.wait_indirect_dma semaphore(%run_scoped3A_65 : memref<!tpu.dma_semaphore, #tpu.memory_space<semaphore_mem>>) src(%arg6 : memref<128x128xf32, #tpu.memory_space<vmem>>) dst(%dma_wait3A_71 : memref<10240x128xf32, #tpu.memory_space<vmem_shared>>)
        tpu.yield
      }) : () -> ()
    }
    %scan3A_21 = arith.constant 80 : i32
    %barrier3A_22 = arith.constant 0 : index
    tpu.barrier barrier_id(%barrier3A_22)
    %add3A_23 = arith.constant 0 : i32
    %add3A_24 = arith.addi %mul3A_2, %add3A_23 : i32
    "tpu.region"() ({
      %run_scoped3A = tpu.sem_alloc : memref<!tpu.dma_semaphore, #tpu.memory_space<semaphore_mem>>
      %dma_start3A = arith.constant 0 : i32
      %dma_start3A_43 = tpu.memref_slice %arg7[%add3A_24, %dma_start3A] : memref<10240x128xf32, #tpu.memory_space<vmem_shared>> -> memref<128x128xf32, #tpu.memory_space<vmem_shared>>
      %dma_start3A_44 = arith.constant 0 : i32
      %dma_start3A_45 = tpu.memref_slice %arg7[%add3A_24, %dma_start3A_44] : memref<10240x128xf32, #tpu.memory_space<vmem_shared>> -> memref<128x128xf32, #tpu.memory_space<vmem_shared>>
      tpu.enqueue_dma source(%dma_start3A_45 : memref<128x128xf32, #tpu.memory_space<vmem_shared>>) target(%arg6 : memref<128x128xf32, #tpu.memory_space<vmem>>) target_semaphore(%run_scoped3A : memref<!tpu.dma_semaphore, #tpu.memory_space<semaphore_mem>>)
      %dma_wait3A = arith.constant 0 : i32
      %dma_wait3A_46 = tpu.memref_slice %arg7[%add3A_24, %dma_wait3A] : memref<10240x128xf32, #tpu.memory_space<vmem_shared>> -> memref<128x128xf32, #tpu.memory_space<vmem_shared>>
      %dma_wait3A_47 = arith.constant 0 : i32
      %dma_wait3A_48 = tpu.memref_slice %arg7[%add3A_24, %dma_wait3A_47] : memref<10240x128xf32, #tpu.memory_space<vmem_shared>> -> memref<128x128xf32, #tpu.memory_space<vmem_shared>>
      tpu.wait_dma2 semaphore(%run_scoped3A : memref<!tpu.dma_semaphore, #tpu.memory_space<semaphore_mem>>) src(%dma_wait3A_48 : memref<128x128xf32, #tpu.memory_space<vmem_shared>>) dst(%arg6 : memref<128x128xf32, #tpu.memory_space<vmem>>)
      tpu.yield
    }) : () -> ()
    %add3A_25 = arith.constant 0 : i32
    %add3A_26 = arith.addi %mul3A_2, %add3A_25 : i32
    "tpu.region"() ({
      %run_scoped3A = tpu.sem_alloc : memref<!tpu.dma_semaphore, #tpu.memory_space<semaphore_mem>>
      %dma_start3A = arith.constant 0 : i32
      %dma_start3A_43 = tpu.memref_slice %arg4[%arg0, %add3A_26, %dma_start3A] : memref<2x10240x128xf32, #tpu.memory_space<hbm>> -> memref<1x128x128xf32, #tpu.memory_space<hbm>>
      %dma_start3A_44 = tpu.memref_squeeze %dma_start3A_43 : memref<1x128x128xf32, #tpu.memory_space<hbm>> -> memref<128x128xf32, #tpu.memory_space<hbm>>
      %dma_start3A_45 = arith.constant 0 : i32
      %dma_start3A_46 = tpu.memref_slice %arg4[%arg0, %add3A_26, %dma_start3A_45] : memref<2x10240x128xf32, #tpu.memory_space<hbm>> -> memref<1x128x128xf32, #tpu.memory_space<hbm>>
      %dma_start3A_47 = tpu.memref_squeeze %dma_start3A_46 : memref<1x128x128xf32, #tpu.memory_space<hbm>> -> memref<128x128xf32, #tpu.memory_space<hbm>>
      tpu.enqueue_dma source(%arg6 : memref<128x128xf32, #tpu.memory_space<vmem>>) target(%dma_start3A_47 : memref<128x128xf32, #tpu.memory_space<hbm>>) target_semaphore(%run_scoped3A : memref<!tpu.dma_semaphore, #tpu.memory_space<semaphore_mem>>)
      %dma_wait3A = arith.constant 0 : i32
      %dma_wait3A_48 = tpu.memref_slice %arg4[%arg0, %add3A_26, %dma_wait3A] : memref<2x10240x128xf32, #tpu.memory_space<hbm>> -> memref<1x128x128xf32, #tpu.memory_space<hbm>>
      %dma_wait3A_49 = tpu.memref_squeeze %dma_wait3A_48 : memref<1x128x128xf32, #tpu.memory_space<hbm>> -> memref<128x128xf32, #tpu.memory_space<hbm>>
      %dma_wait3A_50 = arith.constant 0 : i32
      %dma_wait3A_51 = tpu.memref_slice %arg4[%arg0, %add3A_26, %dma_wait3A_50] : memref<2x10240x128xf32, #tpu.memory_space<hbm>> -> memref<1x128x128xf32, #tpu.memory_space<hbm>>
      %dma_wait3A_52 = tpu.memref_squeeze %dma_wait3A_51 : memref<1x128x128xf32, #tpu.memory_space<hbm>> -> memref<128x128xf32, #tpu.memory_space<hbm>>
      tpu.wait_dma2 semaphore(%run_scoped3A : memref<!tpu.dma_semaphore, #tpu.memory_space<semaphore_mem>>) src(%arg6 : memref<128x128xf32, #tpu.memory_space<vmem>>) dst(%dma_wait3A_52 : memref<128x128xf32, #tpu.memory_space<hbm>>)
      tpu.yield
    }) : () -> ()
    %add3A_27 = arith.constant 128 : i32
    %add3A_28 = arith.addi %mul3A_2, %add3A_27 : i32
    "tpu.region"() ({
      %run_scoped3A = tpu.sem_alloc : memref<!tpu.dma_semaphore, #tpu.memory_space<semaphore_mem>>
      %dma_start3A = arith.constant 0 : i32
      %dma_start3A_43 = tpu.memref_slice %arg7[%add3A_28, %dma_start3A] : memref<10240x128xf32, #tpu.memory_space<vmem_shared>> -> memref<128x128xf32, #tpu.memory_space<vmem_shared>>
      %dma_start3A_44 = arith.constant 0 : i32
      %dma_start3A_45 = tpu.memref_slice %arg7[%add3A_28, %dma_start3A_44] : memref<10240x128xf32, #tpu.memory_space<vmem_shared>> -> memref<128x128xf32, #tpu.memory_space<vmem_shared>>
      tpu.enqueue_dma source(%dma_start3A_45 : memref<128x128xf32, #tpu.memory_space<vmem_shared>>) target(%arg6 : memref<128x128xf32, #tpu.memory_space<vmem>>) target_semaphore(%run_scoped3A : memref<!tpu.dma_semaphore, #tpu.memory_space<semaphore_mem>>)
      %dma_wait3A = arith.constant 0 : i32
      %dma_wait3A_46 = tpu.memref_slice %arg7[%add3A_28, %dma_wait3A] : memref<10240x128xf32, #tpu.memory_space<vmem_shared>> -> memref<128x128xf32, #tpu.memory_space<vmem_shared>>
      %dma_wait3A_47 = arith.constant 0 : i32
      %dma_wait3A_48 = tpu.memref_slice %arg7[%add3A_28, %dma_wait3A_47] : memref<10240x128xf32, #tpu.memory_space<vmem_shared>> -> memref<128x128xf32, #tpu.memory_space<vmem_shared>>
      tpu.wait_dma2 semaphore(%run_scoped3A : memref<!tpu.dma_semaphore, #tpu.memory_space<semaphore_mem>>) src(%dma_wait3A_48 : memref<128x128xf32, #tpu.memory_space<vmem_shared>>) dst(%arg6 : memref<128x128xf32, #tpu.memory_space<vmem>>)
      tpu.yield
    }) : () -> ()
    %add3A_29 = arith.constant 128 : i32
    %add3A_30 = arith.addi %mul3A_2, %add3A_29 : i32
    "tpu.region"() ({
      %run_scoped3A = tpu.sem_alloc : memref<!tpu.dma_semaphore, #tpu.memory_space<semaphore_mem>>
      %dma_start3A = arith.constant 0 : i32
      %dma_start3A_43 = tpu.memref_slice %arg4[%arg0, %add3A_30, %dma_start3A] : memref<2x10240x128xf32, #tpu.memory_space<hbm>> -> memref<1x128x128xf32, #tpu.memory_space<hbm>>
      %dma_start3A_44 = tpu.memref_squeeze %dma_start3A_43 : memref<1x128x128xf32, #tpu.memory_space<hbm>> -> memref<128x128xf32, #tpu.memory_space<hbm>>
      %dma_start3A_45 = arith.constant 0 : i32
      %dma_start3A_46 = tpu.memref_slice %arg4[%arg0, %add3A_30, %dma_start3A_45] : memref<2x10240x128xf32, #tpu.memory_space<hbm>> -> memref<1x128x128xf32, #tpu.memory_space<hbm>>
      %dma_start3A_47 = tpu.memref_squeeze %dma_start3A_46 : memref<1x128x128xf32, #tpu.memory_space<hbm>> -> memref<128x128xf32, #tpu.memory_space<hbm>>
      tpu.enqueue_dma source(%arg6 : memref<128x128xf32, #tpu.memory_space<vmem>>) target(%dma_start3A_47 : memref<128x128xf32, #tpu.memory_space<hbm>>) target_semaphore(%run_scoped3A : memref<!tpu.dma_semaphore, #tpu.memory_space<semaphore_mem>>)
      %dma_wait3A = arith.constant 0 : i32
      %dma_wait3A_48 = tpu.memref_slice %arg4[%arg0, %add3A_30, %dma_wait3A] : memref<2x10240x128xf32, #tpu.memory_space<hbm>> -> memref<1x128x128xf32, #tpu.memory_space<hbm>>
      %dma_wait3A_49 = tpu.memref_squeeze %dma_wait3A_48 : memref<1x128x128xf32, #tpu.memory_space<hbm>> -> memref<128x128xf32, #tpu.memory_space<hbm>>
      %dma_wait3A_50 = arith.constant 0 : i32
      %dma_wait3A_51 = tpu.memref_slice %arg4[%arg0, %add3A_30, %dma_wait3A_50] : memref<2x10240x128xf32, #tpu.memory_space<hbm>> -> memref<1x128x128xf32, #tpu.memory_space<hbm>>
      %dma_wait3A_52 = tpu.memref_squeeze %dma_wait3A_51 : memref<1x128x128xf32, #tpu.memory_space<hbm>> -> memref<128x128xf32, #tpu.memory_space<hbm>>
      tpu.wait_dma2 semaphore(%run_scoped3A : memref<!tpu.dma_semaphore, #tpu.memory_space<semaphore_mem>>) src(%arg6 : memref<128x128xf32, #tpu.memory_space<vmem>>) dst(%dma_wait3A_52 : memref<128x128xf32, #tpu.memory_space<hbm>>)
      tpu.yield
    }) : () -> ()
    %add3A_31 = arith.constant 256 : i32
    %add3A_32 = arith.addi %mul3A_2, %add3A_31 : i32
    "tpu.region"() ({
      %run_scoped3A = tpu.sem_alloc : memref<!tpu.dma_semaphore, #tpu.memory_space<semaphore_mem>>
      %dma_start3A = arith.constant 0 : i32
      %dma_start3A_43 = tpu.memref_slice %arg7[%add3A_32, %dma_start3A] : memref<10240x128xf32, #tpu.memory_space<vmem_shared>> -> memref<128x128xf32, #tpu.memory_space<vmem_shared>>
      %dma_start3A_44 = arith.constant 0 : i32
      %dma_start3A_45 = tpu.memref_slice %arg7[%add3A_32, %dma_start3A_44] : memref<10240x128xf32, #tpu.memory_space<vmem_shared>> -> memref<128x128xf32, #tpu.memory_space<vmem_shared>>
      tpu.enqueue_dma source(%dma_start3A_45 : memref<128x128xf32, #tpu.memory_space<vmem_shared>>) target(%arg6 : memref<128x128xf32, #tpu.memory_space<vmem>>) target_semaphore(%run_scoped3A : memref<!tpu.dma_semaphore, #tpu.memory_space<semaphore_mem>>)
      %dma_wait3A = arith.constant 0 : i32
      %dma_wait3A_46 = tpu.memref_slice %arg7[%add3A_32, %dma_wait3A] : memref<10240x128xf32, #tpu.memory_space<vmem_shared>> -> memref<128x128xf32, #tpu.memory_space<vmem_shared>>
      %dma_wait3A_47 = arith.constant 0 : i32
      %dma_wait3A_48 = tpu.memref_slice %arg7[%add3A_32, %dma_wait3A_47] : memref<10240x128xf32, #tpu.memory_space<vmem_shared>> -> memref<128x128xf32, #tpu.memory_space<vmem_shared>>
      tpu.wait_dma2 semaphore(%run_scoped3A : memref<!tpu.dma_semaphore, #tpu.memory_space<semaphore_mem>>) src(%dma_wait3A_48 : memref<128x128xf32, #tpu.memory_space<vmem_shared>>) dst(%arg6 : memref<128x128xf32, #tpu.memory_space<vmem>>)
      tpu.yield
    }) : () -> ()
    %add3A_33 = arith.constant 256 : i32
    %add3A_34 = arith.addi %mul3A_2, %add3A_33 : i32
    "tpu.region"() ({
      %run_scoped3A = tpu.sem_alloc : memref<!tpu.dma_semaphore, #tpu.memory_space<semaphore_mem>>
      %dma_start3A = arith.constant 0 : i32
      %dma_start3A_43 = tpu.memref_slice %arg4[%arg0, %add3A_34, %dma_start3A] : memref<2x10240x128xf32, #tpu.memory_space<hbm>> -> memref<1x128x128xf32, #tpu.memory_space<hbm>>
      %dma_start3A_44 = tpu.memref_squeeze %dma_start3A_43 : memref<1x128x128xf32, #tpu.memory_space<hbm>> -> memref<128x128xf32, #tpu.memory_space<hbm>>
      %dma_start3A_45 = arith.constant 0 : i32
      %dma_start3A_46 = tpu.memref_slice %arg4[%arg0, %add3A_34, %dma_start3A_45] : memref<2x10240x128xf32, #tpu.memory_space<hbm>> -> memref<1x128x128xf32, #tpu.memory_space<hbm>>
      %dma_start3A_47 = tpu.memref_squeeze %dma_start3A_46 : memref<1x128x128xf32, #tpu.memory_space<hbm>> -> memref<128x128xf32, #tpu.memory_space<hbm>>
      tpu.enqueue_dma source(%arg6 : memref<128x128xf32, #tpu.memory_space<vmem>>) target(%dma_start3A_47 : memref<128x128xf32, #tpu.memory_space<hbm>>) target_semaphore(%run_scoped3A : memref<!tpu.dma_semaphore, #tpu.memory_space<semaphore_mem>>)
      %dma_wait3A = arith.constant 0 : i32
      %dma_wait3A_48 = tpu.memref_slice %arg4[%arg0, %add3A_34, %dma_wait3A] : memref<2x10240x128xf32, #tpu.memory_space<hbm>> -> memref<1x128x128xf32, #tpu.memory_space<hbm>>
      %dma_wait3A_49 = tpu.memref_squeeze %dma_wait3A_48 : memref<1x128x128xf32, #tpu.memory_space<hbm>> -> memref<128x128xf32, #tpu.memory_space<hbm>>
      %dma_wait3A_50 = arith.constant 0 : i32
      %dma_wait3A_51 = tpu.memref_slice %arg4[%arg0, %add3A_34, %dma_wait3A_50] : memref<2x10240x128xf32, #tpu.memory_space<hbm>> -> memref<1x128x128xf32, #tpu.memory_space<hbm>>
      %dma_wait3A_52 = tpu.memref_squeeze %dma_wait3A_51 : memref<1x128x128xf32, #tpu.memory_space<hbm>> -> memref<128x128xf32, #tpu.memory_space<hbm>>
      tpu.wait_dma2 semaphore(%run_scoped3A : memref<!tpu.dma_semaphore, #tpu.memory_space<semaphore_mem>>) src(%arg6 : memref<128x128xf32, #tpu.memory_space<vmem>>) dst(%dma_wait3A_52 : memref<128x128xf32, #tpu.memory_space<hbm>>)
      tpu.yield
    }) : () -> ()
    %add3A_35 = arith.constant 384 : i32
    %add3A_36 = arith.addi %mul3A_2, %add3A_35 : i32
    "tpu.region"() ({
      %run_scoped3A = tpu.sem_alloc : memref<!tpu.dma_semaphore, #tpu.memory_space<semaphore_mem>>
      %dma_start3A = arith.constant 0 : i32
      %dma_start3A_43 = tpu.memref_slice %arg7[%add3A_36, %dma_start3A] : memref<10240x128xf32, #tpu.memory_space<vmem_shared>> -> memref<128x128xf32, #tpu.memory_space<vmem_shared>>
      %dma_start3A_44 = arith.constant 0 : i32
      %dma_start3A_45 = tpu.memref_slice %arg7[%add3A_36, %dma_start3A_44] : memref<10240x128xf32, #tpu.memory_space<vmem_shared>> -> memref<128x128xf32, #tpu.memory_space<vmem_shared>>
      tpu.enqueue_dma source(%dma_start3A_45 : memref<128x128xf32, #tpu.memory_space<vmem_shared>>) target(%arg6 : memref<128x128xf32, #tpu.memory_space<vmem>>) target_semaphore(%run_scoped3A : memref<!tpu.dma_semaphore, #tpu.memory_space<semaphore_mem>>)
      %dma_wait3A = arith.constant 0 : i32
      %dma_wait3A_46 = tpu.memref_slice %arg7[%add3A_36, %dma_wait3A] : memref<10240x128xf32, #tpu.memory_space<vmem_shared>> -> memref<128x128xf32, #tpu.memory_space<vmem_shared>>
      %dma_wait3A_47 = arith.constant 0 : i32
      %dma_wait3A_48 = tpu.memref_slice %arg7[%add3A_36, %dma_wait3A_47] : memref<10240x128xf32, #tpu.memory_space<vmem_shared>> -> memref<128x128xf32, #tpu.memory_space<vmem_shared>>
      tpu.wait_dma2 semaphore(%run_scoped3A : memref<!tpu.dma_semaphore, #tpu.memory_space<semaphore_mem>>) src(%dma_wait3A_48 : memref<128x128xf32, #tpu.memory_space<vmem_shared>>) dst(%arg6 : memref<128x128xf32, #tpu.memory_space<vmem>>)
      tpu.yield
    }) : () -> ()
    %add3A_37 = arith.constant 384 : i32
    %add3A_38 = arith.addi %mul3A_2, %add3A_37 : i32
    "tpu.region"() ({
      %run_scoped3A = tpu.sem_alloc : memref<!tpu.dma_semaphore, #tpu.memory_space<semaphore_mem>>
      %dma_start3A = arith.constant 0 : i32
      %dma_start3A_43 = tpu.memref_slice %arg4[%arg0, %add3A_38, %dma_start3A] : memref<2x10240x128xf32, #tpu.memory_space<hbm>> -> memref<1x128x128xf32, #tpu.memory_space<hbm>>
      %dma_start3A_44 = tpu.memref_squeeze %dma_start3A_43 : memref<1x128x128xf32, #tpu.memory_space<hbm>> -> memref<128x128xf32, #tpu.memory_space<hbm>>
      %dma_start3A_45 = arith.constant 0 : i32
      %dma_start3A_46 = tpu.memref_slice %arg4[%arg0, %add3A_38, %dma_start3A_45] : memref<2x10240x128xf32, #tpu.memory_space<hbm>> -> memref<1x128x128xf32, #tpu.memory_space<hbm>>
      %dma_start3A_47 = tpu.memref_squeeze %dma_start3A_46 : memref<1x128x128xf32, #tpu.memory_space<hbm>> -> memref<128x128xf32, #tpu.memory_space<hbm>>
      tpu.enqueue_dma source(%arg6 : memref<128x128xf32, #tpu.memory_space<vmem>>) target(%dma_start3A_47 : memref<128x128xf32, #tpu.memory_space<hbm>>) target_semaphore(%run_scoped3A : memref<!tpu.dma_semaphore, #tpu.memory_space<semaphore_mem>>)
      %dma_wait3A = arith.constant 0 : i32
      %dma_wait3A_48 = tpu.memref_slice %arg4[%arg0, %add3A_38, %dma_wait3A] : memref<2x10240x128xf32, #tpu.memory_space<hbm>> -> memref<1x128x128xf32, #tpu.memory_space<hbm>>
      %dma_wait3A_49 = tpu.memref_squeeze %dma_wait3A_48 : memref<1x128x128xf32, #tpu.memory_space<hbm>> -> memref<128x128xf32, #tpu.memory_space<hbm>>
      %dma_wait3A_50 = arith.constant 0 : i32
      %dma_wait3A_51 = tpu.memref_slice %arg4[%arg0, %add3A_38, %dma_wait3A_50] : memref<2x10240x128xf32, #tpu.memory_space<hbm>> -> memref<1x128x128xf32, #tpu.memory_space<hbm>>
      %dma_wait3A_52 = tpu.memref_squeeze %dma_wait3A_51 : memref<1x128x128xf32, #tpu.memory_space<hbm>> -> memref<128x128xf32, #tpu.memory_space<hbm>>
      tpu.wait_dma2 semaphore(%run_scoped3A : memref<!tpu.dma_semaphore, #tpu.memory_space<semaphore_mem>>) src(%arg6 : memref<128x128xf32, #tpu.memory_space<vmem>>) dst(%dma_wait3A_52 : memref<128x128xf32, #tpu.memory_space<hbm>>)
      tpu.yield
    }) : () -> ()
    %add3A_39 = arith.constant 512 : i32
    %add3A_40 = arith.addi %mul3A_2, %add3A_39 : i32
    "tpu.region"() ({
      %run_scoped3A = tpu.sem_alloc : memref<!tpu.dma_semaphore, #tpu.memory_space<semaphore_mem>>
      %dma_start3A = arith.constant 0 : i32
      %dma_start3A_43 = tpu.memref_slice %arg7[%add3A_40, %dma_start3A] : memref<10240x128xf32, #tpu.memory_space<vmem_shared>> -> memref<128x128xf32, #tpu.memory_space<vmem_shared>>
      %dma_start3A_44 = arith.constant 0 : i32
      %dma_start3A_45 = tpu.memref_slice %arg7[%add3A_40, %dma_start3A_44] : memref<10240x128xf32, #tpu.memory_space<vmem_shared>> -> memref<128x128xf32, #tpu.memory_space<vmem_shared>>
      tpu.enqueue_dma source(%dma_start3A_45 : memref<128x128xf32, #tpu.memory_space<vmem_shared>>) target(%arg6 : memref<128x128xf32, #tpu.memory_space<vmem>>) target_semaphore(%run_scoped3A : memref<!tpu.dma_semaphore, #tpu.memory_space<semaphore_mem>>)
      %dma_wait3A = arith.constant 0 : i32
      %dma_wait3A_46 = tpu.memref_slice %arg7[%add3A_40, %dma_wait3A] : memref<10240x128xf32, #tpu.memory_space<vmem_shared>> -> memref<128x128xf32, #tpu.memory_space<vmem_shared>>
      %dma_wait3A_47 = arith.constant 0 : i32
      %dma_wait3A_48 = tpu.memref_slice %arg7[%add3A_40, %dma_wait3A_47] : memref<10240x128xf32, #tpu.memory_space<vmem_shared>> -> memref<128x128xf32, #tpu.memory_space<vmem_shared>>
      tpu.wait_dma2 semaphore(%run_scoped3A : memref<!tpu.dma_semaphore, #tpu.memory_space<semaphore_mem>>) src(%dma_wait3A_48 : memref<128x128xf32, #tpu.memory_space<vmem_shared>>) dst(%arg6 : memref<128x128xf32, #tpu.memory_space<vmem>>)
      tpu.yield
    }) : () -> ()
    %add3A_41 = arith.constant 512 : i32
    %add3A_42 = arith.addi %mul3A_2, %add3A_41 : i32
    "tpu.region"() ({
      %run_scoped3A = tpu.sem_alloc : memref<!tpu.dma_semaphore, #tpu.memory_space<semaphore_mem>>
      %dma_start3A = arith.constant 0 : i32
      %dma_start3A_43 = tpu.memref_slice %arg4[%arg0, %add3A_42, %dma_start3A] : memref<2x10240x128xf32, #tpu.memory_space<hbm>> -> memref<1x128x128xf32, #tpu.memory_space<hbm>>
      %dma_start3A_44 = tpu.memref_squeeze %dma_start3A_43 : memref<1x128x128xf32, #tpu.memory_space<hbm>> -> memref<128x128xf32, #tpu.memory_space<hbm>>
      %dma_start3A_45 = arith.constant 0 : i32
      %dma_start3A_46 = tpu.memref_slice %arg4[%arg0, %add3A_42, %dma_start3A_45] : memref<2x10240x128xf32, #tpu.memory_space<hbm>> -> memref<1x128x128xf32, #tpu.memory_space<hbm>>
      %dma_start3A_47 = tpu.memref_squeeze %dma_start3A_46 : memref<1x128x128xf32, #tpu.memory_space<hbm>> -> memref<128x128xf32, #tpu.memory_space<hbm>>
      tpu.enqueue_dma source(%arg6 : memref<128x128xf32, #tpu.memory_space<vmem>>) target(%dma_start3A_47 : memref<128x128xf32, #tpu.memory_space<hbm>>) target_semaphore(%run_scoped3A : memref<!tpu.dma_semaphore, #tpu.memory_space<semaphore_mem>>)
      %dma_wait3A = arith.constant 0 : i32
      %dma_wait3A_48 = tpu.memref_slice %arg4[%arg0, %add3A_42, %dma_wait3A] : memref<2x10240x128xf32, #tpu.memory_space<hbm>> -> memref<1x128x128xf32, #tpu.memory_space<hbm>>
      %dma_wait3A_49 = tpu.memref_squeeze %dma_wait3A_48 : memref<1x128x128xf32, #tpu.memory_space<hbm>> -> memref<128x128xf32, #tpu.memory_space<hbm>>
      %dma_wait3A_50 = arith.constant 0 : i32
      %dma_wait3A_51 = tpu.memref_slice %arg4[%arg0, %add3A_42, %dma_wait3A_50] : memref<2x10240x128xf32, #tpu.memory_space<hbm>> -> memref<1x128x128xf32, #tpu.memory_space<hbm>>
      %dma_wait3A_52 = tpu.memref_squeeze %dma_wait3A_51 : memref<1x128x128xf32, #tpu.memory_space<hbm>> -> memref<128x128xf32, #tpu.memory_space<hbm>>
      tpu.wait_dma2 semaphore(%run_scoped3A : memref<!tpu.dma_semaphore, #tpu.memory_space<semaphore_mem>>) src(%arg6 : memref<128x128xf32, #tpu.memory_space<vmem>>) dst(%dma_wait3A_52 : memref<128x128xf32, #tpu.memory_space<hbm>>)
      tpu.yield
    }) : () -> ()
    return
  }
}

#map = affine_map<(d0, d1) -> (0, 0, 0)>
module attributes {stable_mosaic.version = 14 : i64} {
  func.func @_deg_body(%arg0: i32, %arg1: i32, %arg2: memref<2560x2x128xi32, #tpu.memory_space<hbm>>, %arg3: memref<2x10240x128xf32, #tpu.memory_space<hbm>>, %arg4: memref<128xi32, #tpu.memory_space<vmem>>, %arg5: memref<128x128xf32, #tpu.memory_space<vmem>>, %arg6: memref<10240x128xf32, #tpu.memory_space<vmem_shared>>, %arg7: memref<!tpu.dma_semaphore, #tpu.memory_space<semaphore_mem>>) attributes {dimension_semantics = [#tpu.dimension_semantics<core_parallel>, #tpu.dimension_semantics<subcore_parallel>], iteration_bounds = array<i64: 2, 16>, scalar_prefetch = 0 : i64, scratch_operands = 4 : i64, tpu.core_type = #tpu.core_type<sc_vector_subcore>, window_params = [{transform_indices = #map}, {transform_indices = #map}]} {
    %mul3A = arith.constant 2 : i32
    %mul3A_0 = arith.muli %arg1, %mul3A : i32
    %add3A = arith.addi %mul3A_0, %arg0 : i32
    %mul3A_1 = arith.constant 640 : i32
    %mul3A_2 = arith.muli %arg1, %mul3A_1 : i32
    %scan3A = arith.constant 0 : i32
    %scan3A_3 = arith.constant 128 : i32
    %scan3A_4 = arith.addi %scan3A, %scan3A_3 : i32
    %scan3A_5 = arith.constant 1 : i32
    scf.for %scan3A_48 = %scan3A to %scan3A_4 step %scan3A_5  : i32 {
      %mul3A_49 = arith.constant 1 : i32
      %mul3A_50 = arith.muli %scan3A_48, %mul3A_49 : i32
      %add3A_51 = arith.constant 0 : i32
      %add3A_52 = arith.addi %add3A_51, %mul3A_50 : i32
      %broadcast_in_dim3A = arith.constant 0.000000e+00 : f32
      %broadcast_in_dim3A_53 = vector.broadcast %broadcast_in_dim3A : f32 to vector<16xf32>
      %swap3A = arith.index_cast %add3A_52 : i32 to index
      %swap3A_54 = arith.constant 0 : index
      %swap3A_55 = tpu.vector_load %arg5[%swap3A, %swap3A_54] {strides = array<i32>} : memref<128x128xf32, #tpu.memory_space<vmem>>, vector<1x16xf32>,
      %swap3A_56 = vector.shape_cast %swap3A_55 : vector<1x16xf32> to vector<16xf32>
      %swap3A_57 = vector.shape_cast %broadcast_in_dim3A_53 : vector<16xf32> to vector<1x16xf32>
      tpu.vector_store %arg5[%swap3A, %swap3A_54], %swap3A_57 {strides = array<i32>} : memref<128x128xf32, #tpu.memory_space<vmem>>, vector<1x16xf32>,
      %broadcast_in_dim3A_58 = arith.constant 0.000000e+00 : f32
      %broadcast_in_dim3A_59 = vector.broadcast %broadcast_in_dim3A_58 : f32 to vector<16xf32>
      %swap3A_60 = arith.index_cast %add3A_52 : i32 to index
      %swap3A_61 = arith.constant 16 : index
      %swap3A_62 = tpu.vector_load %arg5[%swap3A_60, %swap3A_61] {strides = array<i32>} : memref<128x128xf32, #tpu.memory_space<vmem>>, vector<1x16xf32>,
      %swap3A_63 = vector.shape_cast %swap3A_62 : vector<1x16xf32> to vector<16xf32>
      %swap3A_64 = vector.shape_cast %broadcast_in_dim3A_59 : vector<16xf32> to vector<1x16xf32>
      tpu.vector_store %arg5[%swap3A_60, %swap3A_61], %swap3A_64 {strides = array<i32>} : memref<128x128xf32, #tpu.memory_space<vmem>>, vector<1x16xf32>,
      %broadcast_in_dim3A_65 = arith.constant 0.000000e+00 : f32
      %broadcast_in_dim3A_66 = vector.broadcast %broadcast_in_dim3A_65 : f32 to vector<16xf32>
      %swap3A_67 = arith.index_cast %add3A_52 : i32 to index
      %swap3A_68 = arith.constant 32 : index
      %swap3A_69 = tpu.vector_load %arg5[%swap3A_67, %swap3A_68] {strides = array<i32>} : memref<128x128xf32, #tpu.memory_space<vmem>>, vector<1x16xf32>,
      %swap3A_70 = vector.shape_cast %swap3A_69 : vector<1x16xf32> to vector<16xf32>
      %swap3A_71 = vector.shape_cast %broadcast_in_dim3A_66 : vector<16xf32> to vector<1x16xf32>
      tpu.vector_store %arg5[%swap3A_67, %swap3A_68], %swap3A_71 {strides = array<i32>} : memref<128x128xf32, #tpu.memory_space<vmem>>, vector<1x16xf32>,
      %broadcast_in_dim3A_72 = arith.constant 0.000000e+00 : f32
      %broadcast_in_dim3A_73 = vector.broadcast %broadcast_in_dim3A_72 : f32 to vector<16xf32>
      %swap3A_74 = arith.index_cast %add3A_52 : i32 to index
      %swap3A_75 = arith.constant 48 : index
      %swap3A_76 = tpu.vector_load %arg5[%swap3A_74, %swap3A_75] {strides = array<i32>} : memref<128x128xf32, #tpu.memory_space<vmem>>, vector<1x16xf32>,
      %swap3A_77 = vector.shape_cast %swap3A_76 : vector<1x16xf32> to vector<16xf32>
      %swap3A_78 = vector.shape_cast %broadcast_in_dim3A_73 : vector<16xf32> to vector<1x16xf32>
      tpu.vector_store %arg5[%swap3A_74, %swap3A_75], %swap3A_78 {strides = array<i32>} : memref<128x128xf32, #tpu.memory_space<vmem>>, vector<1x16xf32>,
      %broadcast_in_dim3A_79 = arith.constant 0.000000e+00 : f32
      %broadcast_in_dim3A_80 = vector.broadcast %broadcast_in_dim3A_79 : f32 to vector<16xf32>
      %swap3A_81 = arith.index_cast %add3A_52 : i32 to index
      %swap3A_82 = arith.constant 64 : index
      %swap3A_83 = tpu.vector_load %arg5[%swap3A_81, %swap3A_82] {strides = array<i32>} : memref<128x128xf32, #tpu.memory_space<vmem>>, vector<1x16xf32>,
      %swap3A_84 = vector.shape_cast %swap3A_83 : vector<1x16xf32> to vector<16xf32>
      %swap3A_85 = vector.shape_cast %broadcast_in_dim3A_80 : vector<16xf32> to vector<1x16xf32>
      tpu.vector_store %arg5[%swap3A_81, %swap3A_82], %swap3A_85 {strides = array<i32>} : memref<128x128xf32, #tpu.memory_space<vmem>>, vector<1x16xf32>,
      %broadcast_in_dim3A_86 = arith.constant 0.000000e+00 : f32
      %broadcast_in_dim3A_87 = vector.broadcast %broadcast_in_dim3A_86 : f32 to vector<16xf32>
      %swap3A_88 = arith.index_cast %add3A_52 : i32 to index
      %swap3A_89 = arith.constant 80 : index
      %swap3A_90 = tpu.vector_load %arg5[%swap3A_88, %swap3A_89] {strides = array<i32>} : memref<128x128xf32, #tpu.memory_space<vmem>>, vector<1x16xf32>,
      %swap3A_91 = vector.shape_cast %swap3A_90 : vector<1x16xf32> to vector<16xf32>
      %swap3A_92 = vector.shape_cast %broadcast_in_dim3A_87 : vector<16xf32> to vector<1x16xf32>
      tpu.vector_store %arg5[%swap3A_88, %swap3A_89], %swap3A_92 {strides = array<i32>} : memref<128x128xf32, #tpu.memory_space<vmem>>, vector<1x16xf32>,
      %broadcast_in_dim3A_93 = arith.constant 0.000000e+00 : f32
      %broadcast_in_dim3A_94 = vector.broadcast %broadcast_in_dim3A_93 : f32 to vector<16xf32>
      %swap3A_95 = arith.index_cast %add3A_52 : i32 to index
      %swap3A_96 = arith.constant 96 : index
      %swap3A_97 = tpu.vector_load %arg5[%swap3A_95, %swap3A_96] {strides = array<i32>} : memref<128x128xf32, #tpu.memory_space<vmem>>, vector<1x16xf32>,
      %swap3A_98 = vector.shape_cast %swap3A_97 : vector<1x16xf32> to vector<16xf32>
      %swap3A_99 = vector.shape_cast %broadcast_in_dim3A_94 : vector<16xf32> to vector<1x16xf32>
      tpu.vector_store %arg5[%swap3A_95, %swap3A_96], %swap3A_99 {strides = array<i32>} : memref<128x128xf32, #tpu.memory_space<vmem>>, vector<1x16xf32>,
      %broadcast_in_dim3A_100 = arith.constant 0.000000e+00 : f32
      %broadcast_in_dim3A_101 = vector.broadcast %broadcast_in_dim3A_100 : f32 to vector<16xf32>
      %swap3A_102 = arith.index_cast %add3A_52 : i32 to index
      %swap3A_103 = arith.constant 112 : index
      %swap3A_104 = tpu.vector_load %arg5[%swap3A_102, %swap3A_103] {strides = array<i32>} : memref<128x128xf32, #tpu.memory_space<vmem>>, vector<1x16xf32>,
      %swap3A_105 = vector.shape_cast %swap3A_104 : vector<1x16xf32> to vector<16xf32>
      %swap3A_106 = vector.shape_cast %broadcast_in_dim3A_101 : vector<16xf32> to vector<1x16xf32>
      tpu.vector_store %arg5[%swap3A_102, %swap3A_103], %swap3A_106 {strides = array<i32>} : memref<128x128xf32, #tpu.memory_space<vmem>>, vector<1x16xf32>,
    }
    %scan3A_6 = arith.constant 128 : i32
    %add3A_7 = arith.constant 0 : i32
    %add3A_8 = arith.addi %mul3A_2, %add3A_7 : i32
    "tpu.region"() ({
      %run_scoped3A = tpu.sem_alloc : memref<!tpu.dma_semaphore, #tpu.memory_space<semaphore_mem>>
      %dma_start3A = arith.constant 0 : i32
      %dma_start3A_48 = tpu.memref_slice %arg6[%add3A_8, %dma_start3A] : memref<10240x128xf32, #tpu.memory_space<vmem_shared>> -> memref<128x128xf32, #tpu.memory_space<vmem_shared>>
      %dma_start3A_49 = arith.constant 0 : i32
      %dma_start3A_50 = tpu.memref_slice %arg6[%add3A_8, %dma_start3A_49] : memref<10240x128xf32, #tpu.memory_space<vmem_shared>> -> memref<128x128xf32, #tpu.memory_space<vmem_shared>>
      tpu.enqueue_dma source(%arg5 : memref<128x128xf32, #tpu.memory_space<vmem>>) target(%dma_start3A_50 : memref<128x128xf32, #tpu.memory_space<vmem_shared>>) target_semaphore(%run_scoped3A : memref<!tpu.dma_semaphore, #tpu.memory_space<semaphore_mem>>)
      %dma_wait3A = arith.constant 0 : i32
      %dma_wait3A_51 = tpu.memref_slice %arg6[%add3A_8, %dma_wait3A] : memref<10240x128xf32, #tpu.memory_space<vmem_shared>> -> memref<128x128xf32, #tpu.memory_space<vmem_shared>>
      %dma_wait3A_52 = arith.constant 0 : i32
      %dma_wait3A_53 = tpu.memref_slice %arg6[%add3A_8, %dma_wait3A_52] : memref<10240x128xf32, #tpu.memory_space<vmem_shared>> -> memref<128x128xf32, #tpu.memory_space<vmem_shared>>
      tpu.wait_dma2 semaphore(%run_scoped3A : memref<!tpu.dma_semaphore, #tpu.memory_space<semaphore_mem>>) src(%arg5 : memref<128x128xf32, #tpu.memory_space<vmem>>) dst(%dma_wait3A_53 : memref<128x128xf32, #tpu.memory_space<vmem_shared>>)
      tpu.yield
    }) : () -> ()
    %add3A_9 = arith.constant 128 : i32
    %add3A_10 = arith.addi %mul3A_2, %add3A_9 : i32
    "tpu.region"() ({
      %run_scoped3A = tpu.sem_alloc : memref<!tpu.dma_semaphore, #tpu.memory_space<semaphore_mem>>
      %dma_start3A = arith.constant 0 : i32
      %dma_start3A_48 = tpu.memref_slice %arg6[%add3A_10, %dma_start3A] : memref<10240x128xf32, #tpu.memory_space<vmem_shared>> -> memref<128x128xf32, #tpu.memory_space<vmem_shared>>
      %dma_start3A_49 = arith.constant 0 : i32
      %dma_start3A_50 = tpu.memref_slice %arg6[%add3A_10, %dma_start3A_49] : memref<10240x128xf32, #tpu.memory_space<vmem_shared>> -> memref<128x128xf32, #tpu.memory_space<vmem_shared>>
      tpu.enqueue_dma source(%arg5 : memref<128x128xf32, #tpu.memory_space<vmem>>) target(%dma_start3A_50 : memref<128x128xf32, #tpu.memory_space<vmem_shared>>) target_semaphore(%run_scoped3A : memref<!tpu.dma_semaphore, #tpu.memory_space<semaphore_mem>>)
      %dma_wait3A = arith.constant 0 : i32
      %dma_wait3A_51 = tpu.memref_slice %arg6[%add3A_10, %dma_wait3A] : memref<10240x128xf32, #tpu.memory_space<vmem_shared>> -> memref<128x128xf32, #tpu.memory_space<vmem_shared>>
      %dma_wait3A_52 = arith.constant 0 : i32
      %dma_wait3A_53 = tpu.memref_slice %arg6[%add3A_10, %dma_wait3A_52] : memref<10240x128xf32, #tpu.memory_space<vmem_shared>> -> memref<128x128xf32, #tpu.memory_space<vmem_shared>>
      tpu.wait_dma2 semaphore(%run_scoped3A : memref<!tpu.dma_semaphore, #tpu.memory_space<semaphore_mem>>) src(%arg5 : memref<128x128xf32, #tpu.memory_space<vmem>>) dst(%dma_wait3A_53 : memref<128x128xf32, #tpu.memory_space<vmem_shared>>)
      tpu.yield
    }) : () -> ()
    %add3A_11 = arith.constant 256 : i32
    %add3A_12 = arith.addi %mul3A_2, %add3A_11 : i32
    "tpu.region"() ({
      %run_scoped3A = tpu.sem_alloc : memref<!tpu.dma_semaphore, #tpu.memory_space<semaphore_mem>>
      %dma_start3A = arith.constant 0 : i32
      %dma_start3A_48 = tpu.memref_slice %arg6[%add3A_12, %dma_start3A] : memref<10240x128xf32, #tpu.memory_space<vmem_shared>> -> memref<128x128xf32, #tpu.memory_space<vmem_shared>>
      %dma_start3A_49 = arith.constant 0 : i32
      %dma_start3A_50 = tpu.memref_slice %arg6[%add3A_12, %dma_start3A_49] : memref<10240x128xf32, #tpu.memory_space<vmem_shared>> -> memref<128x128xf32, #tpu.memory_space<vmem_shared>>
      tpu.enqueue_dma source(%arg5 : memref<128x128xf32, #tpu.memory_space<vmem>>) target(%dma_start3A_50 : memref<128x128xf32, #tpu.memory_space<vmem_shared>>) target_semaphore(%run_scoped3A : memref<!tpu.dma_semaphore, #tpu.memory_space<semaphore_mem>>)
      %dma_wait3A = arith.constant 0 : i32
      %dma_wait3A_51 = tpu.memref_slice %arg6[%add3A_12, %dma_wait3A] : memref<10240x128xf32, #tpu.memory_space<vmem_shared>> -> memref<128x128xf32, #tpu.memory_space<vmem_shared>>
      %dma_wait3A_52 = arith.constant 0 : i32
      %dma_wait3A_53 = tpu.memref_slice %arg6[%add3A_12, %dma_wait3A_52] : memref<10240x128xf32, #tpu.memory_space<vmem_shared>> -> memref<128x128xf32, #tpu.memory_space<vmem_shared>>
      tpu.wait_dma2 semaphore(%run_scoped3A : memref<!tpu.dma_semaphore, #tpu.memory_space<semaphore_mem>>) src(%arg5 : memref<128x128xf32, #tpu.memory_space<vmem>>) dst(%dma_wait3A_53 : memref<128x128xf32, #tpu.memory_space<vmem_shared>>)
      tpu.yield
    }) : () -> ()
    %add3A_13 = arith.constant 384 : i32
    %add3A_14 = arith.addi %mul3A_2, %add3A_13 : i32
    "tpu.region"() ({
      %run_scoped3A = tpu.sem_alloc : memref<!tpu.dma_semaphore, #tpu.memory_space<semaphore_mem>>
      %dma_start3A = arith.constant 0 : i32
      %dma_start3A_48 = tpu.memref_slice %arg6[%add3A_14, %dma_start3A] : memref<10240x128xf32, #tpu.memory_space<vmem_shared>> -> memref<128x128xf32, #tpu.memory_space<vmem_shared>>
      %dma_start3A_49 = arith.constant 0 : i32
      %dma_start3A_50 = tpu.memref_slice %arg6[%add3A_14, %dma_start3A_49] : memref<10240x128xf32, #tpu.memory_space<vmem_shared>> -> memref<128x128xf32, #tpu.memory_space<vmem_shared>>
      tpu.enqueue_dma source(%arg5 : memref<128x128xf32, #tpu.memory_space<vmem>>) target(%dma_start3A_50 : memref<128x128xf32, #tpu.memory_space<vmem_shared>>) target_semaphore(%run_scoped3A : memref<!tpu.dma_semaphore, #tpu.memory_space<semaphore_mem>>)
      %dma_wait3A = arith.constant 0 : i32
      %dma_wait3A_51 = tpu.memref_slice %arg6[%add3A_14, %dma_wait3A] : memref<10240x128xf32, #tpu.memory_space<vmem_shared>> -> memref<128x128xf32, #tpu.memory_space<vmem_shared>>
      %dma_wait3A_52 = arith.constant 0 : i32
      %dma_wait3A_53 = tpu.memref_slice %arg6[%add3A_14, %dma_wait3A_52] : memref<10240x128xf32, #tpu.memory_space<vmem_shared>> -> memref<128x128xf32, #tpu.memory_space<vmem_shared>>
      tpu.wait_dma2 semaphore(%run_scoped3A : memref<!tpu.dma_semaphore, #tpu.memory_space<semaphore_mem>>) src(%arg5 : memref<128x128xf32, #tpu.memory_space<vmem>>) dst(%dma_wait3A_53 : memref<128x128xf32, #tpu.memory_space<vmem_shared>>)
      tpu.yield
    }) : () -> ()
    %add3A_15 = arith.constant 512 : i32
    %add3A_16 = arith.addi %mul3A_2, %add3A_15 : i32
    "tpu.region"() ({
      %run_scoped3A = tpu.sem_alloc : memref<!tpu.dma_semaphore, #tpu.memory_space<semaphore_mem>>
      %dma_start3A = arith.constant 0 : i32
      %dma_start3A_48 = tpu.memref_slice %arg6[%add3A_16, %dma_start3A] : memref<10240x128xf32, #tpu.memory_space<vmem_shared>> -> memref<128x128xf32, #tpu.memory_space<vmem_shared>>
      %dma_start3A_49 = arith.constant 0 : i32
      %dma_start3A_50 = tpu.memref_slice %arg6[%add3A_16, %dma_start3A_49] : memref<10240x128xf32, #tpu.memory_space<vmem_shared>> -> memref<128x128xf32, #tpu.memory_space<vmem_shared>>
      tpu.enqueue_dma source(%arg5 : memref<128x128xf32, #tpu.memory_space<vmem>>) target(%dma_start3A_50 : memref<128x128xf32, #tpu.memory_space<vmem_shared>>) target_semaphore(%run_scoped3A : memref<!tpu.dma_semaphore, #tpu.memory_space<semaphore_mem>>)
      %dma_wait3A = arith.constant 0 : i32
      %dma_wait3A_51 = tpu.memref_slice %arg6[%add3A_16, %dma_wait3A] : memref<10240x128xf32, #tpu.memory_space<vmem_shared>> -> memref<128x128xf32, #tpu.memory_space<vmem_shared>>
      %dma_wait3A_52 = arith.constant 0 : i32
      %dma_wait3A_53 = tpu.memref_slice %arg6[%add3A_16, %dma_wait3A_52] : memref<10240x128xf32, #tpu.memory_space<vmem_shared>> -> memref<128x128xf32, #tpu.memory_space<vmem_shared>>
      tpu.wait_dma2 semaphore(%run_scoped3A : memref<!tpu.dma_semaphore, #tpu.memory_space<semaphore_mem>>) src(%arg5 : memref<128x128xf32, #tpu.memory_space<vmem>>) dst(%dma_wait3A_53 : memref<128x128xf32, #tpu.memory_space<vmem_shared>>)
      tpu.yield
    }) : () -> ()
    %scan3A_17 = arith.constant 0 : i32
    %scan3A_18 = arith.constant 128 : i32
    %scan3A_19 = arith.addi %scan3A_17, %scan3A_18 : i32
    %scan3A_20 = arith.constant 1 : i32
    scf.for %scan3A_48 = %scan3A_17 to %scan3A_19 step %scan3A_20  : i32 {
      %mul3A_49 = arith.constant 1 : i32
      %mul3A_50 = arith.muli %scan3A_48, %mul3A_49 : i32
      %add3A_51 = arith.constant 0 : i32
      %add3A_52 = arith.addi %add3A_51, %mul3A_50 : i32
      %broadcast_in_dim3A = arith.constant 1.000000e+00 : f32
      %broadcast_in_dim3A_53 = vector.broadcast %broadcast_in_dim3A : f32 to vector<16xf32>
      %swap3A = arith.index_cast %add3A_52 : i32 to index
      %swap3A_54 = arith.constant 0 : index
      %swap3A_55 = tpu.vector_load %arg5[%swap3A, %swap3A_54] {strides = array<i32>} : memref<128x128xf32, #tpu.memory_space<vmem>>, vector<1x16xf32>,
      %swap3A_56 = vector.shape_cast %swap3A_55 : vector<1x16xf32> to vector<16xf32>
      %swap3A_57 = vector.shape_cast %broadcast_in_dim3A_53 : vector<16xf32> to vector<1x16xf32>
      tpu.vector_store %arg5[%swap3A, %swap3A_54], %swap3A_57 {strides = array<i32>} : memref<128x128xf32, #tpu.memory_space<vmem>>, vector<1x16xf32>,
      %broadcast_in_dim3A_58 = arith.constant 1.000000e+00 : f32
      %broadcast_in_dim3A_59 = vector.broadcast %broadcast_in_dim3A_58 : f32 to vector<16xf32>
      %swap3A_60 = arith.index_cast %add3A_52 : i32 to index
      %swap3A_61 = arith.constant 16 : index
      %swap3A_62 = tpu.vector_load %arg5[%swap3A_60, %swap3A_61] {strides = array<i32>} : memref<128x128xf32, #tpu.memory_space<vmem>>, vector<1x16xf32>,
      %swap3A_63 = vector.shape_cast %swap3A_62 : vector<1x16xf32> to vector<16xf32>
      %swap3A_64 = vector.shape_cast %broadcast_in_dim3A_59 : vector<16xf32> to vector<1x16xf32>
      tpu.vector_store %arg5[%swap3A_60, %swap3A_61], %swap3A_64 {strides = array<i32>} : memref<128x128xf32, #tpu.memory_space<vmem>>, vector<1x16xf32>,
      %broadcast_in_dim3A_65 = arith.constant 1.000000e+00 : f32
      %broadcast_in_dim3A_66 = vector.broadcast %broadcast_in_dim3A_65 : f32 to vector<16xf32>
      %swap3A_67 = arith.index_cast %add3A_52 : i32 to index
      %swap3A_68 = arith.constant 32 : index
      %swap3A_69 = tpu.vector_load %arg5[%swap3A_67, %swap3A_68] {strides = array<i32>} : memref<128x128xf32, #tpu.memory_space<vmem>>, vector<1x16xf32>,
      %swap3A_70 = vector.shape_cast %swap3A_69 : vector<1x16xf32> to vector<16xf32>
      %swap3A_71 = vector.shape_cast %broadcast_in_dim3A_66 : vector<16xf32> to vector<1x16xf32>
      tpu.vector_store %arg5[%swap3A_67, %swap3A_68], %swap3A_71 {strides = array<i32>} : memref<128x128xf32, #tpu.memory_space<vmem>>, vector<1x16xf32>,
      %broadcast_in_dim3A_72 = arith.constant 1.000000e+00 : f32
      %broadcast_in_dim3A_73 = vector.broadcast %broadcast_in_dim3A_72 : f32 to vector<16xf32>
      %swap3A_74 = arith.index_cast %add3A_52 : i32 to index
      %swap3A_75 = arith.constant 48 : index
      %swap3A_76 = tpu.vector_load %arg5[%swap3A_74, %swap3A_75] {strides = array<i32>} : memref<128x128xf32, #tpu.memory_space<vmem>>, vector<1x16xf32>,
      %swap3A_77 = vector.shape_cast %swap3A_76 : vector<1x16xf32> to vector<16xf32>
      %swap3A_78 = vector.shape_cast %broadcast_in_dim3A_73 : vector<16xf32> to vector<1x16xf32>
      tpu.vector_store %arg5[%swap3A_74, %swap3A_75], %swap3A_78 {strides = array<i32>} : memref<128x128xf32, #tpu.memory_space<vmem>>, vector<1x16xf32>,
      %broadcast_in_dim3A_79 = arith.constant 1.000000e+00 : f32
      %broadcast_in_dim3A_80 = vector.broadcast %broadcast_in_dim3A_79 : f32 to vector<16xf32>
      %swap3A_81 = arith.index_cast %add3A_52 : i32 to index
      %swap3A_82 = arith.constant 64 : index
      %swap3A_83 = tpu.vector_load %arg5[%swap3A_81, %swap3A_82] {strides = array<i32>} : memref<128x128xf32, #tpu.memory_space<vmem>>, vector<1x16xf32>,
      %swap3A_84 = vector.shape_cast %swap3A_83 : vector<1x16xf32> to vector<16xf32>
      %swap3A_85 = vector.shape_cast %broadcast_in_dim3A_80 : vector<16xf32> to vector<1x16xf32>
      tpu.vector_store %arg5[%swap3A_81, %swap3A_82], %swap3A_85 {strides = array<i32>} : memref<128x128xf32, #tpu.memory_space<vmem>>, vector<1x16xf32>,
      %broadcast_in_dim3A_86 = arith.constant 1.000000e+00 : f32
      %broadcast_in_dim3A_87 = vector.broadcast %broadcast_in_dim3A_86 : f32 to vector<16xf32>
      %swap3A_88 = arith.index_cast %add3A_52 : i32 to index
      %swap3A_89 = arith.constant 80 : index
      %swap3A_90 = tpu.vector_load %arg5[%swap3A_88, %swap3A_89] {strides = array<i32>} : memref<128x128xf32, #tpu.memory_space<vmem>>, vector<1x16xf32>,
      %swap3A_91 = vector.shape_cast %swap3A_90 : vector<1x16xf32> to vector<16xf32>
      %swap3A_92 = vector.shape_cast %broadcast_in_dim3A_87 : vector<16xf32> to vector<1x16xf32>
      tpu.vector_store %arg5[%swap3A_88, %swap3A_89], %swap3A_92 {strides = array<i32>} : memref<128x128xf32, #tpu.memory_space<vmem>>, vector<1x16xf32>,
      %broadcast_in_dim3A_93 = arith.constant 1.000000e+00 : f32
      %broadcast_in_dim3A_94 = vector.broadcast %broadcast_in_dim3A_93 : f32 to vector<16xf32>
      %swap3A_95 = arith.index_cast %add3A_52 : i32 to index
      %swap3A_96 = arith.constant 96 : index
      %swap3A_97 = tpu.vector_load %arg5[%swap3A_95, %swap3A_96] {strides = array<i32>} : memref<128x128xf32, #tpu.memory_space<vmem>>, vector<1x16xf32>,
      %swap3A_98 = vector.shape_cast %swap3A_97 : vector<1x16xf32> to vector<16xf32>
      %swap3A_99 = vector.shape_cast %broadcast_in_dim3A_94 : vector<16xf32> to vector<1x16xf32>
      tpu.vector_store %arg5[%swap3A_95, %swap3A_96], %swap3A_99 {strides = array<i32>} : memref<128x128xf32, #tpu.memory_space<vmem>>, vector<1x16xf32>,
      %broadcast_in_dim3A_100 = arith.constant 1.000000e+00 : f32
      %broadcast_in_dim3A_101 = vector.broadcast %broadcast_in_dim3A_100 : f32 to vector<16xf32>
      %swap3A_102 = arith.index_cast %add3A_52 : i32 to index
      %swap3A_103 = arith.constant 112 : index
      %swap3A_104 = tpu.vector_load %arg5[%swap3A_102, %swap3A_103] {strides = array<i32>} : memref<128x128xf32, #tpu.memory_space<vmem>>, vector<1x16xf32>,
      %swap3A_105 = vector.shape_cast %swap3A_104 : vector<1x16xf32> to vector<16xf32>
      %swap3A_106 = vector.shape_cast %broadcast_in_dim3A_101 : vector<16xf32> to vector<1x16xf32>
      tpu.vector_store %arg5[%swap3A_102, %swap3A_103], %swap3A_106 {strides = array<i32>} : memref<128x128xf32, #tpu.memory_space<vmem>>, vector<1x16xf32>,
    }
    %scan3A_21 = arith.constant 128 : i32
    %barrier3A = arith.constant 0 : index
    tpu.barrier barrier_id(%barrier3A)
    %scan3A_22 = arith.constant 0 : i32
    %scan3A_23 = arith.constant 80 : i32
    %scan3A_24 = arith.addi %scan3A_22, %scan3A_23 : i32
    %scan3A_25 = arith.constant 1 : i32
    scf.for %scan3A_48 = %scan3A_22 to %scan3A_24 step %scan3A_25  : i32 {
      %mul3A_49 = arith.constant 1 : i32
      %mul3A_50 = arith.muli %scan3A_48, %mul3A_49 : i32
      %add3A_51 = arith.constant 0 : i32
      %add3A_52 = arith.addi %add3A_51, %mul3A_50 : i32
      %mul3A_53 = arith.constant 80 : i32
      %mul3A_54 = arith.muli %add3A, %mul3A_53 : i32
      %add3A_55 = arith.addi %mul3A_54, %add3A_52 : i32
      %run_scoped3A = arith.constant 1 : i32
      "tpu.region"() ({
        %run_scoped3A_56 = tpu.sem_alloc : memref<!tpu.dma_semaphore, #tpu.memory_space<semaphore_mem>>
        %dma_start3A = arith.constant 0 : i32
        %dma_start3A_57 = tpu.memref_slice %arg2[%add3A_55, %run_scoped3A, %dma_start3A] : memref<2560x2x128xi32, #tpu.memory_space<hbm>> -> memref<1x1x128xi32, #tpu.memory_space<hbm>>
        %dma_start3A_58 = tpu.memref_squeeze %dma_start3A_57 : memref<1x1x128xi32, #tpu.memory_space<hbm>> -> memref<128xi32, #tpu.memory_space<hbm>>
        %dma_start3A_59 = arith.constant 0 : i32
        %dma_start3A_60 = tpu.memref_slice %arg2[%add3A_55, %run_scoped3A, %dma_start3A_59] : memref<2560x2x128xi32, #tpu.memory_space<hbm>> -> memref<1x1x128xi32, #tpu.memory_space<hbm>>
        %dma_start3A_61 = tpu.memref_squeeze %dma_start3A_60 : memref<1x1x128xi32, #tpu.memory_space<hbm>> -> memref<128xi32, #tpu.memory_space<hbm>>
        tpu.enqueue_dma source(%dma_start3A_61 : memref<128xi32, #tpu.memory_space<hbm>>) target(%arg4 : memref<128xi32, #tpu.memory_space<vmem>>) target_semaphore(%run_scoped3A_56 : memref<!tpu.dma_semaphore, #tpu.memory_space<semaphore_mem>>)
        %dma_wait3A = arith.constant 0 : i32
        %dma_wait3A_62 = tpu.memref_slice %arg2[%add3A_55, %run_scoped3A, %dma_wait3A] : memref<2560x2x128xi32, #tpu.memory_space<hbm>> -> memref<1x1x128xi32, #tpu.memory_space<hbm>>
        %dma_wait3A_63 = tpu.memref_squeeze %dma_wait3A_62 : memref<1x1x128xi32, #tpu.memory_space<hbm>> -> memref<128xi32, #tpu.memory_space<hbm>>
        %dma_wait3A_64 = arith.constant 0 : i32
        %dma_wait3A_65 = tpu.memref_slice %arg2[%add3A_55, %run_scoped3A, %dma_wait3A_64] : memref<2560x2x128xi32, #tpu.memory_space<hbm>> -> memref<1x1x128xi32, #tpu.memory_space<hbm>>
        %dma_wait3A_66 = tpu.memref_squeeze %dma_wait3A_65 : memref<1x1x128xi32, #tpu.memory_space<hbm>> -> memref<128xi32, #tpu.memory_space<hbm>>
        tpu.wait_dma2 semaphore(%run_scoped3A_56 : memref<!tpu.dma_semaphore, #tpu.memory_space<semaphore_mem>>) src(%dma_wait3A_66 : memref<128xi32, #tpu.memory_space<hbm>>) dst(%arg4 : memref<128xi32, #tpu.memory_space<vmem>>)
        tpu.yield
      }) : () -> ()
      "tpu.region"() ({
        %run_scoped3A_56 = tpu.sem_alloc : memref<!tpu.dma_semaphore, #tpu.memory_space<semaphore_mem>>
        %dma_start3A = arith.constant 0 : i32
        %dma_start3A_57 = arith.constant 0 : i32
        %dma_start3A_58 = tpu.memref_slice %arg6[%dma_start3A, %dma_start3A_57] : memref<10240x128xf32, #tpu.memory_space<vmem_shared>> -> memref<10240x128xf32, #tpu.memory_space<vmem_shared>>
        tpu.enqueue_indirect_dma source(%arg5 : memref<128x128xf32, #tpu.memory_space<vmem>>) target(%dma_start3A_58 : memref<10240x128xf32, #tpu.memory_space<vmem_shared>>) offsets(%arg4 : memref<128xi32, #tpu.memory_space<vmem>>) semaphore(%run_scoped3A_56 : memref<!tpu.dma_semaphore, #tpu.memory_space<semaphore_mem>>) {add = true}
        %dma_wait3A = arith.constant 0 : i32
        %dma_wait3A_59 = arith.constant 0 : i32
        %dma_wait3A_60 = tpu.memref_slice %arg6[%dma_wait3A, %dma_wait3A_59] : memref<10240x128xf32, #tpu.memory_space<vmem_shared>> -> memref<10240x128xf32, #tpu.memory_space<vmem_shared>>
        tpu.wait_indirect_dma semaphore(%run_scoped3A_56 : memref<!tpu.dma_semaphore, #tpu.memory_space<semaphore_mem>>) src(%arg5 : memref<128x128xf32, #tpu.memory_space<vmem>>) dst(%dma_wait3A_60 : memref<10240x128xf32, #tpu.memory_space<vmem_shared>>)
        tpu.yield
      }) : () -> ()
    }
    %scan3A_26 = arith.constant 80 : i32
    %barrier3A_27 = arith.constant 0 : index
    tpu.barrier barrier_id(%barrier3A_27)
    %add3A_28 = arith.constant 0 : i32
    %add3A_29 = arith.addi %mul3A_2, %add3A_28 : i32
    "tpu.region"() ({
      %run_scoped3A = tpu.sem_alloc : memref<!tpu.dma_semaphore, #tpu.memory_space<semaphore_mem>>
      %dma_start3A = arith.constant 0 : i32
      %dma_start3A_48 = tpu.memref_slice %arg6[%add3A_29, %dma_start3A] : memref<10240x128xf32, #tpu.memory_space<vmem_shared>> -> memref<128x128xf32, #tpu.memory_space<vmem_shared>>
      %dma_start3A_49 = arith.constant 0 : i32
      %dma_start3A_50 = tpu.memref_slice %arg6[%add3A_29, %dma_start3A_49] : memref<10240x128xf32, #tpu.memory_space<vmem_shared>> -> memref<128x128xf32, #tpu.memory_space<vmem_shared>>
      tpu.enqueue_dma source(%dma_start3A_50 : memref<128x128xf32, #tpu.memory_space<vmem_shared>>) target(%arg5 : memref<128x128xf32, #tpu.memory_space<vmem>>) target_semaphore(%run_scoped3A : memref<!tpu.dma_semaphore, #tpu.memory_space<semaphore_mem>>)
      %dma_wait3A = arith.constant 0 : i32
      %dma_wait3A_51 = tpu.memref_slice %arg6[%add3A_29, %dma_wait3A] : memref<10240x128xf32, #tpu.memory_space<vmem_shared>> -> memref<128x128xf32, #tpu.memory_space<vmem_shared>>
      %dma_wait3A_52 = arith.constant 0 : i32
      %dma_wait3A_53 = tpu.memref_slice %arg6[%add3A_29, %dma_wait3A_52] : memref<10240x128xf32, #tpu.memory_space<vmem_shared>> -> memref<128x128xf32, #tpu.memory_space<vmem_shared>>
      tpu.wait_dma2 semaphore(%run_scoped3A : memref<!tpu.dma_semaphore, #tpu.memory_space<semaphore_mem>>) src(%dma_wait3A_53 : memref<128x128xf32, #tpu.memory_space<vmem_shared>>) dst(%arg5 : memref<128x128xf32, #tpu.memory_space<vmem>>)
      tpu.yield
    }) : () -> ()
    %add3A_30 = arith.constant 0 : i32
    %add3A_31 = arith.addi %mul3A_2, %add3A_30 : i32
    "tpu.region"() ({
      %run_scoped3A = tpu.sem_alloc : memref<!tpu.dma_semaphore, #tpu.memory_space<semaphore_mem>>
      %dma_start3A = arith.constant 0 : i32
      %dma_start3A_48 = tpu.memref_slice %arg3[%arg0, %add3A_31, %dma_start3A] : memref<2x10240x128xf32, #tpu.memory_space<hbm>> -> memref<1x128x128xf32, #tpu.memory_space<hbm>>
      %dma_start3A_49 = tpu.memref_squeeze %dma_start3A_48 : memref<1x128x128xf32, #tpu.memory_space<hbm>> -> memref<128x128xf32, #tpu.memory_space<hbm>>
      %dma_start3A_50 = arith.constant 0 : i32
      %dma_start3A_51 = tpu.memref_slice %arg3[%arg0, %add3A_31, %dma_start3A_50] : memref<2x10240x128xf32, #tpu.memory_space<hbm>> -> memref<1x128x128xf32, #tpu.memory_space<hbm>>
      %dma_start3A_52 = tpu.memref_squeeze %dma_start3A_51 : memref<1x128x128xf32, #tpu.memory_space<hbm>> -> memref<128x128xf32, #tpu.memory_space<hbm>>
      tpu.enqueue_dma source(%arg5 : memref<128x128xf32, #tpu.memory_space<vmem>>) target(%dma_start3A_52 : memref<128x128xf32, #tpu.memory_space<hbm>>) target_semaphore(%run_scoped3A : memref<!tpu.dma_semaphore, #tpu.memory_space<semaphore_mem>>)
      %dma_wait3A = arith.constant 0 : i32
      %dma_wait3A_53 = tpu.memref_slice %arg3[%arg0, %add3A_31, %dma_wait3A] : memref<2x10240x128xf32, #tpu.memory_space<hbm>> -> memref<1x128x128xf32, #tpu.memory_space<hbm>>
      %dma_wait3A_54 = tpu.memref_squeeze %dma_wait3A_53 : memref<1x128x128xf32, #tpu.memory_space<hbm>> -> memref<128x128xf32, #tpu.memory_space<hbm>>
      %dma_wait3A_55 = arith.constant 0 : i32
      %dma_wait3A_56 = tpu.memref_slice %arg3[%arg0, %add3A_31, %dma_wait3A_55] : memref<2x10240x128xf32, #tpu.memory_space<hbm>> -> memref<1x128x128xf32, #tpu.memory_space<hbm>>
      %dma_wait3A_57 = tpu.memref_squeeze %dma_wait3A_56 : memref<1x128x128xf32, #tpu.memory_space<hbm>> -> memref<128x128xf32, #tpu.memory_space<hbm>>
      tpu.wait_dma2 semaphore(%run_scoped3A : memref<!tpu.dma_semaphore, #tpu.memory_space<semaphore_mem>>) src(%arg5 : memref<128x128xf32, #tpu.memory_space<vmem>>) dst(%dma_wait3A_57 : memref<128x128xf32, #tpu.memory_space<hbm>>)
      tpu.yield
    }) : () -> ()
    %add3A_32 = arith.constant 128 : i32
    %add3A_33 = arith.addi %mul3A_2, %add3A_32 : i32
    "tpu.region"() ({
      %run_scoped3A = tpu.sem_alloc : memref<!tpu.dma_semaphore, #tpu.memory_space<semaphore_mem>>
      %dma_start3A = arith.constant 0 : i32
      %dma_start3A_48 = tpu.memref_slice %arg6[%add3A_33, %dma_start3A] : memref<10240x128xf32, #tpu.memory_space<vmem_shared>> -> memref<128x128xf32, #tpu.memory_space<vmem_shared>>
      %dma_start3A_49 = arith.constant 0 : i32
      %dma_start3A_50 = tpu.memref_slice %arg6[%add3A_33, %dma_start3A_49] : memref<10240x128xf32, #tpu.memory_space<vmem_shared>> -> memref<128x128xf32, #tpu.memory_space<vmem_shared>>
      tpu.enqueue_dma source(%dma_start3A_50 : memref<128x128xf32, #tpu.memory_space<vmem_shared>>) target(%arg5 : memref<128x128xf32, #tpu.memory_space<vmem>>) target_semaphore(%run_scoped3A : memref<!tpu.dma_semaphore, #tpu.memory_space<semaphore_mem>>)
      %dma_wait3A = arith.constant 0 : i32
      %dma_wait3A_51 = tpu.memref_slice %arg6[%add3A_33, %dma_wait3A] : memref<10240x128xf32, #tpu.memory_space<vmem_shared>> -> memref<128x128xf32, #tpu.memory_space<vmem_shared>>
      %dma_wait3A_52 = arith.constant 0 : i32
      %dma_wait3A_53 = tpu.memref_slice %arg6[%add3A_33, %dma_wait3A_52] : memref<10240x128xf32, #tpu.memory_space<vmem_shared>> -> memref<128x128xf32, #tpu.memory_space<vmem_shared>>
      tpu.wait_dma2 semaphore(%run_scoped3A : memref<!tpu.dma_semaphore, #tpu.memory_space<semaphore_mem>>) src(%dma_wait3A_53 : memref<128x128xf32, #tpu.memory_space<vmem_shared>>) dst(%arg5 : memref<128x128xf32, #tpu.memory_space<vmem>>)
      tpu.yield
    }) : () -> ()
    %add3A_34 = arith.constant 128 : i32
    %add3A_35 = arith.addi %mul3A_2, %add3A_34 : i32
    "tpu.region"() ({
      %run_scoped3A = tpu.sem_alloc : memref<!tpu.dma_semaphore, #tpu.memory_space<semaphore_mem>>
      %dma_start3A = arith.constant 0 : i32
      %dma_start3A_48 = tpu.memref_slice %arg3[%arg0, %add3A_35, %dma_start3A] : memref<2x10240x128xf32, #tpu.memory_space<hbm>> -> memref<1x128x128xf32, #tpu.memory_space<hbm>>
      %dma_start3A_49 = tpu.memref_squeeze %dma_start3A_48 : memref<1x128x128xf32, #tpu.memory_space<hbm>> -> memref<128x128xf32, #tpu.memory_space<hbm>>
      %dma_start3A_50 = arith.constant 0 : i32
      %dma_start3A_51 = tpu.memref_slice %arg3[%arg0, %add3A_35, %dma_start3A_50] : memref<2x10240x128xf32, #tpu.memory_space<hbm>> -> memref<1x128x128xf32, #tpu.memory_space<hbm>>
      %dma_start3A_52 = tpu.memref_squeeze %dma_start3A_51 : memref<1x128x128xf32, #tpu.memory_space<hbm>> -> memref<128x128xf32, #tpu.memory_space<hbm>>
      tpu.enqueue_dma source(%arg5 : memref<128x128xf32, #tpu.memory_space<vmem>>) target(%dma_start3A_52 : memref<128x128xf32, #tpu.memory_space<hbm>>) target_semaphore(%run_scoped3A : memref<!tpu.dma_semaphore, #tpu.memory_space<semaphore_mem>>)
      %dma_wait3A = arith.constant 0 : i32
      %dma_wait3A_53 = tpu.memref_slice %arg3[%arg0, %add3A_35, %dma_wait3A] : memref<2x10240x128xf32, #tpu.memory_space<hbm>> -> memref<1x128x128xf32, #tpu.memory_space<hbm>>
      %dma_wait3A_54 = tpu.memref_squeeze %dma_wait3A_53 : memref<1x128x128xf32, #tpu.memory_space<hbm>> -> memref<128x128xf32, #tpu.memory_space<hbm>>
      %dma_wait3A_55 = arith.constant 0 : i32
      %dma_wait3A_56 = tpu.memref_slice %arg3[%arg0, %add3A_35, %dma_wait3A_55] : memref<2x10240x128xf32, #tpu.memory_space<hbm>> -> memref<1x128x128xf32, #tpu.memory_space<hbm>>
      %dma_wait3A_57 = tpu.memref_squeeze %dma_wait3A_56 : memref<1x128x128xf32, #tpu.memory_space<hbm>> -> memref<128x128xf32, #tpu.memory_space<hbm>>
      tpu.wait_dma2 semaphore(%run_scoped3A : memref<!tpu.dma_semaphore, #tpu.memory_space<semaphore_mem>>) src(%arg5 : memref<128x128xf32, #tpu.memory_space<vmem>>) dst(%dma_wait3A_57 : memref<128x128xf32, #tpu.memory_space<hbm>>)
      tpu.yield
    }) : () -> ()
    %add3A_36 = arith.constant 256 : i32
    %add3A_37 = arith.addi %mul3A_2, %add3A_36 : i32
    "tpu.region"() ({
      %run_scoped3A = tpu.sem_alloc : memref<!tpu.dma_semaphore, #tpu.memory_space<semaphore_mem>>
      %dma_start3A = arith.constant 0 : i32
      %dma_start3A_48 = tpu.memref_slice %arg6[%add3A_37, %dma_start3A] : memref<10240x128xf32, #tpu.memory_space<vmem_shared>> -> memref<128x128xf32, #tpu.memory_space<vmem_shared>>
      %dma_start3A_49 = arith.constant 0 : i32
      %dma_start3A_50 = tpu.memref_slice %arg6[%add3A_37, %dma_start3A_49] : memref<10240x128xf32, #tpu.memory_space<vmem_shared>> -> memref<128x128xf32, #tpu.memory_space<vmem_shared>>
      tpu.enqueue_dma source(%dma_start3A_50 : memref<128x128xf32, #tpu.memory_space<vmem_shared>>) target(%arg5 : memref<128x128xf32, #tpu.memory_space<vmem>>) target_semaphore(%run_scoped3A : memref<!tpu.dma_semaphore, #tpu.memory_space<semaphore_mem>>)
      %dma_wait3A = arith.constant 0 : i32
      %dma_wait3A_51 = tpu.memref_slice %arg6[%add3A_37, %dma_wait3A] : memref<10240x128xf32, #tpu.memory_space<vmem_shared>> -> memref<128x128xf32, #tpu.memory_space<vmem_shared>>
      %dma_wait3A_52 = arith.constant 0 : i32
      %dma_wait3A_53 = tpu.memref_slice %arg6[%add3A_37, %dma_wait3A_52] : memref<10240x128xf32, #tpu.memory_space<vmem_shared>> -> memref<128x128xf32, #tpu.memory_space<vmem_shared>>
      tpu.wait_dma2 semaphore(%run_scoped3A : memref<!tpu.dma_semaphore, #tpu.memory_space<semaphore_mem>>) src(%dma_wait3A_53 : memref<128x128xf32, #tpu.memory_space<vmem_shared>>) dst(%arg5 : memref<128x128xf32, #tpu.memory_space<vmem>>)
      tpu.yield
    }) : () -> ()
    %add3A_38 = arith.constant 256 : i32
    %add3A_39 = arith.addi %mul3A_2, %add3A_38 : i32
    "tpu.region"() ({
      %run_scoped3A = tpu.sem_alloc : memref<!tpu.dma_semaphore, #tpu.memory_space<semaphore_mem>>
      %dma_start3A = arith.constant 0 : i32
      %dma_start3A_48 = tpu.memref_slice %arg3[%arg0, %add3A_39, %dma_start3A] : memref<2x10240x128xf32, #tpu.memory_space<hbm>> -> memref<1x128x128xf32, #tpu.memory_space<hbm>>
      %dma_start3A_49 = tpu.memref_squeeze %dma_start3A_48 : memref<1x128x128xf32, #tpu.memory_space<hbm>> -> memref<128x128xf32, #tpu.memory_space<hbm>>
      %dma_start3A_50 = arith.constant 0 : i32
      %dma_start3A_51 = tpu.memref_slice %arg3[%arg0, %add3A_39, %dma_start3A_50] : memref<2x10240x128xf32, #tpu.memory_space<hbm>> -> memref<1x128x128xf32, #tpu.memory_space<hbm>>
      %dma_start3A_52 = tpu.memref_squeeze %dma_start3A_51 : memref<1x128x128xf32, #tpu.memory_space<hbm>> -> memref<128x128xf32, #tpu.memory_space<hbm>>
      tpu.enqueue_dma source(%arg5 : memref<128x128xf32, #tpu.memory_space<vmem>>) target(%dma_start3A_52 : memref<128x128xf32, #tpu.memory_space<hbm>>) target_semaphore(%run_scoped3A : memref<!tpu.dma_semaphore, #tpu.memory_space<semaphore_mem>>)
      %dma_wait3A = arith.constant 0 : i32
      %dma_wait3A_53 = tpu.memref_slice %arg3[%arg0, %add3A_39, %dma_wait3A] : memref<2x10240x128xf32, #tpu.memory_space<hbm>> -> memref<1x128x128xf32, #tpu.memory_space<hbm>>
      %dma_wait3A_54 = tpu.memref_squeeze %dma_wait3A_53 : memref<1x128x128xf32, #tpu.memory_space<hbm>> -> memref<128x128xf32, #tpu.memory_space<hbm>>
      %dma_wait3A_55 = arith.constant 0 : i32
      %dma_wait3A_56 = tpu.memref_slice %arg3[%arg0, %add3A_39, %dma_wait3A_55] : memref<2x10240x128xf32, #tpu.memory_space<hbm>> -> memref<1x128x128xf32, #tpu.memory_space<hbm>>
      %dma_wait3A_57 = tpu.memref_squeeze %dma_wait3A_56 : memref<1x128x128xf32, #tpu.memory_space<hbm>> -> memref<128x128xf32, #tpu.memory_space<hbm>>
      tpu.wait_dma2 semaphore(%run_scoped3A : memref<!tpu.dma_semaphore, #tpu.memory_space<semaphore_mem>>) src(%arg5 : memref<128x128xf32, #tpu.memory_space<vmem>>) dst(%dma_wait3A_57 : memref<128x128xf32, #tpu.memory_space<hbm>>)
      tpu.yield
    }) : () -> ()
    %add3A_40 = arith.constant 384 : i32
    %add3A_41 = arith.addi %mul3A_2, %add3A_40 : i32
    "tpu.region"() ({
      %run_scoped3A = tpu.sem_alloc : memref<!tpu.dma_semaphore, #tpu.memory_space<semaphore_mem>>
      %dma_start3A = arith.constant 0 : i32
      %dma_start3A_48 = tpu.memref_slice %arg6[%add3A_41, %dma_start3A] : memref<10240x128xf32, #tpu.memory_space<vmem_shared>> -> memref<128x128xf32, #tpu.memory_space<vmem_shared>>
      %dma_start3A_49 = arith.constant 0 : i32
      %dma_start3A_50 = tpu.memref_slice %arg6[%add3A_41, %dma_start3A_49] : memref<10240x128xf32, #tpu.memory_space<vmem_shared>> -> memref<128x128xf32, #tpu.memory_space<vmem_shared>>
      tpu.enqueue_dma source(%dma_start3A_50 : memref<128x128xf32, #tpu.memory_space<vmem_shared>>) target(%arg5 : memref<128x128xf32, #tpu.memory_space<vmem>>) target_semaphore(%run_scoped3A : memref<!tpu.dma_semaphore, #tpu.memory_space<semaphore_mem>>)
      %dma_wait3A = arith.constant 0 : i32
      %dma_wait3A_51 = tpu.memref_slice %arg6[%add3A_41, %dma_wait3A] : memref<10240x128xf32, #tpu.memory_space<vmem_shared>> -> memref<128x128xf32, #tpu.memory_space<vmem_shared>>
      %dma_wait3A_52 = arith.constant 0 : i32
      %dma_wait3A_53 = tpu.memref_slice %arg6[%add3A_41, %dma_wait3A_52] : memref<10240x128xf32, #tpu.memory_space<vmem_shared>> -> memref<128x128xf32, #tpu.memory_space<vmem_shared>>
      tpu.wait_dma2 semaphore(%run_scoped3A : memref<!tpu.dma_semaphore, #tpu.memory_space<semaphore_mem>>) src(%dma_wait3A_53 : memref<128x128xf32, #tpu.memory_space<vmem_shared>>) dst(%arg5 : memref<128x128xf32, #tpu.memory_space<vmem>>)
      tpu.yield
    }) : () -> ()
    %add3A_42 = arith.constant 384 : i32
    %add3A_43 = arith.addi %mul3A_2, %add3A_42 : i32
    "tpu.region"() ({
      %run_scoped3A = tpu.sem_alloc : memref<!tpu.dma_semaphore, #tpu.memory_space<semaphore_mem>>
      %dma_start3A = arith.constant 0 : i32
      %dma_start3A_48 = tpu.memref_slice %arg3[%arg0, %add3A_43, %dma_start3A] : memref<2x10240x128xf32, #tpu.memory_space<hbm>> -> memref<1x128x128xf32, #tpu.memory_space<hbm>>
      %dma_start3A_49 = tpu.memref_squeeze %dma_start3A_48 : memref<1x128x128xf32, #tpu.memory_space<hbm>> -> memref<128x128xf32, #tpu.memory_space<hbm>>
      %dma_start3A_50 = arith.constant 0 : i32
      %dma_start3A_51 = tpu.memref_slice %arg3[%arg0, %add3A_43, %dma_start3A_50] : memref<2x10240x128xf32, #tpu.memory_space<hbm>> -> memref<1x128x128xf32, #tpu.memory_space<hbm>>
      %dma_start3A_52 = tpu.memref_squeeze %dma_start3A_51 : memref<1x128x128xf32, #tpu.memory_space<hbm>> -> memref<128x128xf32, #tpu.memory_space<hbm>>
      tpu.enqueue_dma source(%arg5 : memref<128x128xf32, #tpu.memory_space<vmem>>) target(%dma_start3A_52 : memref<128x128xf32, #tpu.memory_space<hbm>>) target_semaphore(%run_scoped3A : memref<!tpu.dma_semaphore, #tpu.memory_space<semaphore_mem>>)
      %dma_wait3A = arith.constant 0 : i32
      %dma_wait3A_53 = tpu.memref_slice %arg3[%arg0, %add3A_43, %dma_wait3A] : memref<2x10240x128xf32, #tpu.memory_space<hbm>> -> memref<1x128x128xf32, #tpu.memory_space<hbm>>
      %dma_wait3A_54 = tpu.memref_squeeze %dma_wait3A_53 : memref<1x128x128xf32, #tpu.memory_space<hbm>> -> memref<128x128xf32, #tpu.memory_space<hbm>>
      %dma_wait3A_55 = arith.constant 0 : i32
      %dma_wait3A_56 = tpu.memref_slice %arg3[%arg0, %add3A_43, %dma_wait3A_55] : memref<2x10240x128xf32, #tpu.memory_space<hbm>> -> memref<1x128x128xf32, #tpu.memory_space<hbm>>
      %dma_wait3A_57 = tpu.memref_squeeze %dma_wait3A_56 : memref<1x128x128xf32, #tpu.memory_space<hbm>> -> memref<128x128xf32, #tpu.memory_space<hbm>>
      tpu.wait_dma2 semaphore(%run_scoped3A : memref<!tpu.dma_semaphore, #tpu.memory_space<semaphore_mem>>) src(%arg5 : memref<128x128xf32, #tpu.memory_space<vmem>>) dst(%dma_wait3A_57 : memref<128x128xf32, #tpu.memory_space<hbm>>)
      tpu.yield
    }) : () -> ()
    %add3A_44 = arith.constant 512 : i32
    %add3A_45 = arith.addi %mul3A_2, %add3A_44 : i32
    "tpu.region"() ({
      %run_scoped3A = tpu.sem_alloc : memref<!tpu.dma_semaphore, #tpu.memory_space<semaphore_mem>>
      %dma_start3A = arith.constant 0 : i32
      %dma_start3A_48 = tpu.memref_slice %arg6[%add3A_45, %dma_start3A] : memref<10240x128xf32, #tpu.memory_space<vmem_shared>> -> memref<128x128xf32, #tpu.memory_space<vmem_shared>>
      %dma_start3A_49 = arith.constant 0 : i32
      %dma_start3A_50 = tpu.memref_slice %arg6[%add3A_45, %dma_start3A_49] : memref<10240x128xf32, #tpu.memory_space<vmem_shared>> -> memref<128x128xf32, #tpu.memory_space<vmem_shared>>
      tpu.enqueue_dma source(%dma_start3A_50 : memref<128x128xf32, #tpu.memory_space<vmem_shared>>) target(%arg5 : memref<128x128xf32, #tpu.memory_space<vmem>>) target_semaphore(%run_scoped3A : memref<!tpu.dma_semaphore, #tpu.memory_space<semaphore_mem>>)
      %dma_wait3A = arith.constant 0 : i32
      %dma_wait3A_51 = tpu.memref_slice %arg6[%add3A_45, %dma_wait3A] : memref<10240x128xf32, #tpu.memory_space<vmem_shared>> -> memref<128x128xf32, #tpu.memory_space<vmem_shared>>
      %dma_wait3A_52 = arith.constant 0 : i32
      %dma_wait3A_53 = tpu.memref_slice %arg6[%add3A_45, %dma_wait3A_52] : memref<10240x128xf32, #tpu.memory_space<vmem_shared>> -> memref<128x128xf32, #tpu.memory_space<vmem_shared>>
      tpu.wait_dma2 semaphore(%run_scoped3A : memref<!tpu.dma_semaphore, #tpu.memory_space<semaphore_mem>>) src(%dma_wait3A_53 : memref<128x128xf32, #tpu.memory_space<vmem_shared>>) dst(%arg5 : memref<128x128xf32, #tpu.memory_space<vmem>>)
      tpu.yield
    }) : () -> ()
    %add3A_46 = arith.constant 512 : i32
    %add3A_47 = arith.addi %mul3A_2, %add3A_46 : i32
    "tpu.region"() ({
      %run_scoped3A = tpu.sem_alloc : memref<!tpu.dma_semaphore, #tpu.memory_space<semaphore_mem>>
      %dma_start3A = arith.constant 0 : i32
      %dma_start3A_48 = tpu.memref_slice %arg3[%arg0, %add3A_47, %dma_start3A] : memref<2x10240x128xf32, #tpu.memory_space<hbm>> -> memref<1x128x128xf32, #tpu.memory_space<hbm>>
      %dma_start3A_49 = tpu.memref_squeeze %dma_start3A_48 : memref<1x128x128xf32, #tpu.memory_space<hbm>> -> memref<128x128xf32, #tpu.memory_space<hbm>>
      %dma_start3A_50 = arith.constant 0 : i32
      %dma_start3A_51 = tpu.memref_slice %arg3[%arg0, %add3A_47, %dma_start3A_50] : memref<2x10240x128xf32, #tpu.memory_space<hbm>> -> memref<1x128x128xf32, #tpu.memory_space<hbm>>
      %dma_start3A_52 = tpu.memref_squeeze %dma_start3A_51 : memref<1x128x128xf32, #tpu.memory_space<hbm>> -> memref<128x128xf32, #tpu.memory_space<hbm>>
      tpu.enqueue_dma source(%arg5 : memref<128x128xf32, #tpu.memory_space<vmem>>) target(%dma_start3A_52 : memref<128x128xf32, #tpu.memory_space<hbm>>) target_semaphore(%run_scoped3A : memref<!tpu.dma_semaphore, #tpu.memory_space<semaphore_mem>>)
      %dma_wait3A = arith.constant 0 : i32
      %dma_wait3A_53 = tpu.memref_slice %arg3[%arg0, %add3A_47, %dma_wait3A] : memref<2x10240x128xf32, #tpu.memory_space<hbm>> -> memref<1x128x128xf32, #tpu.memory_space<hbm>>
      %dma_wait3A_54 = tpu.memref_squeeze %dma_wait3A_53 : memref<1x128x128xf32, #tpu.memory_space<hbm>> -> memref<128x128xf32, #tpu.memory_space<hbm>>
      %dma_wait3A_55 = arith.constant 0 : i32
      %dma_wait3A_56 = tpu.memref_slice %arg3[%arg0, %add3A_47, %dma_wait3A_55] : memref<2x10240x128xf32, #tpu.memory_space<hbm>> -> memref<1x128x128xf32, #tpu.memory_space<hbm>>
      %dma_wait3A_57 = tpu.memref_squeeze %dma_wait3A_56 : memref<1x128x128xf32, #tpu.memory_space<hbm>> -> memref<128x128xf32, #tpu.memory_space<hbm>>
      tpu.wait_dma2 semaphore(%run_scoped3A : memref<!tpu.dma_semaphore, #tpu.memory_space<semaphore_mem>>) src(%arg5 : memref<128x128xf32, #tpu.memory_space<vmem>>) dst(%dma_wait3A_57 : memref<128x128xf32, #tpu.memory_space<hbm>>)
      tpu.yield
    }) : () -> ()
    return
  }
}

#map = affine_map<(d0, d1) -> (0, 0, 0)>
module attributes {stable_mosaic.version = 14 : i64} {
  func.func @_scatter_body(%arg0: i32, %arg1: i32, %arg2: memref<2560x128x128xf32, #tpu.memory_space<hbm>>, %arg3: memref<2560x2x128xi32, #tpu.memory_space<hbm>>, %arg4: memref<2x10240x128xf32, #tpu.memory_space<hbm>>, %arg5: memref<128xi32, #tpu.memory_space<vmem>>, %arg6: memref<128x128xf32, #tpu.memory_space<vmem>>, %arg7: memref<10240x128xf32, #tpu.memory_space<vmem_shared>>, %arg8: memref<!tpu.dma_semaphore, #tpu.memory_space<semaphore_mem>>) attributes {dimension_semantics = [#tpu.dimension_semantics<core_parallel>, #tpu.dimension_semantics<subcore_parallel>], iteration_bounds = array<i64: 2, 16>, scalar_prefetch = 0 : i64, scratch_operands = 4 : i64, tpu.core_type = #tpu.core_type<sc_vector_subcore>, window_params = [{transform_indices = #map}, {transform_indices = #map}, {transform_indices = #map}]} {
    %mul3A = arith.constant 2 : i32
    %mul3A_0 = arith.muli %arg1, %mul3A : i32
    %add3A = arith.addi %mul3A_0, %arg0 : i32
    %mul3A_1 = arith.constant 640 : i32
    %mul3A_2 = arith.muli %arg1, %mul3A_1 : i32
    %scan3A = arith.constant 0 : i32
    %scan3A_3 = arith.constant 128 : i32
    %scan3A_4 = arith.addi %scan3A, %scan3A_3 : i32
    %scan3A_5 = arith.constant 1 : i32
    scf.for %scan3A_43 = %scan3A to %scan3A_4 step %scan3A_5  : i32 {
      %mul3A_44 = arith.constant 1 : i32
      %mul3A_45 = arith.muli %scan3A_43, %mul3A_44 : i32
      %add3A_46 = arith.constant 0 : i32
      %add3A_47 = arith.addi %add3A_46, %mul3A_45 : i32
      %broadcast_in_dim3A = arith.constant 0.000000e+00 : f32
      %broadcast_in_dim3A_48 = vector.broadcast %broadcast_in_dim3A : f32 to vector<16xf32>
      %swap3A = arith.index_cast %add3A_47 : i32 to index
      %swap3A_49 = arith.constant 0 : index
      %swap3A_50 = tpu.vector_load %arg6[%swap3A, %swap3A_49] {strides = array<i32>} : memref<128x128xf32, #tpu.memory_space<vmem>>, vector<1x16xf32>,
      %swap3A_51 = vector.shape_cast %swap3A_50 : vector<1x16xf32> to vector<16xf32>
      %swap3A_52 = vector.shape_cast %broadcast_in_dim3A_48 : vector<16xf32> to vector<1x16xf32>
      tpu.vector_store %arg6[%swap3A, %swap3A_49], %swap3A_52 {strides = array<i32>} : memref<128x128xf32, #tpu.memory_space<vmem>>, vector<1x16xf32>,
      %broadcast_in_dim3A_53 = arith.constant 0.000000e+00 : f32
      %broadcast_in_dim3A_54 = vector.broadcast %broadcast_in_dim3A_53 : f32 to vector<16xf32>
      %swap3A_55 = arith.index_cast %add3A_47 : i32 to index
      %swap3A_56 = arith.constant 16 : index
      %swap3A_57 = tpu.vector_load %arg6[%swap3A_55, %swap3A_56] {strides = array<i32>} : memref<128x128xf32, #tpu.memory_space<vmem>>, vector<1x16xf32>,
      %swap3A_58 = vector.shape_cast %swap3A_57 : vector<1x16xf32> to vector<16xf32>
      %swap3A_59 = vector.shape_cast %broadcast_in_dim3A_54 : vector<16xf32> to vector<1x16xf32>
      tpu.vector_store %arg6[%swap3A_55, %swap3A_56], %swap3A_59 {strides = array<i32>} : memref<128x128xf32, #tpu.memory_space<vmem>>, vector<1x16xf32>,
      %broadcast_in_dim3A_60 = arith.constant 0.000000e+00 : f32
      %broadcast_in_dim3A_61 = vector.broadcast %broadcast_in_dim3A_60 : f32 to vector<16xf32>
      %swap3A_62 = arith.index_cast %add3A_47 : i32 to index
      %swap3A_63 = arith.constant 32 : index
      %swap3A_64 = tpu.vector_load %arg6[%swap3A_62, %swap3A_63] {strides = array<i32>} : memref<128x128xf32, #tpu.memory_space<vmem>>, vector<1x16xf32>,
      %swap3A_65 = vector.shape_cast %swap3A_64 : vector<1x16xf32> to vector<16xf32>
      %swap3A_66 = vector.shape_cast %broadcast_in_dim3A_61 : vector<16xf32> to vector<1x16xf32>
      tpu.vector_store %arg6[%swap3A_62, %swap3A_63], %swap3A_66 {strides = array<i32>} : memref<128x128xf32, #tpu.memory_space<vmem>>, vector<1x16xf32>,
      %broadcast_in_dim3A_67 = arith.constant 0.000000e+00 : f32
      %broadcast_in_dim3A_68 = vector.broadcast %broadcast_in_dim3A_67 : f32 to vector<16xf32>
      %swap3A_69 = arith.index_cast %add3A_47 : i32 to index
      %swap3A_70 = arith.constant 48 : index
      %swap3A_71 = tpu.vector_load %arg6[%swap3A_69, %swap3A_70] {strides = array<i32>} : memref<128x128xf32, #tpu.memory_space<vmem>>, vector<1x16xf32>,
      %swap3A_72 = vector.shape_cast %swap3A_71 : vector<1x16xf32> to vector<16xf32>
      %swap3A_73 = vector.shape_cast %broadcast_in_dim3A_68 : vector<16xf32> to vector<1x16xf32>
      tpu.vector_store %arg6[%swap3A_69, %swap3A_70], %swap3A_73 {strides = array<i32>} : memref<128x128xf32, #tpu.memory_space<vmem>>, vector<1x16xf32>,
      %broadcast_in_dim3A_74 = arith.constant 0.000000e+00 : f32
      %broadcast_in_dim3A_75 = vector.broadcast %broadcast_in_dim3A_74 : f32 to vector<16xf32>
      %swap3A_76 = arith.index_cast %add3A_47 : i32 to index
      %swap3A_77 = arith.constant 64 : index
      %swap3A_78 = tpu.vector_load %arg6[%swap3A_76, %swap3A_77] {strides = array<i32>} : memref<128x128xf32, #tpu.memory_space<vmem>>, vector<1x16xf32>,
      %swap3A_79 = vector.shape_cast %swap3A_78 : vector<1x16xf32> to vector<16xf32>
      %swap3A_80 = vector.shape_cast %broadcast_in_dim3A_75 : vector<16xf32> to vector<1x16xf32>
      tpu.vector_store %arg6[%swap3A_76, %swap3A_77], %swap3A_80 {strides = array<i32>} : memref<128x128xf32, #tpu.memory_space<vmem>>, vector<1x16xf32>,
      %broadcast_in_dim3A_81 = arith.constant 0.000000e+00 : f32
      %broadcast_in_dim3A_82 = vector.broadcast %broadcast_in_dim3A_81 : f32 to vector<16xf32>
      %swap3A_83 = arith.index_cast %add3A_47 : i32 to index
      %swap3A_84 = arith.constant 80 : index
      %swap3A_85 = tpu.vector_load %arg6[%swap3A_83, %swap3A_84] {strides = array<i32>} : memref<128x128xf32, #tpu.memory_space<vmem>>, vector<1x16xf32>,
      %swap3A_86 = vector.shape_cast %swap3A_85 : vector<1x16xf32> to vector<16xf32>
      %swap3A_87 = vector.shape_cast %broadcast_in_dim3A_82 : vector<16xf32> to vector<1x16xf32>
      tpu.vector_store %arg6[%swap3A_83, %swap3A_84], %swap3A_87 {strides = array<i32>} : memref<128x128xf32, #tpu.memory_space<vmem>>, vector<1x16xf32>,
      %broadcast_in_dim3A_88 = arith.constant 0.000000e+00 : f32
      %broadcast_in_dim3A_89 = vector.broadcast %broadcast_in_dim3A_88 : f32 to vector<16xf32>
      %swap3A_90 = arith.index_cast %add3A_47 : i32 to index
      %swap3A_91 = arith.constant 96 : index
      %swap3A_92 = tpu.vector_load %arg6[%swap3A_90, %swap3A_91] {strides = array<i32>} : memref<128x128xf32, #tpu.memory_space<vmem>>, vector<1x16xf32>,
      %swap3A_93 = vector.shape_cast %swap3A_92 : vector<1x16xf32> to vector<16xf32>
      %swap3A_94 = vector.shape_cast %broadcast_in_dim3A_89 : vector<16xf32> to vector<1x16xf32>
      tpu.vector_store %arg6[%swap3A_90, %swap3A_91], %swap3A_94 {strides = array<i32>} : memref<128x128xf32, #tpu.memory_space<vmem>>, vector<1x16xf32>,
      %broadcast_in_dim3A_95 = arith.constant 0.000000e+00 : f32
      %broadcast_in_dim3A_96 = vector.broadcast %broadcast_in_dim3A_95 : f32 to vector<16xf32>
      %swap3A_97 = arith.index_cast %add3A_47 : i32 to index
      %swap3A_98 = arith.constant 112 : index
      %swap3A_99 = tpu.vector_load %arg6[%swap3A_97, %swap3A_98] {strides = array<i32>} : memref<128x128xf32, #tpu.memory_space<vmem>>, vector<1x16xf32>,
      %swap3A_100 = vector.shape_cast %swap3A_99 : vector<1x16xf32> to vector<16xf32>
      %swap3A_101 = vector.shape_cast %broadcast_in_dim3A_96 : vector<16xf32> to vector<1x16xf32>
      tpu.vector_store %arg6[%swap3A_97, %swap3A_98], %swap3A_101 {strides = array<i32>} : memref<128x128xf32, #tpu.memory_space<vmem>>, vector<1x16xf32>,
    }
    %scan3A_6 = arith.constant 128 : i32
    %add3A_7 = arith.constant 0 : i32
    %add3A_8 = arith.addi %mul3A_2, %add3A_7 : i32
    "tpu.region"() ({
      %run_scoped3A = tpu.sem_alloc : memref<!tpu.dma_semaphore, #tpu.memory_space<semaphore_mem>>
      %dma_start3A = arith.constant 0 : i32
      %dma_start3A_43 = tpu.memref_slice %arg7[%add3A_8, %dma_start3A] : memref<10240x128xf32, #tpu.memory_space<vmem_shared>> -> memref<128x128xf32, #tpu.memory_space<vmem_shared>>
      %dma_start3A_44 = arith.constant 0 : i32
      %dma_start3A_45 = tpu.memref_slice %arg7[%add3A_8, %dma_start3A_44] : memref<10240x128xf32, #tpu.memory_space<vmem_shared>> -> memref<128x128xf32, #tpu.memory_space<vmem_shared>>
      tpu.enqueue_dma source(%arg6 : memref<128x128xf32, #tpu.memory_space<vmem>>) target(%dma_start3A_45 : memref<128x128xf32, #tpu.memory_space<vmem_shared>>) target_semaphore(%run_scoped3A : memref<!tpu.dma_semaphore, #tpu.memory_space<semaphore_mem>>)
      %dma_wait3A = arith.constant 0 : i32
      %dma_wait3A_46 = tpu.memref_slice %arg7[%add3A_8, %dma_wait3A] : memref<10240x128xf32, #tpu.memory_space<vmem_shared>> -> memref<128x128xf32, #tpu.memory_space<vmem_shared>>
      %dma_wait3A_47 = arith.constant 0 : i32
      %dma_wait3A_48 = tpu.memref_slice %arg7[%add3A_8, %dma_wait3A_47] : memref<10240x128xf32, #tpu.memory_space<vmem_shared>> -> memref<128x128xf32, #tpu.memory_space<vmem_shared>>
      tpu.wait_dma2 semaphore(%run_scoped3A : memref<!tpu.dma_semaphore, #tpu.memory_space<semaphore_mem>>) src(%arg6 : memref<128x128xf32, #tpu.memory_space<vmem>>) dst(%dma_wait3A_48 : memref<128x128xf32, #tpu.memory_space<vmem_shared>>)
      tpu.yield
    }) : () -> ()
    %add3A_9 = arith.constant 128 : i32
    %add3A_10 = arith.addi %mul3A_2, %add3A_9 : i32
    "tpu.region"() ({
      %run_scoped3A = tpu.sem_alloc : memref<!tpu.dma_semaphore, #tpu.memory_space<semaphore_mem>>
      %dma_start3A = arith.constant 0 : i32
      %dma_start3A_43 = tpu.memref_slice %arg7[%add3A_10, %dma_start3A] : memref<10240x128xf32, #tpu.memory_space<vmem_shared>> -> memref<128x128xf32, #tpu.memory_space<vmem_shared>>
      %dma_start3A_44 = arith.constant 0 : i32
      %dma_start3A_45 = tpu.memref_slice %arg7[%add3A_10, %dma_start3A_44] : memref<10240x128xf32, #tpu.memory_space<vmem_shared>> -> memref<128x128xf32, #tpu.memory_space<vmem_shared>>
      tpu.enqueue_dma source(%arg6 : memref<128x128xf32, #tpu.memory_space<vmem>>) target(%dma_start3A_45 : memref<128x128xf32, #tpu.memory_space<vmem_shared>>) target_semaphore(%run_scoped3A : memref<!tpu.dma_semaphore, #tpu.memory_space<semaphore_mem>>)
      %dma_wait3A = arith.constant 0 : i32
      %dma_wait3A_46 = tpu.memref_slice %arg7[%add3A_10, %dma_wait3A] : memref<10240x128xf32, #tpu.memory_space<vmem_shared>> -> memref<128x128xf32, #tpu.memory_space<vmem_shared>>
      %dma_wait3A_47 = arith.constant 0 : i32
      %dma_wait3A_48 = tpu.memref_slice %arg7[%add3A_10, %dma_wait3A_47] : memref<10240x128xf32, #tpu.memory_space<vmem_shared>> -> memref<128x128xf32, #tpu.memory_space<vmem_shared>>
      tpu.wait_dma2 semaphore(%run_scoped3A : memref<!tpu.dma_semaphore, #tpu.memory_space<semaphore_mem>>) src(%arg6 : memref<128x128xf32, #tpu.memory_space<vmem>>) dst(%dma_wait3A_48 : memref<128x128xf32, #tpu.memory_space<vmem_shared>>)
      tpu.yield
    }) : () -> ()
    %add3A_11 = arith.constant 256 : i32
    %add3A_12 = arith.addi %mul3A_2, %add3A_11 : i32
    "tpu.region"() ({
      %run_scoped3A = tpu.sem_alloc : memref<!tpu.dma_semaphore, #tpu.memory_space<semaphore_mem>>
      %dma_start3A = arith.constant 0 : i32
      %dma_start3A_43 = tpu.memref_slice %arg7[%add3A_12, %dma_start3A] : memref<10240x128xf32, #tpu.memory_space<vmem_shared>> -> memref<128x128xf32, #tpu.memory_space<vmem_shared>>
      %dma_start3A_44 = arith.constant 0 : i32
      %dma_start3A_45 = tpu.memref_slice %arg7[%add3A_12, %dma_start3A_44] : memref<10240x128xf32, #tpu.memory_space<vmem_shared>> -> memref<128x128xf32, #tpu.memory_space<vmem_shared>>
      tpu.enqueue_dma source(%arg6 : memref<128x128xf32, #tpu.memory_space<vmem>>) target(%dma_start3A_45 : memref<128x128xf32, #tpu.memory_space<vmem_shared>>) target_semaphore(%run_scoped3A : memref<!tpu.dma_semaphore, #tpu.memory_space<semaphore_mem>>)
      %dma_wait3A = arith.constant 0 : i32
      %dma_wait3A_46 = tpu.memref_slice %arg7[%add3A_12, %dma_wait3A] : memref<10240x128xf32, #tpu.memory_space<vmem_shared>> -> memref<128x128xf32, #tpu.memory_space<vmem_shared>>
      %dma_wait3A_47 = arith.constant 0 : i32
      %dma_wait3A_48 = tpu.memref_slice %arg7[%add3A_12, %dma_wait3A_47] : memref<10240x128xf32, #tpu.memory_space<vmem_shared>> -> memref<128x128xf32, #tpu.memory_space<vmem_shared>>
      tpu.wait_dma2 semaphore(%run_scoped3A : memref<!tpu.dma_semaphore, #tpu.memory_space<semaphore_mem>>) src(%arg6 : memref<128x128xf32, #tpu.memory_space<vmem>>) dst(%dma_wait3A_48 : memref<128x128xf32, #tpu.memory_space<vmem_shared>>)
      tpu.yield
    }) : () -> ()
    %add3A_13 = arith.constant 384 : i32
    %add3A_14 = arith.addi %mul3A_2, %add3A_13 : i32
    "tpu.region"() ({
      %run_scoped3A = tpu.sem_alloc : memref<!tpu.dma_semaphore, #tpu.memory_space<semaphore_mem>>
      %dma_start3A = arith.constant 0 : i32
      %dma_start3A_43 = tpu.memref_slice %arg7[%add3A_14, %dma_start3A] : memref<10240x128xf32, #tpu.memory_space<vmem_shared>> -> memref<128x128xf32, #tpu.memory_space<vmem_shared>>
      %dma_start3A_44 = arith.constant 0 : i32
      %dma_start3A_45 = tpu.memref_slice %arg7[%add3A_14, %dma_start3A_44] : memref<10240x128xf32, #tpu.memory_space<vmem_shared>> -> memref<128x128xf32, #tpu.memory_space<vmem_shared>>
      tpu.enqueue_dma source(%arg6 : memref<128x128xf32, #tpu.memory_space<vmem>>) target(%dma_start3A_45 : memref<128x128xf32, #tpu.memory_space<vmem_shared>>) target_semaphore(%run_scoped3A : memref<!tpu.dma_semaphore, #tpu.memory_space<semaphore_mem>>)
      %dma_wait3A = arith.constant 0 : i32
      %dma_wait3A_46 = tpu.memref_slice %arg7[%add3A_14, %dma_wait3A] : memref<10240x128xf32, #tpu.memory_space<vmem_shared>> -> memref<128x128xf32, #tpu.memory_space<vmem_shared>>
      %dma_wait3A_47 = arith.constant 0 : i32
      %dma_wait3A_48 = tpu.memref_slice %arg7[%add3A_14, %dma_wait3A_47] : memref<10240x128xf32, #tpu.memory_space<vmem_shared>> -> memref<128x128xf32, #tpu.memory_space<vmem_shared>>
      tpu.wait_dma2 semaphore(%run_scoped3A : memref<!tpu.dma_semaphore, #tpu.memory_space<semaphore_mem>>) src(%arg6 : memref<128x128xf32, #tpu.memory_space<vmem>>) dst(%dma_wait3A_48 : memref<128x128xf32, #tpu.memory_space<vmem_shared>>)
      tpu.yield
    }) : () -> ()
    %add3A_15 = arith.constant 512 : i32
    %add3A_16 = arith.addi %mul3A_2, %add3A_15 : i32
    "tpu.region"() ({
      %run_scoped3A = tpu.sem_alloc : memref<!tpu.dma_semaphore, #tpu.memory_space<semaphore_mem>>
      %dma_start3A = arith.constant 0 : i32
      %dma_start3A_43 = tpu.memref_slice %arg7[%add3A_16, %dma_start3A] : memref<10240x128xf32, #tpu.memory_space<vmem_shared>> -> memref<128x128xf32, #tpu.memory_space<vmem_shared>>
      %dma_start3A_44 = arith.constant 0 : i32
      %dma_start3A_45 = tpu.memref_slice %arg7[%add3A_16, %dma_start3A_44] : memref<10240x128xf32, #tpu.memory_space<vmem_shared>> -> memref<128x128xf32, #tpu.memory_space<vmem_shared>>
      tpu.enqueue_dma source(%arg6 : memref<128x128xf32, #tpu.memory_space<vmem>>) target(%dma_start3A_45 : memref<128x128xf32, #tpu.memory_space<vmem_shared>>) target_semaphore(%run_scoped3A : memref<!tpu.dma_semaphore, #tpu.memory_space<semaphore_mem>>)
      %dma_wait3A = arith.constant 0 : i32
      %dma_wait3A_46 = tpu.memref_slice %arg7[%add3A_16, %dma_wait3A] : memref<10240x128xf32, #tpu.memory_space<vmem_shared>> -> memref<128x128xf32, #tpu.memory_space<vmem_shared>>
      %dma_wait3A_47 = arith.constant 0 : i32
      %dma_wait3A_48 = tpu.memref_slice %arg7[%add3A_16, %dma_wait3A_47] : memref<10240x128xf32, #tpu.memory_space<vmem_shared>> -> memref<128x128xf32, #tpu.memory_space<vmem_shared>>
      tpu.wait_dma2 semaphore(%run_scoped3A : memref<!tpu.dma_semaphore, #tpu.memory_space<semaphore_mem>>) src(%arg6 : memref<128x128xf32, #tpu.memory_space<vmem>>) dst(%dma_wait3A_48 : memref<128x128xf32, #tpu.memory_space<vmem_shared>>)
      tpu.yield
    }) : () -> ()
    %barrier3A = arith.constant 0 : index
    tpu.barrier barrier_id(%barrier3A)
    %scan3A_17 = arith.constant 0 : i32
    %scan3A_18 = arith.constant 80 : i32
    %scan3A_19 = arith.addi %scan3A_17, %scan3A_18 : i32
    %scan3A_20 = arith.constant 1 : i32
    scf.for %scan3A_43 = %scan3A_17 to %scan3A_19 step %scan3A_20  : i32 {
      %mul3A_44 = arith.constant 1 : i32
      %mul3A_45 = arith.muli %scan3A_43, %mul3A_44 : i32
      %add3A_46 = arith.constant 0 : i32
      %add3A_47 = arith.addi %add3A_46, %mul3A_45 : i32
      %mul3A_48 = arith.constant 80 : i32
      %mul3A_49 = arith.muli %add3A, %mul3A_48 : i32
      %add3A_50 = arith.addi %mul3A_49, %add3A_47 : i32
      %run_scoped3A = arith.constant 1 : i32
      "tpu.region"() ({
        %run_scoped3A_65 = tpu.sem_alloc : memref<!tpu.dma_semaphore, #tpu.memory_space<semaphore_mem>>
        %dma_start3A_66 = arith.constant 0 : i32
        %dma_start3A_67 = tpu.memref_slice %arg3[%add3A_50, %run_scoped3A, %dma_start3A_66] : memref<2560x2x128xi32, #tpu.memory_space<hbm>> -> memref<1x1x128xi32, #tpu.memory_space<hbm>>
        %dma_start3A_68 = tpu.memref_squeeze %dma_start3A_67 : memref<1x1x128xi32, #tpu.memory_space<hbm>> -> memref<128xi32, #tpu.memory_space<hbm>>
        %dma_start3A_69 = arith.constant 0 : i32
        %dma_start3A_70 = tpu.memref_slice %arg3[%add3A_50, %run_scoped3A, %dma_start3A_69] : memref<2560x2x128xi32, #tpu.memory_space<hbm>> -> memref<1x1x128xi32, #tpu.memory_space<hbm>>
        %dma_start3A_71 = tpu.memref_squeeze %dma_start3A_70 : memref<1x1x128xi32, #tpu.memory_space<hbm>> -> memref<128xi32, #tpu.memory_space<hbm>>
        tpu.enqueue_dma source(%dma_start3A_71 : memref<128xi32, #tpu.memory_space<hbm>>) target(%arg5 : memref<128xi32, #tpu.memory_space<vmem>>) target_semaphore(%run_scoped3A_65 : memref<!tpu.dma_semaphore, #tpu.memory_space<semaphore_mem>>)
        %dma_wait3A_72 = arith.constant 0 : i32
        %dma_wait3A_73 = tpu.memref_slice %arg3[%add3A_50, %run_scoped3A, %dma_wait3A_72] : memref<2560x2x128xi32, #tpu.memory_space<hbm>> -> memref<1x1x128xi32, #tpu.memory_space<hbm>>
        %dma_wait3A_74 = tpu.memref_squeeze %dma_wait3A_73 : memref<1x1x128xi32, #tpu.memory_space<hbm>> -> memref<128xi32, #tpu.memory_space<hbm>>
        %dma_wait3A_75 = arith.constant 0 : i32
        %dma_wait3A_76 = tpu.memref_slice %arg3[%add3A_50, %run_scoped3A, %dma_wait3A_75] : memref<2560x2x128xi32, #tpu.memory_space<hbm>> -> memref<1x1x128xi32, #tpu.memory_space<hbm>>
        %dma_wait3A_77 = tpu.memref_squeeze %dma_wait3A_76 : memref<1x1x128xi32, #tpu.memory_space<hbm>> -> memref<128xi32, #tpu.memory_space<hbm>>
        tpu.wait_dma2 semaphore(%run_scoped3A_65 : memref<!tpu.dma_semaphore, #tpu.memory_space<semaphore_mem>>) src(%dma_wait3A_77 : memref<128xi32, #tpu.memory_space<hbm>>) dst(%arg5 : memref<128xi32, #tpu.memory_space<vmem>>)
        tpu.yield
      }) : () -> ()
      %dma_start3A = arith.constant 0 : i32
      %dma_start3A_51 = arith.constant 0 : i32
      %dma_start3A_52 = tpu.memref_slice %arg2[%add3A_50, %dma_start3A, %dma_start3A_51] : memref<2560x128x128xf32, #tpu.memory_space<hbm>> -> memref<1x128x128xf32, #tpu.memory_space<hbm>>
      %dma_start3A_53 = tpu.memref_squeeze %dma_start3A_52 : memref<1x128x128xf32, #tpu.memory_space<hbm>> -> memref<128x128xf32, #tpu.memory_space<hbm>>
      %dma_start3A_54 = arith.constant 0 : i32
      %dma_start3A_55 = arith.constant 0 : i32
      %dma_start3A_56 = tpu.memref_slice %arg2[%add3A_50, %dma_start3A_54, %dma_start3A_55] : memref<2560x128x128xf32, #tpu.memory_space<hbm>> -> memref<1x128x128xf32, #tpu.memory_space<hbm>>
      %dma_start3A_57 = tpu.memref_squeeze %dma_start3A_56 : memref<1x128x128xf32, #tpu.memory_space<hbm>> -> memref<128x128xf32, #tpu.memory_space<hbm>>
      tpu.enqueue_dma source(%dma_start3A_57 : memref<128x128xf32, #tpu.memory_space<hbm>>) target(%arg6 : memref<128x128xf32, #tpu.memory_space<vmem>>) target_semaphore(%arg8 : memref<!tpu.dma_semaphore, #tpu.memory_space<semaphore_mem>>)
      %dma_wait3A = arith.constant 0 : i32
      %dma_wait3A_58 = arith.constant 0 : i32
      %dma_wait3A_59 = tpu.memref_slice %arg2[%add3A_50, %dma_wait3A, %dma_wait3A_58] : memref<2560x128x128xf32, #tpu.memory_space<hbm>> -> memref<1x128x128xf32, #tpu.memory_space<hbm>>
      %dma_wait3A_60 = tpu.memref_squeeze %dma_wait3A_59 : memref<1x128x128xf32, #tpu.memory_space<hbm>> -> memref<128x128xf32, #tpu.memory_space<hbm>>
      %dma_wait3A_61 = arith.constant 0 : i32
      %dma_wait3A_62 = arith.constant 0 : i32
      %dma_wait3A_63 = tpu.memref_slice %arg2[%add3A_50, %dma_wait3A_61, %dma_wait3A_62] : memref<2560x128x128xf32, #tpu.memory_space<hbm>> -> memref<1x128x128xf32, #tpu.memory_space<hbm>>
      %dma_wait3A_64 = tpu.memref_squeeze %dma_wait3A_63 : memref<1x128x128xf32, #tpu.memory_space<hbm>> -> memref<128x128xf32, #tpu.memory_space<hbm>>
      tpu.wait_dma2 semaphore(%arg8 : memref<!tpu.dma_semaphore, #tpu.memory_space<semaphore_mem>>) src(%dma_wait3A_64 : memref<128x128xf32, #tpu.memory_space<hbm>>) dst(%arg6 : memref<128x128xf32, #tpu.memory_space<vmem>>)
      "tpu.region"() ({
        %run_scoped3A_65 = tpu.sem_alloc : memref<!tpu.dma_semaphore, #tpu.memory_space<semaphore_mem>>
        %dma_start3A_66 = arith.constant 0 : i32
        %dma_start3A_67 = arith.constant 0 : i32
        %dma_start3A_68 = tpu.memref_slice %arg7[%dma_start3A_66, %dma_start3A_67] : memref<10240x128xf32, #tpu.memory_space<vmem_shared>> -> memref<10240x128xf32, #tpu.memory_space<vmem_shared>>
        tpu.enqueue_indirect_dma source(%arg6 : memref<128x128xf32, #tpu.memory_space<vmem>>) target(%dma_start3A_68 : memref<10240x128xf32, #tpu.memory_space<vmem_shared>>) offsets(%arg5 : memref<128xi32, #tpu.memory_space<vmem>>) semaphore(%run_scoped3A_65 : memref<!tpu.dma_semaphore, #tpu.memory_space<semaphore_mem>>) {add = true}
        %dma_wait3A_69 = arith.constant 0 : i32
        %dma_wait3A_70 = arith.constant 0 : i32
        %dma_wait3A_71 = tpu.memref_slice %arg7[%dma_wait3A_69, %dma_wait3A_70] : memref<10240x128xf32, #tpu.memory_space<vmem_shared>> -> memref<10240x128xf32, #tpu.memory_space<vmem_shared>>
        tpu.wait_indirect_dma semaphore(%run_scoped3A_65 : memref<!tpu.dma_semaphore, #tpu.memory_space<semaphore_mem>>) src(%arg6 : memref<128x128xf32, #tpu.memory_space<vmem>>) dst(%dma_wait3A_71 : memref<10240x128xf32, #tpu.memory_space<vmem_shared>>)
        tpu.yield
      }) : () -> ()
    }
    %scan3A_21 = arith.constant 80 : i32
    %barrier3A_22 = arith.constant 0 : index
    tpu.barrier barrier_id(%barrier3A_22)
    %add3A_23 = arith.constant 0 : i32
    %add3A_24 = arith.addi %mul3A_2, %add3A_23 : i32
    "tpu.region"() ({
      %run_scoped3A = tpu.sem_alloc : memref<!tpu.dma_semaphore, #tpu.memory_space<semaphore_mem>>
      %dma_start3A = arith.constant 0 : i32
      %dma_start3A_43 = tpu.memref_slice %arg7[%add3A_24, %dma_start3A] : memref<10240x128xf32, #tpu.memory_space<vmem_shared>> -> memref<128x128xf32, #tpu.memory_space<vmem_shared>>
      %dma_start3A_44 = arith.constant 0 : i32
      %dma_start3A_45 = tpu.memref_slice %arg7[%add3A_24, %dma_start3A_44] : memref<10240x128xf32, #tpu.memory_space<vmem_shared>> -> memref<128x128xf32, #tpu.memory_space<vmem_shared>>
      tpu.enqueue_dma source(%dma_start3A_45 : memref<128x128xf32, #tpu.memory_space<vmem_shared>>) target(%arg6 : memref<128x128xf32, #tpu.memory_space<vmem>>) target_semaphore(%run_scoped3A : memref<!tpu.dma_semaphore, #tpu.memory_space<semaphore_mem>>)
      %dma_wait3A = arith.constant 0 : i32
      %dma_wait3A_46 = tpu.memref_slice %arg7[%add3A_24, %dma_wait3A] : memref<10240x128xf32, #tpu.memory_space<vmem_shared>> -> memref<128x128xf32, #tpu.memory_space<vmem_shared>>
      %dma_wait3A_47 = arith.constant 0 : i32
      %dma_wait3A_48 = tpu.memref_slice %arg7[%add3A_24, %dma_wait3A_47] : memref<10240x128xf32, #tpu.memory_space<vmem_shared>> -> memref<128x128xf32, #tpu.memory_space<vmem_shared>>
      tpu.wait_dma2 semaphore(%run_scoped3A : memref<!tpu.dma_semaphore, #tpu.memory_space<semaphore_mem>>) src(%dma_wait3A_48 : memref<128x128xf32, #tpu.memory_space<vmem_shared>>) dst(%arg6 : memref<128x128xf32, #tpu.memory_space<vmem>>)
      tpu.yield
    }) : () -> ()
    %add3A_25 = arith.constant 0 : i32
    %add3A_26 = arith.addi %mul3A_2, %add3A_25 : i32
    "tpu.region"() ({
      %run_scoped3A = tpu.sem_alloc : memref<!tpu.dma_semaphore, #tpu.memory_space<semaphore_mem>>
      %dma_start3A = arith.constant 0 : i32
      %dma_start3A_43 = tpu.memref_slice %arg4[%arg0, %add3A_26, %dma_start3A] : memref<2x10240x128xf32, #tpu.memory_space<hbm>> -> memref<1x128x128xf32, #tpu.memory_space<hbm>>
      %dma_start3A_44 = tpu.memref_squeeze %dma_start3A_43 : memref<1x128x128xf32, #tpu.memory_space<hbm>> -> memref<128x128xf32, #tpu.memory_space<hbm>>
      %dma_start3A_45 = arith.constant 0 : i32
      %dma_start3A_46 = tpu.memref_slice %arg4[%arg0, %add3A_26, %dma_start3A_45] : memref<2x10240x128xf32, #tpu.memory_space<hbm>> -> memref<1x128x128xf32, #tpu.memory_space<hbm>>
      %dma_start3A_47 = tpu.memref_squeeze %dma_start3A_46 : memref<1x128x128xf32, #tpu.memory_space<hbm>> -> memref<128x128xf32, #tpu.memory_space<hbm>>
      tpu.enqueue_dma source(%arg6 : memref<128x128xf32, #tpu.memory_space<vmem>>) target(%dma_start3A_47 : memref<128x128xf32, #tpu.memory_space<hbm>>) target_semaphore(%run_scoped3A : memref<!tpu.dma_semaphore, #tpu.memory_space<semaphore_mem>>)
      %dma_wait3A = arith.constant 0 : i32
      %dma_wait3A_48 = tpu.memref_slice %arg4[%arg0, %add3A_26, %dma_wait3A] : memref<2x10240x128xf32, #tpu.memory_space<hbm>> -> memref<1x128x128xf32, #tpu.memory_space<hbm>>
      %dma_wait3A_49 = tpu.memref_squeeze %dma_wait3A_48 : memref<1x128x128xf32, #tpu.memory_space<hbm>> -> memref<128x128xf32, #tpu.memory_space<hbm>>
      %dma_wait3A_50 = arith.constant 0 : i32
      %dma_wait3A_51 = tpu.memref_slice %arg4[%arg0, %add3A_26, %dma_wait3A_50] : memref<2x10240x128xf32, #tpu.memory_space<hbm>> -> memref<1x128x128xf32, #tpu.memory_space<hbm>>
      %dma_wait3A_52 = tpu.memref_squeeze %dma_wait3A_51 : memref<1x128x128xf32, #tpu.memory_space<hbm>> -> memref<128x128xf32, #tpu.memory_space<hbm>>
      tpu.wait_dma2 semaphore(%run_scoped3A : memref<!tpu.dma_semaphore, #tpu.memory_space<semaphore_mem>>) src(%arg6 : memref<128x128xf32, #tpu.memory_space<vmem>>) dst(%dma_wait3A_52 : memref<128x128xf32, #tpu.memory_space<hbm>>)
      tpu.yield
    }) : () -> ()
    %add3A_27 = arith.constant 128 : i32
    %add3A_28 = arith.addi %mul3A_2, %add3A_27 : i32
    "tpu.region"() ({
      %run_scoped3A = tpu.sem_alloc : memref<!tpu.dma_semaphore, #tpu.memory_space<semaphore_mem>>
      %dma_start3A = arith.constant 0 : i32
      %dma_start3A_43 = tpu.memref_slice %arg7[%add3A_28, %dma_start3A] : memref<10240x128xf32, #tpu.memory_space<vmem_shared>> -> memref<128x128xf32, #tpu.memory_space<vmem_shared>>
      %dma_start3A_44 = arith.constant 0 : i32
      %dma_start3A_45 = tpu.memref_slice %arg7[%add3A_28, %dma_start3A_44] : memref<10240x128xf32, #tpu.memory_space<vmem_shared>> -> memref<128x128xf32, #tpu.memory_space<vmem_shared>>
      tpu.enqueue_dma source(%dma_start3A_45 : memref<128x128xf32, #tpu.memory_space<vmem_shared>>) target(%arg6 : memref<128x128xf32, #tpu.memory_space<vmem>>) target_semaphore(%run_scoped3A : memref<!tpu.dma_semaphore, #tpu.memory_space<semaphore_mem>>)
      %dma_wait3A = arith.constant 0 : i32
      %dma_wait3A_46 = tpu.memref_slice %arg7[%add3A_28, %dma_wait3A] : memref<10240x128xf32, #tpu.memory_space<vmem_shared>> -> memref<128x128xf32, #tpu.memory_space<vmem_shared>>
      %dma_wait3A_47 = arith.constant 0 : i32
      %dma_wait3A_48 = tpu.memref_slice %arg7[%add3A_28, %dma_wait3A_47] : memref<10240x128xf32, #tpu.memory_space<vmem_shared>> -> memref<128x128xf32, #tpu.memory_space<vmem_shared>>
      tpu.wait_dma2 semaphore(%run_scoped3A : memref<!tpu.dma_semaphore, #tpu.memory_space<semaphore_mem>>) src(%dma_wait3A_48 : memref<128x128xf32, #tpu.memory_space<vmem_shared>>) dst(%arg6 : memref<128x128xf32, #tpu.memory_space<vmem>>)
      tpu.yield
    }) : () -> ()
    %add3A_29 = arith.constant 128 : i32
    %add3A_30 = arith.addi %mul3A_2, %add3A_29 : i32
    "tpu.region"() ({
      %run_scoped3A = tpu.sem_alloc : memref<!tpu.dma_semaphore, #tpu.memory_space<semaphore_mem>>
      %dma_start3A = arith.constant 0 : i32
      %dma_start3A_43 = tpu.memref_slice %arg4[%arg0, %add3A_30, %dma_start3A] : memref<2x10240x128xf32, #tpu.memory_space<hbm>> -> memref<1x128x128xf32, #tpu.memory_space<hbm>>
      %dma_start3A_44 = tpu.memref_squeeze %dma_start3A_43 : memref<1x128x128xf32, #tpu.memory_space<hbm>> -> memref<128x128xf32, #tpu.memory_space<hbm>>
      %dma_start3A_45 = arith.constant 0 : i32
      %dma_start3A_46 = tpu.memref_slice %arg4[%arg0, %add3A_30, %dma_start3A_45] : memref<2x10240x128xf32, #tpu.memory_space<hbm>> -> memref<1x128x128xf32, #tpu.memory_space<hbm>>
      %dma_start3A_47 = tpu.memref_squeeze %dma_start3A_46 : memref<1x128x128xf32, #tpu.memory_space<hbm>> -> memref<128x128xf32, #tpu.memory_space<hbm>>
      tpu.enqueue_dma source(%arg6 : memref<128x128xf32, #tpu.memory_space<vmem>>) target(%dma_start3A_47 : memref<128x128xf32, #tpu.memory_space<hbm>>) target_semaphore(%run_scoped3A : memref<!tpu.dma_semaphore, #tpu.memory_space<semaphore_mem>>)
      %dma_wait3A = arith.constant 0 : i32
      %dma_wait3A_48 = tpu.memref_slice %arg4[%arg0, %add3A_30, %dma_wait3A] : memref<2x10240x128xf32, #tpu.memory_space<hbm>> -> memref<1x128x128xf32, #tpu.memory_space<hbm>>
      %dma_wait3A_49 = tpu.memref_squeeze %dma_wait3A_48 : memref<1x128x128xf32, #tpu.memory_space<hbm>> -> memref<128x128xf32, #tpu.memory_space<hbm>>
      %dma_wait3A_50 = arith.constant 0 : i32
      %dma_wait3A_51 = tpu.memref_slice %arg4[%arg0, %add3A_30, %dma_wait3A_50] : memref<2x10240x128xf32, #tpu.memory_space<hbm>> -> memref<1x128x128xf32, #tpu.memory_space<hbm>>
      %dma_wait3A_52 = tpu.memref_squeeze %dma_wait3A_51 : memref<1x128x128xf32, #tpu.memory_space<hbm>> -> memref<128x128xf32, #tpu.memory_space<hbm>>
      tpu.wait_dma2 semaphore(%run_scoped3A : memref<!tpu.dma_semaphore, #tpu.memory_space<semaphore_mem>>) src(%arg6 : memref<128x128xf32, #tpu.memory_space<vmem>>) dst(%dma_wait3A_52 : memref<128x128xf32, #tpu.memory_space<hbm>>)
      tpu.yield
    }) : () -> ()
    %add3A_31 = arith.constant 256 : i32
    %add3A_32 = arith.addi %mul3A_2, %add3A_31 : i32
    "tpu.region"() ({
      %run_scoped3A = tpu.sem_alloc : memref<!tpu.dma_semaphore, #tpu.memory_space<semaphore_mem>>
      %dma_start3A = arith.constant 0 : i32
      %dma_start3A_43 = tpu.memref_slice %arg7[%add3A_32, %dma_start3A] : memref<10240x128xf32, #tpu.memory_space<vmem_shared>> -> memref<128x128xf32, #tpu.memory_space<vmem_shared>>
      %dma_start3A_44 = arith.constant 0 : i32
      %dma_start3A_45 = tpu.memref_slice %arg7[%add3A_32, %dma_start3A_44] : memref<10240x128xf32, #tpu.memory_space<vmem_shared>> -> memref<128x128xf32, #tpu.memory_space<vmem_shared>>
      tpu.enqueue_dma source(%dma_start3A_45 : memref<128x128xf32, #tpu.memory_space<vmem_shared>>) target(%arg6 : memref<128x128xf32, #tpu.memory_space<vmem>>) target_semaphore(%run_scoped3A : memref<!tpu.dma_semaphore, #tpu.memory_space<semaphore_mem>>)
      %dma_wait3A = arith.constant 0 : i32
      %dma_wait3A_46 = tpu.memref_slice %arg7[%add3A_32, %dma_wait3A] : memref<10240x128xf32, #tpu.memory_space<vmem_shared>> -> memref<128x128xf32, #tpu.memory_space<vmem_shared>>
      %dma_wait3A_47 = arith.constant 0 : i32
      %dma_wait3A_48 = tpu.memref_slice %arg7[%add3A_32, %dma_wait3A_47] : memref<10240x128xf32, #tpu.memory_space<vmem_shared>> -> memref<128x128xf32, #tpu.memory_space<vmem_shared>>
      tpu.wait_dma2 semaphore(%run_scoped3A : memref<!tpu.dma_semaphore, #tpu.memory_space<semaphore_mem>>) src(%dma_wait3A_48 : memref<128x128xf32, #tpu.memory_space<vmem_shared>>) dst(%arg6 : memref<128x128xf32, #tpu.memory_space<vmem>>)
      tpu.yield
    }) : () -> ()
    %add3A_33 = arith.constant 256 : i32
    %add3A_34 = arith.addi %mul3A_2, %add3A_33 : i32
    "tpu.region"() ({
      %run_scoped3A = tpu.sem_alloc : memref<!tpu.dma_semaphore, #tpu.memory_space<semaphore_mem>>
      %dma_start3A = arith.constant 0 : i32
      %dma_start3A_43 = tpu.memref_slice %arg4[%arg0, %add3A_34, %dma_start3A] : memref<2x10240x128xf32, #tpu.memory_space<hbm>> -> memref<1x128x128xf32, #tpu.memory_space<hbm>>
      %dma_start3A_44 = tpu.memref_squeeze %dma_start3A_43 : memref<1x128x128xf32, #tpu.memory_space<hbm>> -> memref<128x128xf32, #tpu.memory_space<hbm>>
      %dma_start3A_45 = arith.constant 0 : i32
      %dma_start3A_46 = tpu.memref_slice %arg4[%arg0, %add3A_34, %dma_start3A_45] : memref<2x10240x128xf32, #tpu.memory_space<hbm>> -> memref<1x128x128xf32, #tpu.memory_space<hbm>>
      %dma_start3A_47 = tpu.memref_squeeze %dma_start3A_46 : memref<1x128x128xf32, #tpu.memory_space<hbm>> -> memref<128x128xf32, #tpu.memory_space<hbm>>
      tpu.enqueue_dma source(%arg6 : memref<128x128xf32, #tpu.memory_space<vmem>>) target(%dma_start3A_47 : memref<128x128xf32, #tpu.memory_space<hbm>>) target_semaphore(%run_scoped3A : memref<!tpu.dma_semaphore, #tpu.memory_space<semaphore_mem>>)
      %dma_wait3A = arith.constant 0 : i32
      %dma_wait3A_48 = tpu.memref_slice %arg4[%arg0, %add3A_34, %dma_wait3A] : memref<2x10240x128xf32, #tpu.memory_space<hbm>> -> memref<1x128x128xf32, #tpu.memory_space<hbm>>
      %dma_wait3A_49 = tpu.memref_squeeze %dma_wait3A_48 : memref<1x128x128xf32, #tpu.memory_space<hbm>> -> memref<128x128xf32, #tpu.memory_space<hbm>>
      %dma_wait3A_50 = arith.constant 0 : i32
      %dma_wait3A_51 = tpu.memref_slice %arg4[%arg0, %add3A_34, %dma_wait3A_50] : memref<2x10240x128xf32, #tpu.memory_space<hbm>> -> memref<1x128x128xf32, #tpu.memory_space<hbm>>
      %dma_wait3A_52 = tpu.memref_squeeze %dma_wait3A_51 : memref<1x128x128xf32, #tpu.memory_space<hbm>> -> memref<128x128xf32, #tpu.memory_space<hbm>>
      tpu.wait_dma2 semaphore(%run_scoped3A : memref<!tpu.dma_semaphore, #tpu.memory_space<semaphore_mem>>) src(%arg6 : memref<128x128xf32, #tpu.memory_space<vmem>>) dst(%dma_wait3A_52 : memref<128x128xf32, #tpu.memory_space<hbm>>)
      tpu.yield
    }) : () -> ()
    %add3A_35 = arith.constant 384 : i32
    %add3A_36 = arith.addi %mul3A_2, %add3A_35 : i32
    "tpu.region"() ({
      %run_scoped3A = tpu.sem_alloc : memref<!tpu.dma_semaphore, #tpu.memory_space<semaphore_mem>>
      %dma_start3A = arith.constant 0 : i32
      %dma_start3A_43 = tpu.memref_slice %arg7[%add3A_36, %dma_start3A] : memref<10240x128xf32, #tpu.memory_space<vmem_shared>> -> memref<128x128xf32, #tpu.memory_space<vmem_shared>>
      %dma_start3A_44 = arith.constant 0 : i32
      %dma_start3A_45 = tpu.memref_slice %arg7[%add3A_36, %dma_start3A_44] : memref<10240x128xf32, #tpu.memory_space<vmem_shared>> -> memref<128x128xf32, #tpu.memory_space<vmem_shared>>
      tpu.enqueue_dma source(%dma_start3A_45 : memref<128x128xf32, #tpu.memory_space<vmem_shared>>) target(%arg6 : memref<128x128xf32, #tpu.memory_space<vmem>>) target_semaphore(%run_scoped3A : memref<!tpu.dma_semaphore, #tpu.memory_space<semaphore_mem>>)
      %dma_wait3A = arith.constant 0 : i32
      %dma_wait3A_46 = tpu.memref_slice %arg7[%add3A_36, %dma_wait3A] : memref<10240x128xf32, #tpu.memory_space<vmem_shared>> -> memref<128x128xf32, #tpu.memory_space<vmem_shared>>
      %dma_wait3A_47 = arith.constant 0 : i32
      %dma_wait3A_48 = tpu.memref_slice %arg7[%add3A_36, %dma_wait3A_47] : memref<10240x128xf32, #tpu.memory_space<vmem_shared>> -> memref<128x128xf32, #tpu.memory_space<vmem_shared>>
      tpu.wait_dma2 semaphore(%run_scoped3A : memref<!tpu.dma_semaphore, #tpu.memory_space<semaphore_mem>>) src(%dma_wait3A_48 : memref<128x128xf32, #tpu.memory_space<vmem_shared>>) dst(%arg6 : memref<128x128xf32, #tpu.memory_space<vmem>>)
      tpu.yield
    }) : () -> ()
    %add3A_37 = arith.constant 384 : i32
    %add3A_38 = arith.addi %mul3A_2, %add3A_37 : i32
    "tpu.region"() ({
      %run_scoped3A = tpu.sem_alloc : memref<!tpu.dma_semaphore, #tpu.memory_space<semaphore_mem>>
      %dma_start3A = arith.constant 0 : i32
      %dma_start3A_43 = tpu.memref_slice %arg4[%arg0, %add3A_38, %dma_start3A] : memref<2x10240x128xf32, #tpu.memory_space<hbm>> -> memref<1x128x128xf32, #tpu.memory_space<hbm>>
      %dma_start3A_44 = tpu.memref_squeeze %dma_start3A_43 : memref<1x128x128xf32, #tpu.memory_space<hbm>> -> memref<128x128xf32, #tpu.memory_space<hbm>>
      %dma_start3A_45 = arith.constant 0 : i32
      %dma_start3A_46 = tpu.memref_slice %arg4[%arg0, %add3A_38, %dma_start3A_45] : memref<2x10240x128xf32, #tpu.memory_space<hbm>> -> memref<1x128x128xf32, #tpu.memory_space<hbm>>
      %dma_start3A_47 = tpu.memref_squeeze %dma_start3A_46 : memref<1x128x128xf32, #tpu.memory_space<hbm>> -> memref<128x128xf32, #tpu.memory_space<hbm>>
      tpu.enqueue_dma source(%arg6 : memref<128x128xf32, #tpu.memory_space<vmem>>) target(%dma_start3A_47 : memref<128x128xf32, #tpu.memory_space<hbm>>) target_semaphore(%run_scoped3A : memref<!tpu.dma_semaphore, #tpu.memory_space<semaphore_mem>>)
      %dma_wait3A = arith.constant 0 : i32
      %dma_wait3A_48 = tpu.memref_slice %arg4[%arg0, %add3A_38, %dma_wait3A] : memref<2x10240x128xf32, #tpu.memory_space<hbm>> -> memref<1x128x128xf32, #tpu.memory_space<hbm>>
      %dma_wait3A_49 = tpu.memref_squeeze %dma_wait3A_48 : memref<1x128x128xf32, #tpu.memory_space<hbm>> -> memref<128x128xf32, #tpu.memory_space<hbm>>
      %dma_wait3A_50 = arith.constant 0 : i32
      %dma_wait3A_51 = tpu.memref_slice %arg4[%arg0, %add3A_38, %dma_wait3A_50] : memref<2x10240x128xf32, #tpu.memory_space<hbm>> -> memref<1x128x128xf32, #tpu.memory_space<hbm>>
      %dma_wait3A_52 = tpu.memref_squeeze %dma_wait3A_51 : memref<1x128x128xf32, #tpu.memory_space<hbm>> -> memref<128x128xf32, #tpu.memory_space<hbm>>
      tpu.wait_dma2 semaphore(%run_scoped3A : memref<!tpu.dma_semaphore, #tpu.memory_space<semaphore_mem>>) src(%arg6 : memref<128x128xf32, #tpu.memory_space<vmem>>) dst(%dma_wait3A_52 : memref<128x128xf32, #tpu.memory_space<hbm>>)
      tpu.yield
    }) : () -> ()
    %add3A_39 = arith.constant 512 : i32
    %add3A_40 = arith.addi %mul3A_2, %add3A_39 : i32
    "tpu.region"() ({
      %run_scoped3A = tpu.sem_alloc : memref<!tpu.dma_semaphore, #tpu.memory_space<semaphore_mem>>
      %dma_start3A = arith.constant 0 : i32
      %dma_start3A_43 = tpu.memref_slice %arg7[%add3A_40, %dma_start3A] : memref<10240x128xf32, #tpu.memory_space<vmem_shared>> -> memref<128x128xf32, #tpu.memory_space<vmem_shared>>
      %dma_start3A_44 = arith.constant 0 : i32
      %dma_start3A_45 = tpu.memref_slice %arg7[%add3A_40, %dma_start3A_44] : memref<10240x128xf32, #tpu.memory_space<vmem_shared>> -> memref<128x128xf32, #tpu.memory_space<vmem_shared>>
      tpu.enqueue_dma source(%dma_start3A_45 : memref<128x128xf32, #tpu.memory_space<vmem_shared>>) target(%arg6 : memref<128x128xf32, #tpu.memory_space<vmem>>) target_semaphore(%run_scoped3A : memref<!tpu.dma_semaphore, #tpu.memory_space<semaphore_mem>>)
      %dma_wait3A = arith.constant 0 : i32
      %dma_wait3A_46 = tpu.memref_slice %arg7[%add3A_40, %dma_wait3A] : memref<10240x128xf32, #tpu.memory_space<vmem_shared>> -> memref<128x128xf32, #tpu.memory_space<vmem_shared>>
      %dma_wait3A_47 = arith.constant 0 : i32
      %dma_wait3A_48 = tpu.memref_slice %arg7[%add3A_40, %dma_wait3A_47] : memref<10240x128xf32, #tpu.memory_space<vmem_shared>> -> memref<128x128xf32, #tpu.memory_space<vmem_shared>>
      tpu.wait_dma2 semaphore(%run_scoped3A : memref<!tpu.dma_semaphore, #tpu.memory_space<semaphore_mem>>) src(%dma_wait3A_48 : memref<128x128xf32, #tpu.memory_space<vmem_shared>>) dst(%arg6 : memref<128x128xf32, #tpu.memory_space<vmem>>)
      tpu.yield
    }) : () -> ()
    %add3A_41 = arith.constant 512 : i32
    %add3A_42 = arith.addi %mul3A_2, %add3A_41 : i32
    "tpu.region"() ({
      %run_scoped3A = tpu.sem_alloc : memref<!tpu.dma_semaphore, #tpu.memory_space<semaphore_mem>>
      %dma_start3A = arith.constant 0 : i32
      %dma_start3A_43 = tpu.memref_slice %arg4[%arg0, %add3A_42, %dma_start3A] : memref<2x10240x128xf32, #tpu.memory_space<hbm>> -> memref<1x128x128xf32, #tpu.memory_space<hbm>>
      %dma_start3A_44 = tpu.memref_squeeze %dma_start3A_43 : memref<1x128x128xf32, #tpu.memory_space<hbm>> -> memref<128x128xf32, #tpu.memory_space<hbm>>
      %dma_start3A_45 = arith.constant 0 : i32
      %dma_start3A_46 = tpu.memref_slice %arg4[%arg0, %add3A_42, %dma_start3A_45] : memref<2x10240x128xf32, #tpu.memory_space<hbm>> -> memref<1x128x128xf32, #tpu.memory_space<hbm>>
      %dma_start3A_47 = tpu.memref_squeeze %dma_start3A_46 : memref<1x128x128xf32, #tpu.memory_space<hbm>> -> memref<128x128xf32, #tpu.memory_space<hbm>>
      tpu.enqueue_dma source(%arg6 : memref<128x128xf32, #tpu.memory_space<vmem>>) target(%dma_start3A_47 : memref<128x128xf32, #tpu.memory_space<hbm>>) target_semaphore(%run_scoped3A : memref<!tpu.dma_semaphore, #tpu.memory_space<semaphore_mem>>)
      %dma_wait3A = arith.constant 0 : i32
      %dma_wait3A_48 = tpu.memref_slice %arg4[%arg0, %add3A_42, %dma_wait3A] : memref<2x10240x128xf32, #tpu.memory_space<hbm>> -> memref<1x128x128xf32, #tpu.memory_space<hbm>>
      %dma_wait3A_49 = tpu.memref_squeeze %dma_wait3A_48 : memref<1x128x128xf32, #tpu.memory_space<hbm>> -> memref<128x128xf32, #tpu.memory_space<hbm>>
      %dma_wait3A_50 = arith.constant 0 : i32
      %dma_wait3A_51 = tpu.memref_slice %arg4[%arg0, %add3A_42, %dma_wait3A_50] : memref<2x10240x128xf32, #tpu.memory_space<hbm>> -> memref<1x128x128xf32, #tpu.memory_space<hbm>>
      %dma_wait3A_52 = tpu.memref_squeeze %dma_wait3A_51 : memref<1x128x128xf32, #tpu.memory_space<hbm>> -> memref<128x128xf32, #tpu.memory_space<hbm>>
      tpu.wait_dma2 semaphore(%run_scoped3A : memref<!tpu.dma_semaphore, #tpu.memory_space<semaphore_mem>>) src(%arg6 : memref<128x128xf32, #tpu.memory_space<vmem>>) dst(%dma_wait3A_52 : memref<128x128xf32, #tpu.memory_space<hbm>>)
      tpu.yield
    }) : () -> ()
    return
  }
}

module attributes {stable_mosaic.version = 14 : i64} {
  func.func @_act_body(%arg0: i32, %arg1: memref<2048x128xf32, #tpu.memory_space<vmem>>, %arg2: memref<2048x16xf32, #tpu.memory_space<vmem>>, %arg3: memref<128x128xf32, #tpu.memory_space<vmem>>, %arg4: memref<16x128xf32, #tpu.memory_space<vmem>>, %arg5: memref<1x128xf32, #tpu.memory_space<vmem>>, %arg6: memref<2048x128xf32, #tpu.memory_space<vmem>>) attributes {dimension_semantics = [#tpu.dimension_semantics<arbitrary>], iteration_bounds = array<i64: 160>, scalar_prefetch = 0 : i64, scratch_operands = 0 : i64, tpu.core_type = #tpu.core_type<tc>, window_params = [{transform_indices = @transform_0, window_bounds = array<i64: 2048, 128>}, {transform_indices = @transform_1, window_bounds = array<i64: 2048, 16>}, {pipeline_mode = #tpu.pipeline_mode<synchronous>, transform_indices = @transform_2, window_bounds = array<i64: 128, 128>}, {pipeline_mode = #tpu.pipeline_mode<synchronous>, transform_indices = @transform_3, window_bounds = array<i64: 16, 128>}, {pipeline_mode = #tpu.pipeline_mode<synchronous>, transform_indices = @transform_4, window_bounds = array<i64: 1, 128>}, {transform_indices = @transform_5, window_bounds = array<i64: 2048, 128>}]} {
    %get3A = arith.constant 0 : index
    %get3A_0 = arith.constant 0 : index
    %get3A_1 = vector.load %arg1[%get3A, %get3A_0] : memref<2048x128xf32, #tpu.memory_space<vmem>>, vector<2048x128xf32>
    %get3A_2 = arith.constant 0 : index
    %get3A_3 = arith.constant 0 : index
    %get3A_4 = vector.load %arg3[%get3A_2, %get3A_3] : memref<128x128xf32, #tpu.memory_space<vmem>>, vector<128x128xf32>
    %dot_general3A = arith.constant dense<0.000000e+00> : vector<2048x128xf32>
    %dot_general3A_5 = tpu.matmul %get3A_1, %get3A_4, %dot_general3A {dimension_numbers = #tpu.dot_dimension_numbers<[1], [0], [0], [1], [0, 0, 1, 1], [], []>, transpose_lhs_hint = false} : vector<2048x128xf32>, vector<128x128xf32>, vector<2048x128xf32> -> vector<2048x128xf32>
    %get3A_6 = arith.constant 0 : index
    %get3A_7 = arith.constant 0 : index
    %get3A_8 = vector.load %arg2[%get3A_6, %get3A_7] : memref<2048x16xf32, #tpu.memory_space<vmem>>, vector<2048x16xf32>
    %get3A_9 = arith.constant 0 : index
    %get3A_10 = arith.constant 0 : index
    %get3A_11 = vector.load %arg4[%get3A_9, %get3A_10] : memref<16x128xf32, #tpu.memory_space<vmem>>, vector<16x128xf32>
    %dot_general3A_12 = arith.constant dense<0.000000e+00> : vector<2048x128xf32>
    %dot_general3A_13 = tpu.matmul %get3A_8, %get3A_11, %dot_general3A_12 {dimension_numbers = #tpu.dot_dimension_numbers<[1], [0], [0], [1], [0, 0, 1, 1], [], []>, transpose_lhs_hint = false} : vector<2048x16xf32>, vector<16x128xf32>, vector<2048x128xf32> -> vector<2048x128xf32>
    %add3A = arith.addf %dot_general3A_5, %dot_general3A_13 : vector<2048x128xf32>
    %get3A_14 = arith.constant 0 : index
    %get3A_15 = arith.constant 0 : index
    %get3A_16 = vector.load %arg5[%get3A_14, %get3A_15] : memref<1x128xf32, #tpu.memory_space<vmem>>, vector<1x128xf32>
    %add3A_17 = vector.broadcast %get3A_16 : vector<1x128xf32> to vector<2048x128xf32>
    %add3A_18 = arith.addf %add3A, %add3A_17 : vector<2048x128xf32>
    %swap3A = arith.constant 0 : index
    %swap3A_19 = arith.constant 0 : index
    %swap3A_20 = vector.load %arg6[%swap3A, %swap3A_19] : memref<2048x128xf32, #tpu.memory_space<vmem>>, vector<2048x128xf32>
    tpu.vector_store %arg6[%swap3A, %swap3A_19], %add3A_18 {strides = array<i32>} : memref<2048x128xf32, #tpu.memory_space<vmem>>, vector<2048x128xf32>,
    return
  }
  func.func @transform_0(%arg0: i32) -> (i32, i32) {
    %c0_i32 = arith.constant 0 : i32
    %c0_i32_0 = arith.constant 0 : i32
    return %arg0, %c0_i32 : i32, i32
  }
  func.func @transform_1(%arg0: i32) -> (i32, i32) {
    %c0_i32 = arith.constant 0 : i32
    %c0_i32_0 = arith.constant 0 : i32
    return %arg0, %c0_i32 : i32, i32
  }
  func.func @transform_2(%arg0: i32) -> (i32, i32) {
    %c0_i32 = arith.constant 0 : i32
    %c0_i32_0 = arith.constant 0 : i32
    %c0_i32_1 = arith.constant 0 : i32
    return %c0_i32, %c0_i32_0 : i32, i32
  }
  func.func @transform_3(%arg0: i32) -> (i32, i32) {
    %c0_i32 = arith.constant 0 : i32
    %c0_i32_0 = arith.constant 0 : i32
    %c0_i32_1 = arith.constant 0 : i32
    return %c0_i32, %c0_i32_0 : i32, i32
  }
  func.func @transform_4(%arg0: i32) -> (i32, i32) {
    %c0_i32 = arith.constant 0 : i32
    %c0_i32_0 = arith.constant 0 : i32
    %c0_i32_1 = arith.constant 0 : i32
    return %c0_i32, %c0_i32_0 : i32, i32
  }
  func.func @transform_5(%arg0: i32) -> (i32, i32) {
    %c0_i32 = arith.constant 0 : i32
    %c0_i32_0 = arith.constant 0 : i32
    return %arg0, %c0_i32 : i32, i32
  }
}

module attributes {stable_mosaic.version = 14 : i64} {
  func.func @_dense_body(%arg0: i32, %arg1: memref<2x512x128xf32, #tpu.memory_space<vmem>>, %arg2: memref<2x512x128xf32, #tpu.memory_space<vmem>>, %arg3: memref<512x128xf32, #tpu.memory_space<vmem>>, %arg4: memref<128x128xf32, #tpu.memory_space<vmem>>, %arg5: memref<128x384xf32, #tpu.memory_space<vmem>>, %arg6: memref<1x384xf32, #tpu.memory_space<vmem>>, %arg7: memref<128x384xf32, #tpu.memory_space<vmem>>, %arg8: memref<1x384xf32, #tpu.memory_space<vmem>>, %arg9: memref<512x128xf32, #tpu.memory_space<vmem>>) attributes {dimension_semantics = [#tpu.dimension_semantics<arbitrary>], iteration_bounds = array<i64: 20>, scalar_prefetch = 0 : i64, scratch_operands = 0 : i64, tpu.core_type = #tpu.core_type<tc>, window_params = [{transform_indices = @transform_0, window_bounds = array<i64: 2, 512, 128>}, {transform_indices = @transform_1, window_bounds = array<i64: 2, 512, 128>}, {transform_indices = @transform_2, window_bounds = array<i64: 512, 128>}, {pipeline_mode = #tpu.pipeline_mode<synchronous>, transform_indices = @transform_3, window_bounds = array<i64: 128, 128>}, {pipeline_mode = #tpu.pipeline_mode<synchronous>, transform_indices = @transform_4, window_bounds = array<i64: 128, 384>}, {pipeline_mode = #tpu.pipeline_mode<synchronous>, transform_indices = @transform_5, window_bounds = array<i64: 1, 384>}, {pipeline_mode = #tpu.pipeline_mode<synchronous>, transform_indices = @transform_6, window_bounds = array<i64: 128, 384>}, {pipeline_mode = #tpu.pipeline_mode<synchronous>, transform_indices = @transform_7, window_bounds = array<i64: 1, 384>}, {transform_indices = @transform_8, window_bounds = array<i64: 512, 128>}]} {
    %get3A = arith.constant 0 : index
    %get3A_0 = arith.constant 0 : index
    %get3A_1 = vector.load %arg3[%get3A, %get3A_0] : memref<512x128xf32, #tpu.memory_space<vmem>>, vector<512x128xf32>
    %get3A_2 = arith.constant 0 : index
    %get3A_3 = arith.constant 0 : index
    %get3A_4 = arith.constant 0 : index
    %get3A_5 = vector.load %arg2[%get3A_2, %get3A_3, %get3A_4] : memref<2x512x128xf32, #tpu.memory_space<vmem>>, vector<1x512x128xf32>
    %get3A_6 = vector.shape_cast %get3A_5 : vector<1x512x128xf32> to vector<512x128xf32>
    %slice3A = vector.extract_strided_slice %get3A_6 {offsets = [0, 0], sizes = [512, 1], strides = [1, 1]} : vector<512x128xf32> to vector<512x1xf32>
    %get3A_7 = arith.constant 1 : index
    %get3A_8 = arith.constant 0 : index
    %get3A_9 = arith.constant 0 : index
    %get3A_10 = vector.load %arg2[%get3A_7, %get3A_8, %get3A_9] : memref<2x512x128xf32, #tpu.memory_space<vmem>>, vector<1x512x128xf32>
    %get3A_11 = vector.shape_cast %get3A_10 : vector<1x512x128xf32> to vector<512x128xf32>
    %slice3A_12 = vector.extract_strided_slice %get3A_11 {offsets = [0, 0], sizes = [512, 1], strides = [1, 1]} : vector<512x128xf32> to vector<512x1xf32>
    %add3A = arith.addf %slice3A, %slice3A_12 : vector<512x1xf32>
    %get3A_13 = arith.constant 0 : index
    %get3A_14 = arith.constant 0 : index
    %get3A_15 = arith.constant 0 : index
    %get3A_16 = vector.load %arg1[%get3A_13, %get3A_14, %get3A_15] : memref<2x512x128xf32, #tpu.memory_space<vmem>>, vector<1x512x128xf32>
    %get3A_17 = vector.shape_cast %get3A_16 : vector<1x512x128xf32> to vector<512x128xf32>
    %get3A_18 = arith.constant 1 : index
    %get3A_19 = arith.constant 0 : index
    %get3A_20 = arith.constant 0 : index
    %get3A_21 = vector.load %arg1[%get3A_18, %get3A_19, %get3A_20] : memref<2x512x128xf32, #tpu.memory_space<vmem>>, vector<1x512x128xf32>
    %get3A_22 = vector.shape_cast %get3A_21 : vector<1x512x128xf32> to vector<512x128xf32>
    %add3A_23 = arith.addf %get3A_17, %get3A_22 : vector<512x128xf32>
    %get3A_24 = arith.constant 0 : index
    %get3A_25 = arith.constant 0 : index
    %get3A_26 = vector.load %arg4[%get3A_24, %get3A_25] : memref<128x128xf32, #tpu.memory_space<vmem>>, vector<128x128xf32>
    %dot_general3A = arith.constant dense<0.000000e+00> : vector<512x128xf32>
    %dot_general3A_27 = tpu.matmul %get3A_1, %get3A_26, %dot_general3A {dimension_numbers = #tpu.dot_dimension_numbers<[1], [0], [0], [1], [0, 0, 1, 1], [], []>, transpose_lhs_hint = false} : vector<512x128xf32>, vector<128x128xf32>, vector<512x128xf32> -> vector<512x128xf32>
    %mul3A = vector.broadcast %add3A : vector<512x1xf32> to vector<512x128xf32>
    %mul3A_28 = arith.mulf %mul3A, %dot_general3A_27 : vector<512x128xf32>
    %add3A_29 = arith.addf %add3A_23, %mul3A_28 : vector<512x128xf32>
    %get3A_30 = arith.constant 0 : index
    %get3A_31 = arith.constant 0 : index
    %get3A_32 = vector.load %arg5[%get3A_30, %get3A_31] : memref<128x384xf32, #tpu.memory_space<vmem>>, vector<128x384xf32>
    %dot_general3A_33 = arith.constant dense<0.000000e+00> : vector<512x384xf32>
    %dot_general3A_34 = tpu.matmul %add3A_29, %get3A_32, %dot_general3A_33 {dimension_numbers = #tpu.dot_dimension_numbers<[1], [0], [0], [1], [0, 0, 1, 1], [], []>, transpose_lhs_hint = false} : vector<512x128xf32>, vector<128x384xf32>, vector<512x384xf32> -> vector<512x384xf32>
    %get3A_35 = arith.constant 0 : index
    %get3A_36 = arith.constant 0 : index
    %get3A_37 = vector.load %arg6[%get3A_35, %get3A_36] : memref<1x384xf32, #tpu.memory_space<vmem>>, vector<1x384xf32>
    %add3A_38 = vector.broadcast %get3A_37 : vector<1x384xf32> to vector<512x384xf32>
    %add3A_39 = arith.addf %dot_general3A_34, %add3A_38 : vector<512x384xf32>
    %get3A_40 = arith.constant 0 : index
    %get3A_41 = arith.constant 0 : index
    %get3A_42 = vector.load %arg7[%get3A_40, %get3A_41] : memref<128x384xf32, #tpu.memory_space<vmem>>, vector<128x384xf32>
    %dot_general3A_43 = arith.constant dense<0.000000e+00> : vector<512x384xf32>
    %dot_general3A_44 = tpu.matmul %get3A_1, %get3A_42, %dot_general3A_43 {dimension_numbers = #tpu.dot_dimension_numbers<[1], [0], [0], [1], [0, 0, 1, 1], [], []>, transpose_lhs_hint = false} : vector<512x128xf32>, vector<128x384xf32>, vector<512x384xf32> -> vector<512x384xf32>
    %get3A_45 = arith.constant 0 : index
    %get3A_46 = arith.constant 0 : index
    %get3A_47 = vector.load %arg8[%get3A_45, %get3A_46] : memref<1x384xf32, #tpu.memory_space<vmem>>, vector<1x384xf32>
    %add3A_48 = vector.broadcast %get3A_47 : vector<1x384xf32> to vector<512x384xf32>
    %add3A_49 = arith.addf %dot_general3A_44, %add3A_48 : vector<512x384xf32>
    %slice3A_50 = vector.extract_strided_slice %add3A_39 {offsets = [0, 0], sizes = [512, 128], strides = [1, 1]} : vector<512x384xf32> to vector<512x128xf32>
    %slice3A_51 = vector.extract_strided_slice %add3A_49 {offsets = [0, 0], sizes = [512, 128], strides = [1, 1]} : vector<512x384xf32> to vector<512x128xf32>
    %add3A_52 = arith.addf %slice3A_50, %slice3A_51 : vector<512x128xf32>
    %logistic3A = arith.negf %add3A_52 : vector<512x128xf32>
    %logistic3A_53 = math.exp %logistic3A : vector<512x128xf32>
    %logistic3A_54 = arith.constant 1.000000e+00 : f32
    %logistic3A_55 = vector.broadcast %logistic3A_54 : f32 to vector<512x128xf32>
    %logistic3A_56 = arith.addf %logistic3A_55, %logistic3A_53 : vector<512x128xf32>
    %logistic3A_57 = arith.divf %logistic3A_55, %logistic3A_56 : vector<512x128xf32>
    %slice3A_58 = vector.extract_strided_slice %add3A_39 {offsets = [0, 128], sizes = [512, 128], strides = [1, 1]} : vector<512x384xf32> to vector<512x128xf32>
    %slice3A_59 = vector.extract_strided_slice %add3A_49 {offsets = [0, 128], sizes = [512, 128], strides = [1, 1]} : vector<512x384xf32> to vector<512x128xf32>
    %add3A_60 = arith.addf %slice3A_58, %slice3A_59 : vector<512x128xf32>
    %logistic3A_61 = arith.negf %add3A_60 : vector<512x128xf32>
    %logistic3A_62 = math.exp %logistic3A_61 : vector<512x128xf32>
    %logistic3A_63 = arith.constant 1.000000e+00 : f32
    %logistic3A_64 = vector.broadcast %logistic3A_63 : f32 to vector<512x128xf32>
    %logistic3A_65 = arith.addf %logistic3A_64, %logistic3A_62 : vector<512x128xf32>
    %logistic3A_66 = arith.divf %logistic3A_64, %logistic3A_65 : vector<512x128xf32>
    %slice3A_67 = vector.extract_strided_slice %add3A_39 {offsets = [0, 256], sizes = [512, 128], strides = [1, 1]} : vector<512x384xf32> to vector<512x128xf32>
    %slice3A_68 = vector.extract_strided_slice %add3A_49 {offsets = [0, 256], sizes = [512, 128], strides = [1, 1]} : vector<512x384xf32> to vector<512x128xf32>
    %mul3A_69 = arith.mulf %logistic3A_57, %slice3A_68 : vector<512x128xf32>
    %add3A_70 = arith.addf %slice3A_67, %mul3A_69 : vector<512x128xf32>
    %tanh3A = math.tanh %add3A_70 : vector<512x128xf32>
    %sub3A = arith.constant 1.000000e+00 : f32
    %sub3A_71 = vector.broadcast %sub3A : f32 to vector<512x128xf32>
    %sub3A_72 = arith.subf %sub3A_71, %logistic3A_66 : vector<512x128xf32>
    %mul3A_73 = arith.mulf %sub3A_72, %tanh3A : vector<512x128xf32>
    %mul3A_74 = arith.mulf %logistic3A_66, %get3A_1 : vector<512x128xf32>
    %add3A_75 = arith.addf %mul3A_73, %mul3A_74 : vector<512x128xf32>
    %swap3A = arith.constant 0 : index
    %swap3A_76 = arith.constant 0 : index
    %swap3A_77 = vector.load %arg9[%swap3A, %swap3A_76] : memref<512x128xf32, #tpu.memory_space<vmem>>, vector<512x128xf32>
    tpu.vector_store %arg9[%swap3A, %swap3A_76], %add3A_75 {strides = array<i32>} : memref<512x128xf32, #tpu.memory_space<vmem>>, vector<512x128xf32>,
    return
  }
  func.func @transform_0(%arg0: i32) -> (i32, i32, i32) {
    %c0_i32 = arith.constant 0 : i32
    %c0_i32_0 = arith.constant 0 : i32
    %c0_i32_1 = arith.constant 0 : i32
    return %c0_i32, %arg0, %c0_i32_0 : i32, i32, i32
  }
  func.func @transform_1(%arg0: i32) -> (i32, i32, i32) {
    %c0_i32 = arith.constant 0 : i32
    %c0_i32_0 = arith.constant 0 : i32
    %c0_i32_1 = arith.constant 0 : i32
    return %c0_i32, %arg0, %c0_i32_0 : i32, i32, i32
  }
  func.func @transform_2(%arg0: i32) -> (i32, i32) {
    %c0_i32 = arith.constant 0 : i32
    %c0_i32_0 = arith.constant 0 : i32
    return %arg0, %c0_i32 : i32, i32
  }
  func.func @transform_3(%arg0: i32) -> (i32, i32) {
    %c0_i32 = arith.constant 0 : i32
    %c0_i32_0 = arith.constant 0 : i32
    %c0_i32_1 = arith.constant 0 : i32
    return %c0_i32, %c0_i32_0 : i32, i32
  }
  func.func @transform_4(%arg0: i32) -> (i32, i32) {
    %c0_i32 = arith.constant 0 : i32
    %c0_i32_0 = arith.constant 0 : i32
    %c0_i32_1 = arith.constant 0 : i32
    return %c0_i32, %c0_i32_0 : i32, i32
  }
  func.func @transform_5(%arg0: i32) -> (i32, i32) {
    %c0_i32 = arith.constant 0 : i32
    %c0_i32_0 = arith.constant 0 : i32
    %c0_i32_1 = arith.constant 0 : i32
    return %c0_i32, %c0_i32_0 : i32, i32
  }
  func.func @transform_6(%arg0: i32) -> (i32, i32) {
    %c0_i32 = arith.constant 0 : i32
    %c0_i32_0 = arith.constant 0 : i32
    %c0_i32_1 = arith.constant 0 : i32
    return %c0_i32, %c0_i32_0 : i32, i32
  }
  func.func @transform_7(%arg0: i32) -> (i32, i32) {
    %c0_i32 = arith.constant 0 : i32
    %c0_i32_0 = arith.constant 0 : i32
    %c0_i32_1 = arith.constant 0 : i32
    return %c0_i32, %c0_i32_0 : i32, i32
  }
  func.func @transform_8(%arg0: i32) -> (i32, i32) {
    %c0_i32 = arith.constant 0 : i32
    %c0_i32_0 = arith.constant 0 : i32
    return %arg0, %c0_i32 : i32, i32
  }
}

</mosaic_0001>

<sc_bundles>
// kernel: kernel.11.cloned.1.call-start
scs
__scs_entry_jumppad:
0x0: {  	(pc) =	sbr.rel $0x88, $3  }
0x1: {  	(tag) =	ssettag $0x0;
	lr =	simm.s32 $0x1  }
0x2: {  	[smem:$0x3F92] =	sst lr;
	_ =	strace $0xD0000000  }
0x3: {  	_ = 	snop  }
0x4: {  	_ = 	snop  }
0x5: {  	_ = 	snop  }
0x6: {  	_ = 	snop  }
0x7: {  	_ = 	snop  }
__scs_overlays_trampoline_lowered:
0x8: {  	[smem:$0x3FA1] =	sst s0  }
0x9: {  	[smem:$0x3FA2] =	sst s1  }
0xa: {  	[smem:$0x3FA3] =	sst s2  }
0xb: {  	[smem:$0x3FA4] =	sst s3  }
0xc: {  	[smem:$0x3FA5] =	sst s4  }
0xd: {  	[smem:$0x3FA6] =	sst s5  }
0xe: {  	[smem:$0x3FA7] =	sst s6  }
0xf: {  	[smem:$0x3FA8] =	sst s7  }
0x10: {  	[smem:$0x3FA9] =	sst s8  }
0x11: {  	[smem:$0x3FAA] =	sst s9;
	s0 =	simm.s32 @!p0 $0x0  }
0x12: {  	s1 =	sld [smem:$0x3F90];
	s0 =	simm.s32 @p0 $0x1  }
0x13: {  	[smem:$0x3FAB] =	sst s0;
	s0 =	simm.s32 @!p1 $0x0  }
0x14: {  	s2 =	sld [smem:$0x3F8F];
	s0 =	simm.s32 @p1 $0x1  }
0x15: {  	[smem:$0x3FAC] =	sst s0;
	s0 =	simm.s32 @!p2 $0x0  }
0x16: {  	s3 =	sld [smem:$0x3FDB];
	s0 =	simm.s32 @p2 $0x1  }
0x17: {  	s4 =	simm.s32 $0x1BF5;
	[smem:$0x3FAE] =	sst s0  }
0x18: {  	s0 =	sld [smem:$0x3F91];
	_ =	swait.ge [sflag:s4], $0x0  }
0x19: {  	s7 =	sld [smem:$0x3F92]  }
0x1a: {  	s8 =	sadd.s32 $0xFFFFE003, lr  }
0x1b: {  	s9 =	sadd.s32 $0xFFFFFEF7, lr;
	s5 =	simm.s32 $0xFFFFFFFF;
	p2 =	slt.u32 s8, $0xFFFFF086  }
0x1c: {  	p1 =	slt.u32 s9, $0xF7A;
	s5 =	simm.s32 @!p2 $0x0  }
0x1d: {  	s5 =	simm.s32 @p1 $0x1;
	p0 =	seq.s32 s7, s2  }
0x1e: {  	s7 =	smul.u32 @!p0 $0xF7A, s2;
	p2 =	seq.s32 @!p0 s5, $0x0  }
0x1f: {  	s9 =	smul.u32 $0xF7A, s1;
	s8 =	simm.s32 @!p0 $0x1BF5;
	p2 =	por !p2, p0  }
0x20: {  	[sflag:s8] =	ssyncset.s32 @!p0 $0xFFFFF086;
	s6 =	sadd.s32 @!p0 s3, s7;
	s7 =	simm.s32 @!p0 $0x108  }
0x21: {  	s3 =	sadd.s32 s3, s9;
	s6 =	sadd.s32 @!p0 $0x88, s6;
	s7 =	simm.s32 @p2 $0x1082  }
0x22: {  	[simem:s7], [sflag:s8] =	dma.local @!p0 [hbm:s6], $0xF7A  }
0x23: {  	s9 =	sor.u32 $0xD0000000, s2;
	s6 =	simm.s32 $0x108;
	_ =	swait.ge @!p0 [sflag:s8], $0x0  }
0x24: {  	s3 =	sadd.s32 $0x88, s3;
	s6 =	simm.s32 @!p1 $0x1082;
	[sflag:s4] =	ssyncset.s32 $0xFFFFF086  }
0x25: {  	[simem:s6], [sflag:s4] =	dma.local [hbm:s3], $0xF7A  }
0x26: {  	[smem:$0x3F92] =	sst s1;
	(tag) =	ssettag s2;
	_ =	strace s9  }
0x27: {  	s1 =	sld [smem:$0x3FA2]  }
0x28: {  	s2 =	sld [smem:$0x3FA3]  }
0x29: {  	s4 =	sld [smem:$0x3FA5]  }
0x2a: {  	p0 =	seq.s32 s5, $0x0;
	s5 =	sld [smem:$0x3FA6]  }
0x2b: {  	s6 =	sld [smem:$0x3FA7]  }
0x2c: {  	s7 =	sld [smem:$0x3FA8]  }
0x2d: {  	s3 =	simm.s32 $0x108;
	s8 =	sld [smem:$0x3FA9]  }
0x2e: {  	s3 =	simm.s32 @!p0 $0x1082;
	s9 =	sld [smem:$0x3FAA]  }
0x2f: {  	lr =	sadd.s32 s0, s3;
	s0 =	sld [smem:$0x3FA1]  }
0x30: {  	s3 =	sld [smem:$0x3FA4]  }
0x31: {  	[smem:$0x3FAD] =	sst s10  }
0x32: {  	s10 =	sld [smem:$0x3FAB];
	_ =	sdelay $0x3  }
0x33: {  	p0 =	seq.s32 s10, $0x1;
	s10 =	sld [smem:$0x3FAD];
	_ =	sdelay $0x3  }
0x34: {  	[smem:$0x3FAD] =	sst s10  }
0x35: {  	s10 =	sld [smem:$0x3FAC];
	_ =	sdelay $0x3  }
0x36: {  	p1 =	seq.s32 s10, $0x1;
	s10 =	sld [smem:$0x3FAD];
	_ =	sdelay $0x3  }
0x37: {  	[smem:$0x3FAD] =	sst s10  }
0x38: {  	s10 =	sld [smem:$0x3FAE]  }
0x39: {  	_ = 	snop;
	(pc) =	sbr.ind lr, $3  }
0x3a: {  	_ = 	snop  }
0x3b: {  	_ = 	snop  }
0x3c: {  	p2 =	seq.s32 s10, $0x1;
	s10 =	sld [smem:$0x3FAD]  }
0x3d: {  	_ =	shalt  }
0x3e: {  	_ =	shalt  }
0x3f: {  	_ =	shalt  }
0x40: {  	_ =	shalt  }
0x41: {  	_ =	shalt  }
0x42: {  	_ =	shalt  }
0x43: {  	_ =	shalt  }
0x44: {  	_ =	shalt  }
0x45: {  	_ =	shalt  }
0x46: {  	_ =	shalt  }
0x47: {  	_ =	shalt  }
0x48: {  	_ =	shalt  }
0x49: {  	_ =	shalt  }
0x4a: {  	_ =	shalt  }
0x4b: {  	_ =	shalt  }
0x4c: {  	_ =	shalt  }
0x4d: {  	_ =	shalt  }
0x4e: {  	_ =	shalt  }
0x4f: {  	_ =	shalt  }
0x50: {  	_ =	shalt  }
0x51: {  	_ =	shalt  }
0x52: {  	_ =	shalt  }
0x53: {  	_ =	shalt  }
0x54: {  	_ =	shalt  }
0x55: {  	_ =	shalt  }
0x56: {  	_ =	shalt  }
0x57: {  	_ =	shalt  }
0x58: {  	_ =	shalt  }
0x59: {  	_ =	shalt  }
0x5a: {  	_ =	shalt  }
0x5b: {  	_ =	shalt  }
0x5c: {  	_ =	shalt  }
0x5d: {  	_ =	shalt  }
0x5e: {  	_ =	shalt  }
0x5f: {  	_ =	shalt  }
0x60: {  	_ =	shalt  }
0x61: {  	_ =	shalt  }
0x62: {  	_ =	shalt  }
0x63: {  	_ =	shalt  }
0x64: {  	_ =	shalt  }
0x65: {  	_ =	shalt  }
0x66: {  	_ =	shalt  }
0x67: {  	_ =	shalt  }
0x68: {  	_ =	shalt  }
0x69: {  	_ =	shalt  }
0x6a: {  	_ =	shalt  }
0x6b: {  	_ =	shalt  }
0x6c: {  	_ =	shalt  }
0x6d: {  	_ =	shalt  }
0x6e: {  	_ =	shalt  }
0x6f: {  	_ =	shalt  }
0x70: {  	_ =	shalt  }
0x71: {  	_ =	shalt  }
0x72: {  	_ =	shalt  }
0x73: {  	_ =	shalt  }
0x74: {  	_ =	shalt  }
0x75: {  	_ =	shalt  }
0x76: {  	_ =	shalt  }
0x77: {  	_ =	shalt  }
0x78: {  	_ =	shalt  }
0x79: {  	_ =	shalt  }
0x7a: {  	_ =	shalt  }
0x7b: {  	_ =	shalt  }
0x7c: {  	_ =	shalt  }
0x7d: {  	_ =	shalt  }
0x7e: {  	_ =	shalt  }
0x7f: {  	_ =	shalt  }
0x80: {  	_ =	shalt  }
0x81: {  	_ =	shalt  }
0x82: {  	_ =	shalt  }
0x83: {  	_ =	shalt  }
0x84: {  	_ =	shalt  }
0x85: {  	_ =	shalt  }
0x86: {  	_ =	shalt  }
0x87: {  	_ =	shalt  }
.Lfunc_end0:
.L_simem_size_0:
called_computation_lowered:
.L_overlay_start_0:
0x88: {  	s2 =	sld [smem:$0x3FD9]  }
0x89: {  	s3 =	sld [smem:$0x3FFE];
	_ =	sdelay $0x1  }
0x8a: {  	s1 =	srdreg.scid  }
0x8b: {  	s0 =	sand.u32 $0x1, s1  }
0x8c: {  	s17 =	sshll.u32 s0, $0xA;
	s2 =	sadd.s32 s3, s2  }
0x8d: {  	s2 =	sadd.s32 s2, s17  }
0x8e: {  	[smem:$0x3FB9] =	sst s2  }
0x8f: {  	_ = 	snop  }
0x90: {  	s18 =	sld [smem:$0x3FD0];
	(tm) =	ssettm $0x1  }
0x91: {  	s19 =	sld [smem:$0x3FFB];
	_ =	sdelay $0x3  }
0x92: {  	_ =	strace s19  }
0x93: {  	s2 =	sld [smem:$0x3FFC];
	_ =	sdelay $0x3  }
0x94: {  	_ =	strace s2  }
0x95: {  	s2 =	sld [smem:$0x3FFD];
	_ =	sdelay $0x3  }
0x96: {  	_ =	strace s2  }
0x97: {  	_ =	strace $0x8FFFFFFF  }
0x98: {  	s20 =	sld [smem:$0x3FDB];
	_ =	sdelay $0x1  }
0x99: {  	s4 =	simm.s32 $_scs_section_size  }
0x9a: {  	s5 =	simm.s32 $_size__tile_overlayer_lowered;
	s6 =	simm.s32 $_tile_overlayer_lowered  }
0x9b: {  	s7 =	simm.s32 $0x1BFF;
	s21 =	sshll.u32 s6, $0x1;
	s4 =	sadd.s32 s4, s20  }
0x9c: {  	s22 =	simm.s32 $0x0;
	s5 =	sshll.u32 s5, $0x1;
	s6 =	sadd.s32 s21, s4  }
0x9d: {  	[timem:s22], [sflag:s7] =	dma.local [hbm:s6], s5  }
0x9e: {  	_ =	swait.ge [sflag:s7], s5  }
0x9f: {  	s5 =	ssub.s32 $0x0, s5;
	[sflag:s7] =	ssyncset.done $0x0  }
0xa0: {  	[sflag:s7] =	ssyncadd.s32 s5;
	_ =	sdelay $0x1  }
0xa1: {  	s23 =	simm.s32 $0x1B8B  }
0xa2: {  	_ =	swait.ge [sflag:s23], $0x1  }
0xa3: {  	[sflag:s23] =	ssyncset.done $0x0  }
0xa4: {  	[sflag:s23] =	ssyncadd.s32 $0xFFFFFFFF  }
0xa5: {  	s5 =	sld [smem:$0x0]  }
0xa6: {  	s6 =	sand.u32 $0xFFFFFFFE, s1  }
0xa7: {  	p0 =	sne.s32 s1, s6  }
0xa8: {  	s6 =	sshll.u32 @p0 s6, $0xE  }
0xa9: {  	s6 =	sadd.s32 @p0 $0x11B8D, s6;
	s7 =	sshll.u32 @p0 s5, $0x11  }
0xaa: {  	s6 =	sor.u32 @p0 s7, s6  }
0xab: {  	[sflag:s6] =	ssyncadd.remote.s32 @p0 $0x1;
	_ =	sdelay $0x1  }
0xac: {  	s6 =	simm.s32 @p0 $0x1B8D  }
0xad: {  	_ =	swait.eq @p0 [sflag:s6], $0x1  }
0xae: {  	[sflag:s6] =	ssyncadd.s32 @p0 $0xFFFFFFFF  }
0xaf: {  	s7 =	sshll.u32 @!p0 s1, $0xE  }
0xb0: {  	s7 =	sor.u32 @!p0 $0x4000, s7;
	s6 =	simm.s32 @!p0 $0x1B8D  }
0xb1: {  	s5 =	sshll.u32 @!p0 s5, $0x11;
	s7 =	sadd.s32 @!p0 $0x11B8D, s7;
	_ =	swait.eq @!p0 [sflag:s6], $0x1  }
0xb2: {  	s5 =	sor.u32 @!p0 s5, s7;
	[sflag:s6] =	ssyncadd.s32 @!p0 $0xFFFFFFFF  }
0xb3: {  	s25 =	simm.s32 $0x1B8E;
	s24 =	sld [smem:$0x3FFE];
	[sflag:s5] =	ssyncadd.remote.s32 @!p0 $0x1  }
0xb4: {  	s26 =	simm.s32 $execute0_lowered;
	[smem:$0x3FD2] =	sst s25  }
0xb5: {  	s6 =	sshll.u32 s26, $0x1;
	_ =	strace $0x80000049;
	[dreg:$0x1] =	wrdreg $0xFFFFFFFF  }
0xb6: {  	s28 =	simm.s32 $_size_execute0_lowered;
	s4 =	sadd.s32 s4, s6;
	[dreg:$0x0] =	wrdreg $0x0  }
0xb7: {  	s6 =	sshll.u32 s28, $0x1;
	[dreg:$0x2] =	wrdreg s4  }
0xb8: {  	[dreg:$0x3] =	wrdreg s6  }
0xb9: {  	[dreg:$0x4] =	wrdreg $0xC0  }
0xba: {  	_ =	task [dreg:s22], $0x5FFFF  }
0xbb: {  	[dreg:$0x1] =	wrdreg $0xFFFFFFFF  }
0xbc: {  	[dreg:$0x0] =	wrdreg $0x60  }
0xbd: {  	[dreg:$0x2] =	wrdreg s18  }
0xbe: {  	[dreg:$0x3] =	wrdreg s24  }
0xbf: {  	[dreg:$0x4] =	wrdreg $0x40800  }
0xc0: {  	[dreg:$0x5] =	wrdreg $0x9  }
0xc1: {  	_ =	task.clear_ibuf [dreg:s22], $0x6FFFF;
	_ =	strace $0x90000049  }
0xc2: {  	s29 =	simm.s32 $0x9;
	_ =	strace $0x8000004B  }
0xc3: {  	_ =	swait.ge [sflag:s29], $0x1  }
0xc4: {  	[sflag:s29] =	ssyncadd.s32 $0xFFFFFFFF  }
0xc5: {  	_ =	strace $0x9000004B  }
0xc6: {  	_ =	sfence  }
0xc7: {  	s30 =	sld [smem:$0x0];
	_ =	sdelay $0x2  }
0xc8: {  	s31 =	sshll.u32 s1, $0xD;
	s1 =	sshrl.u32 s1, $0x2  }
0xc9: {  	s4 =	sand.u32 $0x4000, s31;
	s1 =	sadd.s32 s1, s30  }
0xca: {  	s0 =	sor.u32 s4, s0;
	s1 =	sshll.u32 s1, $0x11  }
0xcb: {  	s0 =	sor.u32 s1, s0  }
0xcc: {  	s0 =	sadd.s32 $0x8F2B, s0  }
0xcd: {  	[sflag:s0] =	ssyncadd.remote.s32 $0x1  }
0xce: {  	_ =	sfence.sel $0xFFFF  }
0xcf: {  	[dreg:$0x0] =	wrdreg $0xFFFFFFFF;
	(pc) =	sbr.abs _section_cstart, $3  }
0xd0: {  	[dreg:$0x1] =	wrdreg $0xFFFFFFFF  }
0xd1: {  	_ =	task.clear_ibuf [dreg:s22], $0x2FFFF;
	_ =	strace $0x9FFFFFFF  }
0xd2: {  	(tm) =	ssettm $0x7FFFFFFF  }
0xd3: {  	_ =	shalt  }
tec
execute0_lowered:
.L_overlay_start_1:
0x0: {  	(tag) =	ssettag $0x1  }
0x1: {  	s13 =	rddreg [dreg:$0x0]  }
0x2: {  	s4 =	rddreg [dreg:$0x1]  }
0x3: {  	s2 =	rddreg [dreg:$0x2];
	s1 =	stileid.u32  }
0x4: {  	s0 =	rddreg [dreg:$0x3];
	s6 =	smul.u32 $0x50000, s1  }
0x5: {  	s5 =	srdreg.scid;
	s9 =	smul.u32 $0x14000, s1  }
0x6: {  	s3 =	simm.s32 $0x0;
	s12 =	sand.u32 $0x1, s5;
	s29 =	smul.u32 $0x1400, s1  }
0x7: {  	[smem:$0x7FF] =	sst s3;
	s14 =	sadd.s32 $0x52C000, s4;
	s17 =	smul.u32 $0x140000, s12  }
0x8: {  	_ =	strace $0x8000004A;
	s26 =	ssub.s32 $0x2, s12;
	s19 =	smul.u32 $0xA00, s12  }
0x9: {  	s28 =	sshrl.u32 s26, $0x1;
	s6 =	sshrl.u32 s6, $0x2;
	s10 =	sadd.s32 $0x4000, s9  }
0xa: {  	s11 =	sadd.s32 $0x8000, s9;
	s16 =	sadd.s32 $0xC000, s9;
	s18 =	sadd.s32 $0x10000, s9  }
0xb: {  	s31 =	sadd.s32 s29, s13;
	s15 =	ssub.s32 s26, s28;
	s4 =	sadd.s32 s6, s2  }
0xc: {  	s5 =	sadd.s32 s10, s2;
	s6 =	sadd.s32 s11, s2;
	s7 =	sadd.s32 s16, s2  }
0xd: {  	s8 =	sadd.s32 s18, s2;
	s9 =	sadd.s32 s9, s17;
	s10 =	sadd.s32 s17, s10  }
0xe: {  	s11 =	sadd.s32 s17, s11;
	s16 =	sadd.s32 s17, s16;
	s17 =	sadd.s32 s17, s18  }
0xf: {  	s18 =	simm.s32 $0x0;
	s9 =	sshrl.u32 s9, $0x3;
	s10 =	sshrl.u32 s10, $0x3  }
0x10: {  	s11 =	sshrl.u32 s11, $0x3;
	s16 =	sshrl.u32 s16, $0x3;
	s30 =	sshrl.u32 s17, $0x3  }
0x11: {  	s17 =	simm.s32 $0x1;
	s9 =	sadd.s32 s14, s9;
	s10 =	sadd.s32 s14, s10  }
0x12: {  	s11 =	sadd.s32 s14, s11;
	s12 =	sadd.s32 s14, s16;
	s13 =	sadd.s32 s14, s30  }
0x13: {  	v0 =	vimm.f32 $0.0e+00;
	v1 =	vimm.f32 $1.000000000e+00;
	s14 =	smax.u32 s15, $0x1;
	s15 =	sadd.s32 s19, s31;
	s16 =	simm.s32 $0x80  }
.LBB2_1:
0x14: {  	s19 =	simm.s32 $0x0;
	s20 =	simm.s32 $0x200  }
.LBB2_2:
0x15: {  	p0 =	sne.s32 s20, $0xFE00;
	[tilespmem:s19+$0xF0] =	vst v0  }
0x16: {  	[tilespmem:s19+$0x80] =	vst v0  }
0x17: {  	[tilespmem:s19+$0x90] =	vst v0  }
.Ltmp0:
0x18: {  	[tilespmem:s19+$0xA0] =	vst v0;
	(pc) =	sbr.rel @p0 .LBB2_2-.Ltmp0, $4  }
0x19: {  	[tilespmem:s19+$0xB0] =	vst v0  }
0x1a: {  	[tilespmem:s19+$0xC0] =	vst v0  }
0x1b: {  	[tilespmem:s19+$0xD0] =	vst v0  }
0x1c: {  	[tilespmem:s19+$0xE0] =	vst v0;
	s19 =	sshra.s32 s20, $0x2;
	s20 =	sadd.s32 $0x200, s20  }
0x1d: {  	[tilespmem:s19+$0xF0] =	vst v0  }
0x1e: {  	[tilespmem:s19+$0x80] =	vst v0  }
0x1f: {  	[tilespmem:s19+$0x90] =	vst v0  }
0x20: {  	[tilespmem:s19+$0xA0] =	vst v0  }
0x21: {  	[tilespmem:s19+$0xB0] =	vst v0  }
0x22: {  	[tilespmem:s19+$0xC0] =	vst v0  }
0x23: {  	[tilespmem:s19+$0xD0] =	vst v0  }
0x24: {  	[tilespmem:s19+$0xE0] =	vst v0  }
0x25: {  	[spmem:s4] =	stream.linear.scatter [tilespmem:s16], [sflag:$0x1], $0x4000, $0x38;
	[tilespmem:$0x18080] =	vst v63  }
0x26: {  	_ =	swait.ge [sflag:s17], $0x4000  }
0x27: {  	[sflag:s17] =	ssyncset.done $0x0  }
0x28: {  	[sflag:s17] =	ssyncadd.s32 $0xFFFFC000  }
0x29: {  	[spmem:s5] =	stream.linear.scatter [tilespmem:s16], [sflag:$0x1], $0x4000, $0x38;
	[tilespmem:$0x18080] =	vst v63  }
0x2a: {  	_ =	swait.ge [sflag:s17], $0x4000  }
0x2b: {  	[sflag:s17] =	ssyncset.done $0x0  }
0x2c: {  	[sflag:s17] =	ssyncadd.s32 $0xFFFFC000  }
0x2d: {  	[spmem:s6] =	stream.linear.scatter [tilespmem:s16], [sflag:$0x1], $0x4000, $0x38;
	[tilespmem:$0x18080] =	vst v63  }
0x2e: {  	_ =	swait.ge [sflag:s17], $0x4000  }
0x2f: {  	[sflag:s17] =	ssyncset.done $0x0  }
0x30: {  	[sflag:s17] =	ssyncadd.s32 $0xFFFFC000  }
0x31: {  	[spmem:s7] =	stream.linear.scatter [tilespmem:s16], [sflag:$0x1], $0x4000, $0x38;
	[tilespmem:$0x18080] =	vst v63  }
0x32: {  	_ =	swait.ge [sflag:s17], $0x4000  }
0x33: {  	[sflag:s17] =	ssyncset.done $0x0  }
0x34: {  	[sflag:s17] =	ssyncadd.s32 $0xFFFFC000  }
0x35: {  	[spmem:s8] =	stream.linear.scatter [tilespmem:s16], [sflag:$0x1], $0x4000, $0x38;
	[tilespmem:$0x18080] =	vst v63  }
0x36: {  	_ =	swait.ge [sflag:s17], $0x4000  }
0x37: {  	[sflag:s17] =	ssyncset.done $0x0  }
0x38: {  	s19 =	simm.s32 $0x0;
	s20 =	simm.s32 $0x200;
	[sflag:s17] =	ssyncadd.s32 $0xFFFFC000  }
.LBB2_4:
0x39: {  	p0 =	sne.s32 s20, $0xFE00;
	[tilespmem:s19+$0xF0] =	vst v1  }
0x3a: {  	[tilespmem:s19+$0x80] =	vst v1  }
0x3b: {  	[tilespmem:s19+$0x90] =	vst v1  }
.Ltmp1:
0x3c: {  	[tilespmem:s19+$0xA0] =	vst v1;
	(pc) =	sbr.rel @p0 .LBB2_4-.Ltmp1, $4  }
0x3d: {  	[tilespmem:s19+$0xB0] =	vst v1  }
0x3e: {  	[tilespmem:s19+$0xC0] =	vst v1  }
0x3f: {  	[tilespmem:s19+$0xD0] =	vst v1  }
0x40: {  	[tilespmem:s19+$0xE0] =	vst v1;
	s19 =	sshra.s32 s20, $0x2;
	s20 =	sadd.s32 $0x200, s20  }
0x41: {  	[tilespmem:s19+$0xF0] =	vst v1  }
0x42: {  	[tilespmem:s19+$0x80] =	vst v1  }
0x43: {  	[tilespmem:s19+$0x90] =	vst v1  }
0x44: {  	[tilespmem:s19+$0xA0] =	vst v1  }
0x45: {  	[tilespmem:s19+$0xB0] =	vst v1  }
0x46: {  	[tilespmem:s19+$0xC0] =	vst v1  }
0x47: {  	[tilespmem:s19+$0xD0] =	vst v1  }
0x48: {  	[tilespmem:s19+$0xE0] =	vst v1  }
0x49: {  	s31 =	sadd.s32 $0x10, s15;
	[bflag:$0x0] =	sbarrier.arrive $0xFFFF  }
0x4a: {  	[tilespmem:s3], [sflag:$0x1] =	stream.linear.gather [hbm4b:s31+s3], $0x80, $0x38;
	[tilespmem:$0x18080] =	vst v63  }
0x4b: {  	_ =	swait.ge [sflag:s17], $0x80  }
0x4c: {  	[sflag:s17] =	ssyncset.done $0x0  }
0x4d: {  	[sflag:s17] =	ssyncadd.s32 $0xFFFFFF80  }
0x4e: {  	[spmem:s2] =	stream.indirect.scatter.add.f32 [tilespmem:s16], [sflag:$0x1], $0x80, s3, s16, $0xb8;
	[tilespmem:$0x18080] =	vst v63  }
0x4f: {  	_ =	swait.ge [sflag:s17], $0x4000  }
0x50: {  	s19 =	simm.s32 $0x30;
	s20 =	simm.s32 $0x50;
	[sflag:s17] =	ssyncset.done $0x0  }
.LBB2_6:
0x51: {  	s21 =	sadd.s32 s19, s15  }
0x52: {  	[sflag:s17] =	ssyncadd.s32 $0xFFFFC000;
	s19 =	smov.u32 s20;
	s22 =	sadd.s32 $0x20, s20  }
0x53: {  	[tilespmem:s3], [sflag:$0x1] =	stream.linear.gather [hbm4b:s21+s3], $0x80, $0x38;
	[tilespmem:$0x18080] =	vst v63  }
0x54: {  	p0 =	sne.s32 s20, $0x9F0;
	_ =	swait.ge [sflag:s17], $0x80  }
.Ltmp2:
0x55: {  	[sflag:s17] =	ssyncset.done $0x0;
	(pc) =	sbr.rel @p0 .LBB2_6-.Ltmp2, $4  }
0x56: {  	[sflag:s17] =	ssyncadd.s32 $0xFFFFFF80  }
0x57: {  	[spmem:s2] =	stream.indirect.scatter.add.f32 [tilespmem:s16], [sflag:$0x1], $0x80, s3, s16, $0xb8;
	[tilespmem:$0x18080] =	vst v63  }
0x58: {  	_ =	swait.ge [sflag:s17], $0x4000  }
0x59: {  	s20 =	smov.u32 s22;
	[sflag:s17] =	ssyncset.done $0x0  }
0x5a: {  	s19 =	sadd.s32 s19, s15;
	[sflag:s17] =	ssyncadd.s32 $0xFFFFC000  }
0x5b: {  	[tilespmem:s3], [sflag:$0x1] =	stream.linear.gather [hbm4b:s19+s3], $0x80, $0x38;
	[tilespmem:$0x18080] =	vst v63  }
0x5c: {  	_ =	swait.ge [sflag:s17], $0x80  }
0x5d: {  	[sflag:s17] =	ssyncset.done $0x0  }
0x5e: {  	[sflag:s17] =	ssyncadd.s32 $0xFFFFFF80  }
0x5f: {  	[spmem:s2] =	stream.indirect.scatter.add.f32 [tilespmem:s16], [sflag:$0x1], $0x80, s3, s16, $0xb8;
	[tilespmem:$0x18080] =	vst v63  }
0x60: {  	_ =	swait.ge [sflag:s17], $0x4000  }
0x61: {  	[sflag:s17] =	ssyncset.done $0x0  }
0x62: {  	[sflag:s17] =	ssyncadd.s32 $0xFFFFC000  }
0x63: {  	[bflag:$0x0] =	sbarrier.arrive $0xFFFF  }
0x64: {  	[tilespmem:s16], [sflag:$0x1] =	stream.linear.gather [spmem:s4], $0x4000, $0x38;
	[tilespmem:$0x18080] =	vst v63  }
0x65: {  	_ =	swait.ge [sflag:s17], $0x4000  }
0x66: {  	[sflag:s17] =	ssyncset.done $0x0  }
0x67: {  	[sflag:s17] =	ssyncadd.s32 $0xFFFFC000  }
0x68: {  	[hbm4b:s9+s3] =	stream.linear.scatter [tilespmem:s16], [sflag:$0x1], $0x4000, $0x38;
	[tilespmem:$0x18080] =	vst v63  }
0x69: {  	_ =	swait.ge [sflag:s17], $0x4000  }
0x6a: {  	[sflag:s17] =	ssyncset.done $0x0  }
0x6b: {  	[sflag:s17] =	ssyncadd.s32 $0xFFFFC000  }
0x6c: {  	[tilespmem:s16], [sflag:$0x1] =	stream.linear.gather [spmem:s5], $0x4000, $0x38;
	[tilespmem:$0x18080] =	vst v63  }
0x6d: {  	_ =	swait.ge [sflag:s17], $0x4000  }
0x6e: {  	[sflag:s17] =	ssyncset.done $0x0  }
0x6f: {  	[sflag:s17] =	ssyncadd.s32 $0xFFFFC000  }
0x70: {  	[hbm4b:s10+s3] =	stream.linear.scatter [tilespmem:s16], [sflag:$0x1], $0x4000, $0x38;
	[tilespmem:$0x18080] =	vst v63  }
0x71: {  	_ =	swait.ge [sflag:s17], $0x4000  }
0x72: {  	[sflag:s17] =	ssyncset.done $0x0  }
0x73: {  	[sflag:s17] =	ssyncadd.s32 $0xFFFFC000  }
0x74: {  	[tilespmem:s16], [sflag:$0x1] =	stream.linear.gather [spmem:s6], $0x4000, $0x38;
	[tilespmem:$0x18080] =	vst v63  }
0x75: {  	_ =	swait.ge [sflag:s17], $0x4000  }
0x76: {  	[sflag:s17] =	ssyncset.done $0x0  }
0x77: {  	[sflag:s17] =	ssyncadd.s32 $0xFFFFC000  }
0x78: {  	[hbm4b:s11+s3] =	stream.linear.scatter [tilespmem:s16], [sflag:$0x1], $0x4000, $0x38;
	[tilespmem:$0x18080] =	vst v63  }
0x79: {  	_ =	swait.ge [sflag:s17], $0x4000  }
0x7a: {  	[sflag:s17] =	ssyncset.done $0x0  }
0x7b: {  	[sflag:s17] =	ssyncadd.s32 $0xFFFFC000  }
0x7c: {  	[tilespmem:s16], [sflag:$0x1] =	stream.linear.gather [spmem:s7], $0x4000, $0x38;
	[tilespmem:$0x18080] =	vst v63  }
0x7d: {  	_ =	swait.ge [sflag:s17], $0x4000  }
0x7e: {  	[sflag:s17] =	ssyncset.done $0x0  }
0x7f: {  	[sflag:s17] =	ssyncadd.s32 $0xFFFFC000  }
0x80: {  	[hbm4b:s12+s3] =	stream.linear.scatter [tilespmem:s16], [sflag:$0x1], $0x4000, $0x38;
	[tilespmem:$0x18080] =	vst v63  }
0x81: {  	_ =	swait.ge [sflag:s17], $0x4000  }
0x82: {  	[sflag:s17] =	ssyncset.done $0x0  }
0x83: {  	[sflag:s17] =	ssyncadd.s32 $0xFFFFC000  }
0x84: {  	[tilespmem:s16], [sflag:$0x1] =	stream.linear.gather [spmem:s8], $0x4000, $0x38;
	[tilespmem:$0x18080] =	vst v63  }
0x85: {  	s18 =	sadd.s32 $0x1, s18;
	_ =	swait.ge [sflag:s17], $0x4000  }
0x86: {  	p0 =	sne.s32 s18, s14;
	[sflag:s17] =	ssyncset.done $0x0  }
.Ltmp3:
0x87: {  	[sflag:s17] =	ssyncadd.s32 $0xFFFFC000;
	(pc) =	sbr.rel @p0 .LBB2_1-.Ltmp3, $4  }
0x88: {  	[hbm4b:s13+s3] =	stream.linear.scatter [tilespmem:s16], [sflag:$0x1], $0x4000, $0x38;
	[tilespmem:$0x18080] =	vst v63  }
0x89: {  	_ =	swait.ge [sflag:s17], $0x4000  }
0x8a: {  	[sflag:s17] =	ssyncset.done $0x0  }
0x8b: {  	[sflag:s17] =	ssyncadd.s32 $0xFFFFC000  }
0x8c: {  	_ =	sfence.sel $0x180000  }
0x8d: {  	[bflag:$0x0] =	sbarrier.arrive $0xFFFF  }
0x8e: {  	p0 =	sne.s32 s1, $0x0;
	_ =	strace $0x9000004A  }
0x8f: {  	s0 =	sadd.s32 @!p0 $0x100000, s0;
	[bflag:$0x2] =	sbarrier.arrive $0xFFFF  }
0x90: {  	[sflag:s0] =	ssyncadd.tile.s32 @!p0 $0x1;
	_ =	shalt  }
.Lfunc_end2:
_tile_overlayer_lowered:
.L_overlay_start_2:
0x91: {  	(tag) =	ssettag $0x2  }
0x92: {  	s0 =	rddreg [dreg:$0x0];
	s2 =	stileid.u32  }
0x93: {  	s1 =	rddreg [dreg:$0x1];
	p0 =	sne.s32 s2, $0x0  }
0x94: {  	s3 =	rddreg [dreg:$0x2];
	[bflag:$0x3] =	sbarrier.arrive $0xFFFF;
	s2 =	simm.s32 @!p0 $0x1C01  }
0x95: {  	[timem:s3], [sflag:s2] =	dma.local @!p0 [hbm:s0], s1  }
0x96: {  	s0 =	simm.s32 @!p0 $0x1  }
0x97: {  	_ =	swait.ge @!p0 [sflag:s0], s1  }
0x98: {  	s1 =	ssub.s32 @!p0 $0x0, s1;
	[sflag:s0] =	ssyncset.done @!p0 $0x0  }
0x99: {  	[sflag:s0] =	ssyncadd.s32 @!p0 s1  }
0x9a: {  	[bflag:$0x3] =	sbarrier.arrive $0xFFFF  }
0x9b: {  	_ =	shalt  }

// kernel: kernel.14.cloned.1.call-start
scs
__scs_entry_jumppad:
0x0: {  	(pc) =	sbr.rel $0x88, $3  }
0x1: {  	(tag) =	ssettag $0x0;
	lr =	simm.s32 $0x1  }
0x2: {  	[smem:$0x3F92] =	sst lr;
	_ =	strace $0xD0000000  }
0x3: {  	_ = 	snop  }
0x4: {  	_ = 	snop  }
0x5: {  	_ = 	snop  }
0x6: {  	_ = 	snop  }
0x7: {  	_ = 	snop  }
__scs_overlays_trampoline_lowered:
0x8: {  	[smem:$0x3FA1] =	sst s0  }
0x9: {  	[smem:$0x3FA2] =	sst s1  }
0xa: {  	[smem:$0x3FA3] =	sst s2  }
0xb: {  	[smem:$0x3FA4] =	sst s3  }
0xc: {  	[smem:$0x3FA5] =	sst s4  }
0xd: {  	[smem:$0x3FA6] =	sst s5  }
0xe: {  	[smem:$0x3FA7] =	sst s6  }
0xf: {  	[smem:$0x3FA8] =	sst s7  }
0x10: {  	[smem:$0x3FA9] =	sst s8  }
0x11: {  	[smem:$0x3FAA] =	sst s9;
	s0 =	simm.s32 @!p0 $0x0  }
0x12: {  	s1 =	sld [smem:$0x3F90];
	s0 =	simm.s32 @p0 $0x1  }
0x13: {  	[smem:$0x3FAB] =	sst s0;
	s0 =	simm.s32 @!p1 $0x0  }
0x14: {  	s2 =	sld [smem:$0x3F8F];
	s0 =	simm.s32 @p1 $0x1  }
0x15: {  	[smem:$0x3FAC] =	sst s0;
	s0 =	simm.s32 @!p2 $0x0  }
0x16: {  	s3 =	sld [smem:$0x3FDB];
	s0 =	simm.s32 @p2 $0x1  }
0x17: {  	s4 =	simm.s32 $0x1BF5;
	[smem:$0x3FAE] =	sst s0  }
0x18: {  	s0 =	sld [smem:$0x3F91];
	_ =	swait.ge [sflag:s4], $0x0  }
0x19: {  	s7 =	sld [smem:$0x3F92]  }
0x1a: {  	s8 =	sadd.s32 $0xFFFFE003, lr  }
0x1b: {  	s9 =	sadd.s32 $0xFFFFFEF7, lr;
	s5 =	simm.s32 $0xFFFFFFFF;
	p2 =	slt.u32 s8, $0xFFFFF086  }
0x1c: {  	p1 =	slt.u32 s9, $0xF7A;
	s5 =	simm.s32 @!p2 $0x0  }
0x1d: {  	s5 =	simm.s32 @p1 $0x1;
	p0 =	seq.s32 s7, s2  }
0x1e: {  	s7 =	smul.u32 @!p0 $0xF7A, s2;
	p2 =	seq.s32 @!p0 s5, $0x0  }
0x1f: {  	s9 =	smul.u32 $0xF7A, s1;
	s8 =	simm.s32 @!p0 $0x1BF5;
	p2 =	por !p2, p0  }
0x20: {  	[sflag:s8] =	ssyncset.s32 @!p0 $0xFFFFF086;
	s6 =	sadd.s32 @!p0 s3, s7;
	s7 =	simm.s32 @!p0 $0x108  }
0x21: {  	s3 =	sadd.s32 s3, s9;
	s6 =	sadd.s32 @!p0 $0x88, s6;
	s7 =	simm.s32 @p2 $0x1082  }
0x22: {  	[simem:s7], [sflag:s8] =	dma.local @!p0 [hbm:s6], $0xF7A  }
0x23: {  	s9 =	sor.u32 $0xD0000000, s2;
	s6 =	simm.s32 $0x108;
	_ =	swait.ge @!p0 [sflag:s8], $0x0  }
0x24: {  	s3 =	sadd.s32 $0x88, s3;
	s6 =	simm.s32 @!p1 $0x1082;
	[sflag:s4] =	ssyncset.s32 $0xFFFFF086  }
0x25: {  	[simem:s6], [sflag:s4] =	dma.local [hbm:s3], $0xF7A  }
0x26: {  	[smem:$0x3F92] =	sst s1;
	(tag) =	ssettag s2;
	_ =	strace s9  }
0x27: {  	s1 =	sld [smem:$0x3FA2]  }
0x28: {  	s2 =	sld [smem:$0x3FA3]  }
0x29: {  	s4 =	sld [smem:$0x3FA5]  }
0x2a: {  	p0 =	seq.s32 s5, $0x0;
	s5 =	sld [smem:$0x3FA6]  }
0x2b: {  	s6 =	sld [smem:$0x3FA7]  }
0x2c: {  	s7 =	sld [smem:$0x3FA8]  }
0x2d: {  	s3 =	simm.s32 $0x108;
	s8 =	sld [smem:$0x3FA9]  }
0x2e: {  	s3 =	simm.s32 @!p0 $0x1082;
	s9 =	sld [smem:$0x3FAA]  }
0x2f: {  	lr =	sadd.s32 s0, s3;
	s0 =	sld [smem:$0x3FA1]  }
0x30: {  	s3 =	sld [smem:$0x3FA4]  }
0x31: {  	[smem:$0x3FAD] =	sst s10  }
0x32: {  	s10 =	sld [smem:$0x3FAB];
	_ =	sdelay $0x3  }
0x33: {  	p0 =	seq.s32 s10, $0x1;
	s10 =	sld [smem:$0x3FAD];
	_ =	sdelay $0x3  }
0x34: {  	[smem:$0x3FAD] =	sst s10  }
0x35: {  	s10 =	sld [smem:$0x3FAC];
	_ =	sdelay $0x3  }
0x36: {  	p1 =	seq.s32 s10, $0x1;
	s10 =	sld [smem:$0x3FAD];
	_ =	sdelay $0x3  }
0x37: {  	[smem:$0x3FAD] =	sst s10  }
0x38: {  	s10 =	sld [smem:$0x3FAE]  }
0x39: {  	_ = 	snop;
	(pc) =	sbr.ind lr, $3  }
0x3a: {  	_ = 	snop  }
0x3b: {  	_ = 	snop  }
0x3c: {  	p2 =	seq.s32 s10, $0x1;
	s10 =	sld [smem:$0x3FAD]  }
0x3d: {  	_ =	shalt  }
0x3e: {  	_ =	shalt  }
0x3f: {  	_ =	shalt  }
0x40: {  	_ =	shalt  }
0x41: {  	_ =	shalt  }
0x42: {  	_ =	shalt  }
0x43: {  	_ =	shalt  }
0x44: {  	_ =	shalt  }
0x45: {  	_ =	shalt  }
0x46: {  	_ =	shalt  }
0x47: {  	_ =	shalt  }
0x48: {  	_ =	shalt  }
0x49: {  	_ =	shalt  }
0x4a: {  	_ =	shalt  }
0x4b: {  	_ =	shalt  }
0x4c: {  	_ =	shalt  }
0x4d: {  	_ =	shalt  }
0x4e: {  	_ =	shalt  }
0x4f: {  	_ =	shalt  }
0x50: {  	_ =	shalt  }
0x51: {  	_ =	shalt  }
0x52: {  	_ =	shalt  }
0x53: {  	_ =	shalt  }
0x54: {  	_ =	shalt  }
0x55: {  	_ =	shalt  }
0x56: {  	_ =	shalt  }
0x57: {  	_ =	shalt  }
0x58: {  	_ =	shalt  }
0x59: {  	_ =	shalt  }
0x5a: {  	_ =	shalt  }
0x5b: {  	_ =	shalt  }
0x5c: {  	_ =	shalt  }
0x5d: {  	_ =	shalt  }
0x5e: {  	_ =	shalt  }
0x5f: {  	_ =	shalt  }
0x60: {  	_ =	shalt  }
0x61: {  	_ =	shalt  }
0x62: {  	_ =	shalt  }
0x63: {  	_ =	shalt  }
0x64: {  	_ =	shalt  }
0x65: {  	_ =	shalt  }
0x66: {  	_ =	shalt  }
0x67: {  	_ =	shalt  }
0x68: {  	_ =	shalt  }
0x69: {  	_ =	shalt  }
0x6a: {  	_ =	shalt  }
0x6b: {  	_ =	shalt  }
0x6c: {  	_ =	shalt  }
0x6d: {  	_ =	shalt  }
0x6e: {  	_ =	shalt  }
0x6f: {  	_ =	shalt  }
0x70: {  	_ =	shalt  }
0x71: {  	_ =	shalt  }
0x72: {  	_ =	shalt  }
0x73: {  	_ =	shalt  }
0x74: {  	_ =	shalt  }
0x75: {  	_ =	shalt  }
0x76: {  	_ =	shalt  }
0x77: {  	_ =	shalt  }
0x78: {  	_ =	shalt  }
0x79: {  	_ =	shalt  }
0x7a: {  	_ =	shalt  }
0x7b: {  	_ =	shalt  }
0x7c: {  	_ =	shalt  }
0x7d: {  	_ =	shalt  }
0x7e: {  	_ =	shalt  }
0x7f: {  	_ =	shalt  }
0x80: {  	_ =	shalt  }
0x81: {  	_ =	shalt  }
0x82: {  	_ =	shalt  }
0x83: {  	_ =	shalt  }
0x84: {  	_ =	shalt  }
0x85: {  	_ =	shalt  }
0x86: {  	_ =	shalt  }
0x87: {  	_ =	shalt  }
.Lfunc_end0:
.L_simem_size_0:
called_computation.1_lowered:
.L_overlay_start_0:
0x88: {  	s2 =	sld [smem:$0x3FD9]  }
0x89: {  	s3 =	sld [smem:$0x3FFE];
	_ =	sdelay $0x1  }
0x8a: {  	s1 =	srdreg.scid  }
0x8b: {  	s0 =	sand.u32 $0x1, s1  }
0x8c: {  	s17 =	sshll.u32 s0, $0xA;
	s2 =	sadd.s32 s3, s2  }
0x8d: {  	s2 =	sadd.s32 s2, s17  }
0x8e: {  	[smem:$0x3FB9] =	sst s2  }
0x8f: {  	_ = 	snop  }
0x90: {  	s2 =	sld [smem:$0x3FD0];
	(tm) =	ssettm $0x1  }
0x91: {  	s18 =	sld [smem:$0x3FFB];
	_ =	sdelay $0x3  }
0x92: {  	_ =	strace s18  }
0x93: {  	s3 =	sld [smem:$0x3FFC];
	_ =	sdelay $0x3  }
0x94: {  	_ =	strace s3  }
0x95: {  	s3 =	sld [smem:$0x3FFD];
	_ =	sdelay $0x3  }
0x96: {  	_ =	strace s3  }
0x97: {  	_ =	strace $0x8FFFFFFF  }
0x98: {  	s19 =	sld [smem:$0x3FDB];
	_ =	sdelay $0x1  }
0x99: {  	s4 =	simm.s32 $_scs_section_size  }
0x9a: {  	s5 =	simm.s32 $_size__tile_overlayer_lowered;
	s6 =	simm.s32 $_tile_overlayer_lowered  }
0x9b: {  	s22 =	simm.s32 $0x1BFF;
	s21 =	sshll.u32 s6, $0x1;
	s3 =	sadd.s32 s4, s19  }
0x9c: {  	s7 =	simm.s32 $0x0;
	s20 =	sshll.u32 s5, $0x1;
	s5 =	sadd.s32 s21, s3  }
0x9d: {  	[timem:s7], [sflag:s22] =	dma.local [hbm:s5], s20  }
0x9e: {  	_ =	swait.ge [sflag:s22], s20  }
0x9f: {  	s4 =	ssub.s32 $0x0, s20;
	[sflag:s22] =	ssyncset.done $0x0  }
0xa0: {  	[sflag:s22] =	ssyncadd.s32 s4;
	_ =	sdelay $0x1  }
0xa1: {  	s23 =	simm.s32 $0x1B8B  }
0xa2: {  	_ =	swait.ge [sflag:s23], $0x1  }
0xa3: {  	[sflag:s23] =	ssyncset.done $0x0  }
0xa4: {  	s25 =	simm.s32 $0x1B8E;
	s24 =	sld [smem:$0x3FFE];
	[sflag:s23] =	ssyncadd.s32 $0xFFFFFFFF  }
0xa5: {  	s26 =	simm.s32 $execute0_lowered;
	[smem:$0x3FD2] =	sst s25  }
0xa6: {  	s5 =	sshll.u32 s26, $0x1;
	_ =	strace $0x80000046;
	[dreg:$0x1] =	wrdreg $0xFFFFFFFF  }
0xa7: {  	s28 =	simm.s32 $_size_execute0_lowered;
	s3 =	sadd.s32 s3, s5;
	[dreg:$0x0] =	wrdreg $0x0  }
0xa8: {  	s5 =	sshll.u32 s28, $0x1;
	[dreg:$0x2] =	wrdreg s3  }
0xa9: {  	[dreg:$0x3] =	wrdreg s5  }
0xaa: {  	[dreg:$0x4] =	wrdreg $0xC0  }
0xab: {  	_ =	task [dreg:s7], $0x5FFFF  }
0xac: {  	[dreg:$0x1] =	wrdreg $0xFFFFFFFF  }
0xad: {  	[dreg:$0x0] =	wrdreg $0x60  }
0xae: {  	[dreg:$0x2] =	wrdreg s24  }
0xaf: {  	[dreg:$0x3] =	wrdreg s2  }
0xb0: {  	[dreg:$0x4] =	wrdreg $0xA  }
0xb1: {  	_ =	task.clear_ibuf [dreg:s7], $0x5FFFF;
	_ =	strace $0x90000046  }
0xb2: {  	s29 =	simm.s32 $0xA;
	_ =	strace $0x80000048  }
0xb3: {  	_ =	swait.ge [sflag:s29], $0x1  }
0xb4: {  	[sflag:s29] =	ssyncadd.s32 $0xFFFFFFFF  }
0xb5: {  	_ =	strace $0x90000048  }
0xb6: {  	_ =	sfence  }
0xb7: {  	s30 =	sld [smem:$0x0];
	_ =	sdelay $0x2  }
0xb8: {  	s31 =	sshll.u32 s1, $0xD;
	s1 =	sshrl.u32 s1, $0x2  }
0xb9: {  	s3 =	sand.u32 $0x4000, s31;
	s1 =	sadd.s32 s1, s30  }
0xba: {  	s0 =	sor.u32 s3, s0;
	s1 =	sshll.u32 s1, $0x11  }
0xbb: {  	s0 =	sor.u32 s1, s0  }
0xbc: {  	s0 =	sadd.s32 $0x8F2B, s0  }
0xbd: {  	[sflag:s0] =	ssyncadd.remote.s32 $0x1  }
0xbe: {  	_ =	sfence.sel $0xFFFF  }
0xbf: {  	[dreg:$0x0] =	wrdreg $0xFFFFFFFF;
	(pc) =	sbr.abs _section_cstart, $3  }
0xc0: {  	[dreg:$0x1] =	wrdreg $0xFFFFFFFF  }
0xc1: {  	_ =	task.clear_ibuf [dreg:s7], $0x2FFFF;
	_ =	strace $0x9FFFFFFF  }
0xc2: {  	(tm) =	ssettm $0x7FFFFFFF  }
0xc3: {  	_ =	shalt  }
tec
execute0_lowered:
.L_overlay_start_1:
0x0: {  	(tag) =	ssettag $0x1  }
0x1: {  	s3 =	rddreg [dreg:$0x0]  }
0x2: {  	s5 =	rddreg [dreg:$0x1];
	s1 =	stileid.u32  }
0x3: {  	s2 =	simm.s32 $0x0;
	s4 =	srdreg.scid;
	s6 =	smul.u32 $0x50000, s1  }
0x4: {  	[smem:$0x7FF] =	sst s2;
	s4 =	sand.u32 $0x1, s4;
	s10 =	smul.u32 $0x1400, s1  }
0x5: {  	s0 =	rddreg [dreg:$0x2];
	_ =	strace $0x80000047;
	s8 =	smul.u32 $0x28000, s4  }
0x6: {  	s7 =	ssub.s32 $0x2, s4;
	s30 =	smul.u32 $0xA00, s4;
	s6 =	sadd.s32 s6, s3  }
0x7: {  	s9 =	sshrl.u32 s7, $0x1;
	s3 =	sadd.s32 $0x4000, s3;
	s31 =	sadd.s32 s10, s5  }
0x8: {  	s10 =	simm.s32 $0x0;
	s7 =	ssub.s32 s7, s9;
	s6 =	sadd.s32 s8, s6  }
0x9: {  	s8 =	simm.s32 $0x80;
	s9 =	simm.s32 $0x1;
	s4 =	smax.u32 s7, $0x1  }
0xa: {  	s5 =	sadd.s32 $0x2C000, s6;
	s6 =	sadd.s32 s30, s31;
	s7 =	simm.s32 $0x2  }
.LBB2_1:
0xb: {  	s11 =	sadd.s32 $0x0, s6  }
0xc: {  	[tilespmem:s2], [sflag:$0x2] =	stream.linear.gather [hbm4b:s11+s2], $0x80, $0x38;
	[tilespmem:$0x4080] =	vst v63  }
0xd: {  	_ =	swait.ge [sflag:s7], $0x80  }
0xe: {  	[sflag:s7] =	ssyncset.done $0x0  }
0xf: {  	[sflag:s7] =	ssyncadd.s32 $0xFFFFFF80  }
0x10: {  	[tilespmem:s8], [sflag:$0x1] =	stream.indirect.gather [hbm4b:s3+s8], $0x80, s2, s8, $0xb8;
	[tilespmem:$0x4080] =	vst v63  }
0x11: {  	_ =	swait.ge [sflag:s9], $0x4000  }
0x12: {  	[sflag:s9] =	ssyncset.done $0x0  }
0x13: {  	[sflag:s9] =	ssyncadd.s32 $0xFFFFC000  }
0x14: {  	[hbm4b:s5+s2] =	stream.linear.scatter [tilespmem:s8], [sflag:$0x2], $0x4000, $0x38;
	[tilespmem:$0x4080] =	vst v63  }
0x15: {  	s12 =	simm.s32 $0x20;
	_ =	swait.ge [sflag:s7], $0x4000  }
0x16: {  	s13 =	simm.s32 $0x40;
	s11 =	sadd.s32 $0x800, s5;
	[sflag:s7] =	ssyncset.done $0x0  }
.LBB2_2:
0x17: {  	s14 =	sadd.s32 s12, s6  }
0x18: {  	[sflag:s7] =	ssyncadd.s32 $0xFFFFC000;
	s12 =	smov.u32 s13;
	s15 =	sadd.s32 $0x20, s13  }
0x19: {  	[tilespmem:s2], [sflag:$0x2] =	stream.linear.gather [hbm4b:s14+s2], $0x80, $0x38;
	[tilespmem:$0x4080] =	vst v63  }
0x1a: {  	p0 =	sne.s32 s13, $0x9E0;
	_ =	swait.ge [sflag:s7], $0x80  }
0x1b: {  	[sflag:s7] =	ssyncset.done $0x0  }
0x1c: {  	[sflag:s7] =	ssyncadd.s32 $0xFFFFFF80  }
0x1d: {  	[tilespmem:s8], [sflag:$0x1] =	stream.indirect.gather [hbm4b:s3+s8], $0x80, s2, s8, $0xb8;
	[tilespmem:$0x4080] =	vst v63  }
0x1e: {  	_ =	swait.ge [sflag:s9], $0x4000  }
.Ltmp0:
0x1f: {  	[sflag:s9] =	ssyncset.done $0x0;
	(pc) =	sbr.rel @p0 .LBB2_2-.Ltmp0, $4  }
0x20: {  	[sflag:s9] =	ssyncadd.s32 $0xFFFFC000  }
0x21: {  	[hbm4b:s11+s2] =	stream.linear.scatter [tilespmem:s8], [sflag:$0x2], $0x4000, $0x38;
	[tilespmem:$0x4080] =	vst v63  }
0x22: {  	_ =	swait.ge [sflag:s7], $0x4000  }
0x23: {  	s13 =	smov.u32 s15;
	s11 =	sadd.s32 $0x800, s11;
	[sflag:s7] =	ssyncset.done $0x0  }
0x24: {  	s12 =	sadd.s32 s12, s6;
	[sflag:s7] =	ssyncadd.s32 $0xFFFFC000  }
0x25: {  	[tilespmem:s2], [sflag:$0x2] =	stream.linear.gather [hbm4b:s12+s2], $0x80, $0x38;
	[tilespmem:$0x4080] =	vst v63  }
0x26: {  	_ =	swait.ge [sflag:s7], $0x80  }
0x27: {  	[sflag:s7] =	ssyncset.done $0x0  }
0x28: {  	[sflag:s7] =	ssyncadd.s32 $0xFFFFFF80  }
0x29: {  	[tilespmem:s8], [sflag:$0x1] =	stream.indirect.gather [hbm4b:s3+s8], $0x80, s2, s8, $0xb8;
	[tilespmem:$0x4080] =	vst v63  }
0x2a: {  	s10 =	sadd.s32 $0x1, s10;
	_ =	swait.ge [sflag:s9], $0x4000  }
0x2b: {  	p0 =	sne.s32 s10, s4;
	[sflag:s9] =	ssyncset.done $0x0  }
.Ltmp1:
0x2c: {  	[sflag:s9] =	ssyncadd.s32 $0xFFFFC000;
	(pc) =	sbr.rel @p0 .LBB2_1-.Ltmp1, $4  }
0x2d: {  	[hbm4b:s11+s2] =	stream.linear.scatter [tilespmem:s8], [sflag:$0x2], $0x4000, $0x38;
	[tilespmem:$0x4080] =	vst v63  }
0x2e: {  	_ =	swait.ge [sflag:s7], $0x4000  }
0x2f: {  	[sflag:s7] =	ssyncset.done $0x0  }
0x30: {  	[sflag:s7] =	ssyncadd.s32 $0xFFFFC000  }
0x31: {  	_ =	sfence.sel $0x180000  }
0x32: {  	[bflag:$0x0] =	sbarrier.arrive $0xFFFF  }
0x33: {  	p0 =	sne.s32 s1, $0x0;
	_ =	strace $0x90000047  }
0x34: {  	s0 =	sadd.s32 @!p0 $0x100000, s0;
	[bflag:$0x2] =	sbarrier.arrive $0xFFFF  }
0x35: {  	[sflag:s0] =	ssyncadd.tile.s32 @!p0 $0x1;
	_ =	shalt  }
.Lfunc_end2:
_tile_overlayer_lowered:
.L_overlay_start_2:
0x36: {  	(tag) =	ssettag $0x2  }
0x37: {  	s0 =	rddreg [dreg:$0x0];
	s2 =	stileid.u32  }
0x38: {  	s1 =	rddreg [dreg:$0x1];
	p0 =	sne.s32 s2, $0x0  }
0x39: {  	s3 =	rddreg [dreg:$0x2];
	[bflag:$0x3] =	sbarrier.arrive $0xFFFF;
	s2 =	simm.s32 @!p0 $0x1C02  }
0x3a: {  	[timem:s3], [sflag:s2] =	dma.local @!p0 [hbm:s0], s1  }
0x3b: {  	s0 =	simm.s32 @!p0 $0x2  }
0x3c: {  	_ =	swait.ge @!p0 [sflag:s0], s1  }
0x3d: {  	s1 =	ssub.s32 @!p0 $0x0, s1;
	[sflag:s0] =	ssyncset.done @!p0 $0x0  }
0x3e: {  	[sflag:s0] =	ssyncadd.s32 @!p0 s1  }
0x3f: {  	[bflag:$0x3] =	sbarrier.arrive $0xFFFF  }
0x40: {  	_ =	shalt  }

// kernel: kernel.17.cloned.1.call-start
scs
__scs_entry_jumppad:
0x0: {  	(pc) =	sbr.rel $0x88, $3  }
0x1: {  	(tag) =	ssettag $0x0;
	lr =	simm.s32 $0x1  }
0x2: {  	[smem:$0x3F92] =	sst lr;
	_ =	strace $0xD0000000  }
0x3: {  	_ = 	snop  }
0x4: {  	_ = 	snop  }
0x5: {  	_ = 	snop  }
0x6: {  	_ = 	snop  }
0x7: {  	_ = 	snop  }
__scs_overlays_trampoline_lowered:
0x8: {  	[smem:$0x3FA1] =	sst s0  }
0x9: {  	[smem:$0x3FA2] =	sst s1  }
0xa: {  	[smem:$0x3FA3] =	sst s2  }
0xb: {  	[smem:$0x3FA4] =	sst s3  }
0xc: {  	[smem:$0x3FA5] =	sst s4  }
0xd: {  	[smem:$0x3FA6] =	sst s5  }
0xe: {  	[smem:$0x3FA7] =	sst s6  }
0xf: {  	[smem:$0x3FA8] =	sst s7  }
0x10: {  	[smem:$0x3FA9] =	sst s8  }
0x11: {  	[smem:$0x3FAA] =	sst s9;
	s0 =	simm.s32 @!p0 $0x0  }
0x12: {  	s1 =	sld [smem:$0x3F90];
	s0 =	simm.s32 @p0 $0x1  }
0x13: {  	[smem:$0x3FAB] =	sst s0;
	s0 =	simm.s32 @!p1 $0x0  }
0x14: {  	s2 =	sld [smem:$0x3F8F];
	s0 =	simm.s32 @p1 $0x1  }
0x15: {  	[smem:$0x3FAC] =	sst s0;
	s0 =	simm.s32 @!p2 $0x0  }
0x16: {  	s3 =	sld [smem:$0x3FDB];
	s0 =	simm.s32 @p2 $0x1  }
0x17: {  	s4 =	simm.s32 $0x1BF5;
	[smem:$0x3FAE] =	sst s0  }
0x18: {  	s0 =	sld [smem:$0x3F91];
	_ =	swait.ge [sflag:s4], $0x0  }
0x19: {  	s7 =	sld [smem:$0x3F92]  }
0x1a: {  	s8 =	sadd.s32 $0xFFFFE003, lr  }
0x1b: {  	s9 =	sadd.s32 $0xFFFFFEF7, lr;
	s5 =	simm.s32 $0xFFFFFFFF;
	p2 =	slt.u32 s8, $0xFFFFF086  }
0x1c: {  	p1 =	slt.u32 s9, $0xF7A;
	s5 =	simm.s32 @!p2 $0x0  }
0x1d: {  	s5 =	simm.s32 @p1 $0x1;
	p0 =	seq.s32 s7, s2  }
0x1e: {  	s7 =	smul.u32 @!p0 $0xF7A, s2;
	p2 =	seq.s32 @!p0 s5, $0x0  }
0x1f: {  	s9 =	smul.u32 $0xF7A, s1;
	s8 =	simm.s32 @!p0 $0x1BF5;
	p2 =	por !p2, p0  }
0x20: {  	[sflag:s8] =	ssyncset.s32 @!p0 $0xFFFFF086;
	s6 =	sadd.s32 @!p0 s3, s7;
	s7 =	simm.s32 @!p0 $0x108  }
0x21: {  	s3 =	sadd.s32 s3, s9;
	s6 =	sadd.s32 @!p0 $0x88, s6;
	s7 =	simm.s32 @p2 $0x1082  }
0x22: {  	[simem:s7], [sflag:s8] =	dma.local @!p0 [hbm:s6], $0xF7A  }
0x23: {  	s9 =	sor.u32 $0xD0000000, s2;
	s6 =	simm.s32 $0x108;
	_ =	swait.ge @!p0 [sflag:s8], $0x0  }
0x24: {  	s3 =	sadd.s32 $0x88, s3;
	s6 =	simm.s32 @!p1 $0x1082;
	[sflag:s4] =	ssyncset.s32 $0xFFFFF086  }
0x25: {  	[simem:s6], [sflag:s4] =	dma.local [hbm:s3], $0xF7A  }
0x26: {  	[smem:$0x3F92] =	sst s1;
	(tag) =	ssettag s2;
	_ =	strace s9  }
0x27: {  	s1 =	sld [smem:$0x3FA2]  }
0x28: {  	s2 =	sld [smem:$0x3FA3]  }
0x29: {  	s4 =	sld [smem:$0x3FA5]  }
0x2a: {  	p0 =	seq.s32 s5, $0x0;
	s5 =	sld [smem:$0x3FA6]  }
0x2b: {  	s6 =	sld [smem:$0x3FA7]  }
0x2c: {  	s7 =	sld [smem:$0x3FA8]  }
0x2d: {  	s3 =	simm.s32 $0x108;
	s8 =	sld [smem:$0x3FA9]  }
0x2e: {  	s3 =	simm.s32 @!p0 $0x1082;
	s9 =	sld [smem:$0x3FAA]  }
0x2f: {  	lr =	sadd.s32 s0, s3;
	s0 =	sld [smem:$0x3FA1]  }
0x30: {  	s3 =	sld [smem:$0x3FA4]  }
0x31: {  	[smem:$0x3FAD] =	sst s10  }
0x32: {  	s10 =	sld [smem:$0x3FAB];
	_ =	sdelay $0x3  }
0x33: {  	p0 =	seq.s32 s10, $0x1;
	s10 =	sld [smem:$0x3FAD];
	_ =	sdelay $0x3  }
0x34: {  	[smem:$0x3FAD] =	sst s10  }
0x35: {  	s10 =	sld [smem:$0x3FAC];
	_ =	sdelay $0x3  }
0x36: {  	p1 =	seq.s32 s10, $0x1;
	s10 =	sld [smem:$0x3FAD];
	_ =	sdelay $0x3  }
0x37: {  	[smem:$0x3FAD] =	sst s10  }
0x38: {  	s10 =	sld [smem:$0x3FAE]  }
0x39: {  	_ = 	snop;
	(pc) =	sbr.ind lr, $3  }
0x3a: {  	_ = 	snop  }
0x3b: {  	_ = 	snop  }
0x3c: {  	p2 =	seq.s32 s10, $0x1;
	s10 =	sld [smem:$0x3FAD]  }
0x3d: {  	_ =	shalt  }
0x3e: {  	_ =	shalt  }
0x3f: {  	_ =	shalt  }
0x40: {  	_ =	shalt  }
0x41: {  	_ =	shalt  }
0x42: {  	_ =	shalt  }
0x43: {  	_ =	shalt  }
0x44: {  	_ =	shalt  }
0x45: {  	_ =	shalt  }
0x46: {  	_ =	shalt  }
0x47: {  	_ =	shalt  }
0x48: {  	_ =	shalt  }
0x49: {  	_ =	shalt  }
0x4a: {  	_ =	shalt  }
0x4b: {  	_ =	shalt  }
0x4c: {  	_ =	shalt  }
0x4d: {  	_ =	shalt  }
0x4e: {  	_ =	shalt  }
0x4f: {  	_ =	shalt  }
0x50: {  	_ =	shalt  }
0x51: {  	_ =	shalt  }
0x52: {  	_ =	shalt  }
0x53: {  	_ =	shalt  }
0x54: {  	_ =	shalt  }
0x55: {  	_ =	shalt  }
0x56: {  	_ =	shalt  }
0x57: {  	_ =	shalt  }
0x58: {  	_ =	shalt  }
0x59: {  	_ =	shalt  }
0x5a: {  	_ =	shalt  }
0x5b: {  	_ =	shalt  }
0x5c: {  	_ =	shalt  }
0x5d: {  	_ =	shalt  }
0x5e: {  	_ =	shalt  }
0x5f: {  	_ =	shalt  }
0x60: {  	_ =	shalt  }
0x61: {  	_ =	shalt  }
0x62: {  	_ =	shalt  }
0x63: {  	_ =	shalt  }
0x64: {  	_ =	shalt  }
0x65: {  	_ =	shalt  }
0x66: {  	_ =	shalt  }
0x67: {  	_ =	shalt  }
0x68: {  	_ =	shalt  }
0x69: {  	_ =	shalt  }
0x6a: {  	_ =	shalt  }
0x6b: {  	_ =	shalt  }
0x6c: {  	_ =	shalt  }
0x6d: {  	_ =	shalt  }
0x6e: {  	_ =	shalt  }
0x6f: {  	_ =	shalt  }
0x70: {  	_ =	shalt  }
0x71: {  	_ =	shalt  }
0x72: {  	_ =	shalt  }
0x73: {  	_ =	shalt  }
0x74: {  	_ =	shalt  }
0x75: {  	_ =	shalt  }
0x76: {  	_ =	shalt  }
0x77: {  	_ =	shalt  }
0x78: {  	_ =	shalt  }
0x79: {  	_ =	shalt  }
0x7a: {  	_ =	shalt  }
0x7b: {  	_ =	shalt  }
0x7c: {  	_ =	shalt  }
0x7d: {  	_ =	shalt  }
0x7e: {  	_ =	shalt  }
0x7f: {  	_ =	shalt  }
0x80: {  	_ =	shalt  }
0x81: {  	_ =	shalt  }
0x82: {  	_ =	shalt  }
0x83: {  	_ =	shalt  }
0x84: {  	_ =	shalt  }
0x85: {  	_ =	shalt  }
0x86: {  	_ =	shalt  }
0x87: {  	_ =	shalt  }
.Lfunc_end0:
.L_simem_size_0:
called_computation.2_lowered:
.L_overlay_start_0:
0x88: {  	s2 =	sld [smem:$0x3FD9]  }
0x89: {  	s3 =	sld [smem:$0x3FFE];
	_ =	sdelay $0x1  }
0x8a: {  	s1 =	srdreg.scid  }
0x8b: {  	s0 =	sand.u32 $0x1, s1  }
0x8c: {  	s17 =	sshll.u32 s0, $0xA;
	s2 =	sadd.s32 s3, s2  }
0x8d: {  	s2 =	sadd.s32 s2, s17  }
0x8e: {  	[smem:$0x3FB9] =	sst s2  }
0x8f: {  	_ = 	snop  }
0x90: {  	s18 =	sld [smem:$0x3FD0];
	(tm) =	ssettm $0x1  }
0x91: {  	s19 =	sld [smem:$0x3FFB];
	_ =	sdelay $0x3  }
0x92: {  	_ =	strace s19  }
0x93: {  	s2 =	sld [smem:$0x3FFC];
	_ =	sdelay $0x3  }
0x94: {  	_ =	strace s2  }
0x95: {  	s2 =	sld [smem:$0x3FFD];
	_ =	sdelay $0x3  }
0x96: {  	_ =	strace s2  }
0x97: {  	_ =	strace $0x8FFFFFFF  }
0x98: {  	s20 =	sld [smem:$0x3FDB];
	_ =	sdelay $0x1  }
0x99: {  	s4 =	simm.s32 $_scs_section_size  }
0x9a: {  	s5 =	simm.s32 $_size__tile_overlayer_lowered;
	s6 =	simm.s32 $_tile_overlayer_lowered  }
0x9b: {  	s7 =	simm.s32 $0x1BFF;
	s21 =	sshll.u32 s6, $0x1;
	s4 =	sadd.s32 s4, s20  }
0x9c: {  	s22 =	simm.s32 $0x0;
	s5 =	sshll.u32 s5, $0x1;
	s6 =	sadd.s32 s21, s4  }
0x9d: {  	[timem:s22], [sflag:s7] =	dma.local [hbm:s6], s5  }
0x9e: {  	_ =	swait.ge [sflag:s7], s5  }
0x9f: {  	s5 =	ssub.s32 $0x0, s5;
	[sflag:s7] =	ssyncset.done $0x0  }
0xa0: {  	[sflag:s7] =	ssyncadd.s32 s5;
	_ =	sdelay $0x1  }
0xa1: {  	s23 =	simm.s32 $0x1B8B  }
0xa2: {  	_ =	swait.ge [sflag:s23], $0x1  }
0xa3: {  	[sflag:s23] =	ssyncset.done $0x0  }
0xa4: {  	[sflag:s23] =	ssyncadd.s32 $0xFFFFFFFF  }
0xa5: {  	s5 =	sld [smem:$0x0]  }
0xa6: {  	s6 =	sand.u32 $0xFFFFFFFE, s1  }
0xa7: {  	p0 =	sne.s32 s1, s6  }
0xa8: {  	s6 =	sshll.u32 @p0 s6, $0xE  }
0xa9: {  	s6 =	sadd.s32 @p0 $0x11B8D, s6;
	s7 =	sshll.u32 @p0 s5, $0x11  }
0xaa: {  	s6 =	sor.u32 @p0 s7, s6  }
0xab: {  	[sflag:s6] =	ssyncadd.remote.s32 @p0 $0x1;
	_ =	sdelay $0x1  }
0xac: {  	s6 =	simm.s32 @p0 $0x1B8D  }
0xad: {  	_ =	swait.eq @p0 [sflag:s6], $0x1  }
0xae: {  	[sflag:s6] =	ssyncadd.s32 @p0 $0xFFFFFFFF  }
0xaf: {  	s7 =	sshll.u32 @!p0 s1, $0xE  }
0xb0: {  	s7 =	sor.u32 @!p0 $0x4000, s7;
	s6 =	simm.s32 @!p0 $0x1B8D  }
0xb1: {  	s5 =	sshll.u32 @!p0 s5, $0x11;
	s7 =	sadd.s32 @!p0 $0x11B8D, s7;
	_ =	swait.eq @!p0 [sflag:s6], $0x1  }
0xb2: {  	s5 =	sor.u32 @!p0 s5, s7;
	[sflag:s6] =	ssyncadd.s32 @!p0 $0xFFFFFFFF  }
0xb3: {  	s25 =	simm.s32 $0x1B8E;
	s24 =	sld [smem:$0x3FFE];
	[sflag:s5] =	ssyncadd.remote.s32 @!p0 $0x1  }
0xb4: {  	s26 =	simm.s32 $execute0_lowered;
	[smem:$0x3FD2] =	sst s25  }
0xb5: {  	s6 =	sshll.u32 s26, $0x1;
	_ =	strace $0x8000004C;
	[dreg:$0x1] =	wrdreg $0xFFFFFFFF  }
0xb6: {  	s28 =	simm.s32 $_size_execute0_lowered;
	s4 =	sadd.s32 s4, s6;
	[dreg:$0x0] =	wrdreg $0x0  }
0xb7: {  	s6 =	sshll.u32 s28, $0x1;
	[dreg:$0x2] =	wrdreg s4  }
0xb8: {  	[dreg:$0x3] =	wrdreg s6  }
0xb9: {  	[dreg:$0x4] =	wrdreg $0xC0  }
0xba: {  	_ =	task [dreg:s22], $0x5FFFF  }
0xbb: {  	[dreg:$0x1] =	wrdreg $0xFFFFFFFF  }
0xbc: {  	[dreg:$0x0] =	wrdreg $0x60  }
0xbd: {  	[dreg:$0x2] =	wrdreg s24  }
0xbe: {  	[dreg:$0x3] =	wrdreg s18  }
0xbf: {  	[dreg:$0x4] =	wrdreg $0x40800  }
0xc0: {  	[dreg:$0x5] =	wrdreg $0xA  }
0xc1: {  	_ =	task.clear_ibuf [dreg:s22], $0x6FFFF;
	_ =	strace $0x9000004C  }
0xc2: {  	s29 =	simm.s32 $0xA;
	_ =	strace $0x8000004E  }
0xc3: {  	_ =	swait.ge [sflag:s29], $0x1  }
0xc4: {  	[sflag:s29] =	ssyncadd.s32 $0xFFFFFFFF  }
0xc5: {  	_ =	strace $0x9000004E  }
0xc6: {  	_ =	sfence  }
0xc7: {  	s30 =	sld [smem:$0x0];
	_ =	sdelay $0x2  }
0xc8: {  	s31 =	sshll.u32 s1, $0xD;
	s1 =	sshrl.u32 s1, $0x2  }
0xc9: {  	s4 =	sand.u32 $0x4000, s31;
	s1 =	sadd.s32 s1, s30  }
0xca: {  	s0 =	sor.u32 s4, s0;
	s1 =	sshll.u32 s1, $0x11  }
0xcb: {  	s0 =	sor.u32 s1, s0  }
0xcc: {  	s0 =	sadd.s32 $0x8F2B, s0  }
0xcd: {  	[sflag:s0] =	ssyncadd.remote.s32 $0x1  }
0xce: {  	_ =	sfence.sel $0xFFFF  }
0xcf: {  	[dreg:$0x0] =	wrdreg $0xFFFFFFFF;
	(pc) =	sbr.abs _section_cstart, $3  }
0xd0: {  	[dreg:$0x1] =	wrdreg $0xFFFFFFFF  }
0xd1: {  	_ =	task.clear_ibuf [dreg:s22], $0x2FFFF;
	_ =	strace $0x9FFFFFFF  }
0xd2: {  	(tm) =	ssettm $0x7FFFFFFF  }
0xd3: {  	_ =	shalt  }
tec
execute0_lowered:
.L_overlay_start_1:
0x0: {  	(tag) =	ssettag $0x1  }
0x1: {  	s4 =	rddreg [dreg:$0x0]  }
0x2: {  	s15 =	rddreg [dreg:$0x1];
	s1 =	stileid.u32  }
0x3: {  	s2 =	rddreg [dreg:$0x2];
	s6 =	smul.u32 $0x50000, s1  }
0x4: {  	s5 =	srdreg.scid;
	s9 =	smul.u32 $0x14000, s1  }
0x5: {  	s3 =	simm.s32 $0x0;
	s14 =	sand.u32 $0x1, s5;
	s20 =	smul.u32 $0x1400, s1  }
0x6: {  	[smem:$0x7FF] =	sst s3;
	s13 =	sadd.s32 $0x57C800, s4;
	s19 =	smul.u32 $0x140000, s14  }
0x7: {  	s0 =	rddreg [dreg:$0x3];
	_ =	strace $0x8000004D;
	s29 =	smul.u32 $0x28000, s14  }
0x8: {  	s5 =	ssub.s32 $0x2, s14;
	s30 =	smul.u32 $0xA00, s14;
	s16 =	sadd.s32 s6, s4  }
0x9: {  	s26 =	sshrl.u32 s5, $0x1;
	s28 =	sshrl.u32 s6, $0x2;
	s10 =	sadd.s32 $0x4000, s9  }
0xa: {  	s11 =	sadd.s32 $0x8000, s9;
	s12 =	sadd.s32 $0xC000, s9;
	s18 =	sadd.s32 $0x10000, s9  }
0xb: {  	s31 =	sadd.s32 s20, s15;
	s20 =	simm.s32 $0x0;
	s17 =	ssub.s32 s5, s26  }
0xc: {  	s4 =	sadd.s32 s28, s2;
	s5 =	sadd.s32 s10, s2;
	s6 =	sadd.s32 s11, s2  }
0xd: {  	s7 =	sadd.s32 s12, s2;
	s8 =	sadd.s32 s18, s2;
	s9 =	sadd.s32 s9, s19  }
0xe: {  	s10 =	sadd.s32 s19, s10;
	s11 =	sadd.s32 s19, s11;
	s12 =	sadd.s32 s19, s12  }
0xf: {  	s18 =	sadd.s32 s19, s18;
	s16 =	sadd.s32 s29, s16;
	s19 =	simm.s32 $0x1  }
0x10: {  	s9 =	sshrl.u32 s9, $0x3;
	s10 =	sshrl.u32 s10, $0x3;
	s11 =	sshrl.u32 s11, $0x3  }
0x11: {  	s12 =	sshrl.u32 s12, $0x3;
	s18 =	sshrl.u32 s18, $0x3;
	s14 =	smax.u32 s17, $0x1  }
0x12: {  	s15 =	sadd.s32 $0xF5E000, s16;
	s16 =	sadd.s32 s30, s31;
	s17 =	simm.s32 $0x80  }
0x13: {  	s9 =	sadd.s32 s13, s9;
	s10 =	sadd.s32 s13, s10;
	s11 =	sadd.s32 s13, s11  }
0x14: {  	v0 =	vimm.f32 $0.0e+00;
	s12 =	sadd.s32 s13, s12;
	s13 =	sadd.s32 s13, s18;
	s18 =	simm.s32 $0x2  }
.LBB2_1:
0x15: {  	s21 =	simm.s32 $0x0;
	s22 =	simm.s32 $0x200  }
.LBB2_2:
0x16: {  	p0 =	sne.s32 s22, $0xFE00;
	[tilespmem:s21+$0xF0] =	vst v0  }
0x17: {  	[tilespmem:s21+$0x80] =	vst v0  }
0x18: {  	[tilespmem:s21+$0x90] =	vst v0  }
.Ltmp0:
0x19: {  	[tilespmem:s21+$0xA0] =	vst v0;
	(pc) =	sbr.rel @p0 .LBB2_2-.Ltmp0, $4  }
0x1a: {  	[tilespmem:s21+$0xB0] =	vst v0  }
0x1b: {  	[tilespmem:s21+$0xC0] =	vst v0  }
0x1c: {  	[tilespmem:s21+$0xD0] =	vst v0  }
0x1d: {  	[tilespmem:s21+$0xE0] =	vst v0;
	s21 =	sshra.s32 s22, $0x2;
	s22 =	sadd.s32 $0x200, s22  }
0x1e: {  	[tilespmem:s21+$0xF0] =	vst v0  }
0x1f: {  	[tilespmem:s21+$0x80] =	vst v0  }
0x20: {  	[tilespmem:s21+$0x90] =	vst v0  }
0x21: {  	[tilespmem:s21+$0xA0] =	vst v0  }
0x22: {  	[tilespmem:s21+$0xB0] =	vst v0  }
0x23: {  	[tilespmem:s21+$0xC0] =	vst v0  }
0x24: {  	[tilespmem:s21+$0xD0] =	vst v0  }
0x25: {  	[tilespmem:s21+$0xE0] =	vst v0  }
0x26: {  	[spmem:s4] =	stream.linear.scatter [tilespmem:s17], [sflag:$0x2], $0x4000, $0x38;
	[tilespmem:$0x18080] =	vst v63  }
0x27: {  	_ =	swait.ge [sflag:s18], $0x4000  }
0x28: {  	[sflag:s18] =	ssyncset.done $0x0  }
0x29: {  	[sflag:s18] =	ssyncadd.s32 $0xFFFFC000  }
0x2a: {  	[spmem:s5] =	stream.linear.scatter [tilespmem:s17], [sflag:$0x2], $0x4000, $0x38;
	[tilespmem:$0x18080] =	vst v63  }
0x2b: {  	_ =	swait.ge [sflag:s18], $0x4000  }
0x2c: {  	[sflag:s18] =	ssyncset.done $0x0  }
0x2d: {  	[sflag:s18] =	ssyncadd.s32 $0xFFFFC000  }
0x2e: {  	[spmem:s6] =	stream.linear.scatter [tilespmem:s17], [sflag:$0x2], $0x4000, $0x38;
	[tilespmem:$0x18080] =	vst v63  }
0x2f: {  	_ =	swait.ge [sflag:s18], $0x4000  }
0x30: {  	[sflag:s18] =	ssyncset.done $0x0  }
0x31: {  	[sflag:s18] =	ssyncadd.s32 $0xFFFFC000  }
0x32: {  	[spmem:s7] =	stream.linear.scatter [tilespmem:s17], [sflag:$0x2], $0x4000, $0x38;
	[tilespmem:$0x18080] =	vst v63  }
0x33: {  	_ =	swait.ge [sflag:s18], $0x4000  }
0x34: {  	[sflag:s18] =	ssyncset.done $0x0  }
0x35: {  	[sflag:s18] =	ssyncadd.s32 $0xFFFFC000  }
0x36: {  	[spmem:s8] =	stream.linear.scatter [tilespmem:s17], [sflag:$0x2], $0x4000, $0x38;
	[tilespmem:$0x18080] =	vst v63  }
0x37: {  	_ =	swait.ge [sflag:s18], $0x4000  }
0x38: {  	[sflag:s18] =	ssyncset.done $0x0  }
0x39: {  	[sflag:s18] =	ssyncadd.s32 $0xFFFFC000  }
0x3a: {  	s31 =	sadd.s32 $0x10, s16;
	[bflag:$0x0] =	sbarrier.arrive $0xFFFF  }
0x3b: {  	[tilespmem:s3], [sflag:$0x2] =	stream.linear.gather [hbm4b:s31+s3], $0x80, $0x38;
	[tilespmem:$0x18080] =	vst v63  }
0x3c: {  	_ =	swait.ge [sflag:s18], $0x80  }
0x3d: {  	[sflag:s18] =	ssyncset.done $0x0  }
0x3e: {  	[sflag:s18] =	ssyncadd.s32 $0xFFFFFF80  }
0x3f: {  	[tilespmem:s17], [sflag:$0x1] =	stream.linear.gather [hbm4b:s15+s3], $0x4000, $0x38;
	[tilespmem:$0x18080] =	vst v63  }
0x40: {  	_ =	swait.ge [sflag:s19], $0x4000  }
0x41: {  	[sflag:s19] =	ssyncset.done $0x0  }
0x42: {  	[sflag:s19] =	ssyncadd.s32 $0xFFFFC000  }
0x43: {  	[spmem:s2] =	stream.indirect.scatter.add.f32 [tilespmem:s17], [sflag:$0x2], $0x80, s3, s17, $0xb8;
	[tilespmem:$0x18080] =	vst v63  }
0x44: {  	s22 =	simm.s32 $0x30;
	_ =	swait.ge [sflag:s18], $0x4000  }
0x45: {  	s23 =	simm.s32 $0x50;
	s21 =	sadd.s32 $0x800, s15;
	[sflag:s18] =	ssyncset.done $0x0  }
.LBB2_4:
0x46: {  	s24 =	sadd.s32 s22, s16  }
0x47: {  	[sflag:s18] =	ssyncadd.s32 $0xFFFFC000;
	s22 =	smov.u32 s23;
	s25 =	sadd.s32 $0x20, s23  }
0x48: {  	[tilespmem:s3], [sflag:$0x2] =	stream.linear.gather [hbm4b:s24+s3], $0x80, $0x38;
	[tilespmem:$0x18080] =	vst v63  }
0x49: {  	p0 =	sne.s32 s23, $0x9F0;
	_ =	swait.ge [sflag:s18], $0x80  }
0x4a: {  	[sflag:s18] =	ssyncset.done $0x0  }
0x4b: {  	[sflag:s18] =	ssyncadd.s32 $0xFFFFFF80  }
0x4c: {  	[tilespmem:s17], [sflag:$0x1] =	stream.linear.gather [hbm4b:s21+s3], $0x4000, $0x38;
	[tilespmem:$0x18080] =	vst v63  }
0x4d: {  	_ =	swait.ge [sflag:s19], $0x4000  }
.Ltmp1:
0x4e: {  	[sflag:s19] =	ssyncset.done $0x0;
	(pc) =	sbr.rel @p0 .LBB2_4-.Ltmp1, $4  }
0x4f: {  	[sflag:s19] =	ssyncadd.s32 $0xFFFFC000  }
0x50: {  	[spmem:s2] =	stream.indirect.scatter.add.f32 [tilespmem:s17], [sflag:$0x2], $0x80, s3, s17, $0xb8;
	[tilespmem:$0x18080] =	vst v63  }
0x51: {  	_ =	swait.ge [sflag:s18], $0x4000  }
0x52: {  	s23 =	smov.u32 s25;
	s21 =	sadd.s32 $0x800, s21;
	[sflag:s18] =	ssyncset.done $0x0  }
0x53: {  	s22 =	sadd.s32 s22, s16;
	[sflag:s18] =	ssyncadd.s32 $0xFFFFC000  }
0x54: {  	[tilespmem:s3], [sflag:$0x2] =	stream.linear.gather [hbm4b:s22+s3], $0x80, $0x38;
	[tilespmem:$0x18080] =	vst v63  }
0x55: {  	_ =	swait.ge [sflag:s18], $0x80  }
0x56: {  	[sflag:s18] =	ssyncset.done $0x0  }
0x57: {  	[sflag:s18] =	ssyncadd.s32 $0xFFFFFF80  }
0x58: {  	[tilespmem:s17], [sflag:$0x1] =	stream.linear.gather [hbm4b:s21+s3], $0x4000, $0x38;
	[tilespmem:$0x18080] =	vst v63  }
0x59: {  	_ =	swait.ge [sflag:s19], $0x4000  }
0x5a: {  	[sflag:s19] =	ssyncset.done $0x0  }
0x5b: {  	[sflag:s19] =	ssyncadd.s32 $0xFFFFC000  }
0x5c: {  	[spmem:s2] =	stream.indirect.scatter.add.f32 [tilespmem:s17], [sflag:$0x2], $0x80, s3, s17, $0xb8;
	[tilespmem:$0x18080] =	vst v63  }
0x5d: {  	_ =	swait.ge [sflag:s18], $0x4000  }
0x5e: {  	[sflag:s18] =	ssyncset.done $0x0  }
0x5f: {  	[sflag:s18] =	ssyncadd.s32 $0xFFFFC000  }
0x60: {  	[bflag:$0x0] =	sbarrier.arrive $0xFFFF  }
0x61: {  	[tilespmem:s17], [sflag:$0x2] =	stream.linear.gather [spmem:s4], $0x4000, $0x38;
	[tilespmem:$0x18080] =	vst v63  }
0x62: {  	_ =	swait.ge [sflag:s18], $0x4000  }
0x63: {  	[sflag:s18] =	ssyncset.done $0x0  }
0x64: {  	[sflag:s18] =	ssyncadd.s32 $0xFFFFC000  }
0x65: {  	[hbm4b:s9+s3] =	stream.linear.scatter [tilespmem:s17], [sflag:$0x2], $0x4000, $0x38;
	[tilespmem:$0x18080] =	vst v63  }
0x66: {  	_ =	swait.ge [sflag:s18], $0x4000  }
0x67: {  	[sflag:s18] =	ssyncset.done $0x0  }
0x68: {  	[sflag:s18] =	ssyncadd.s32 $0xFFFFC000  }
0x69: {  	[tilespmem:s17], [sflag:$0x2] =	stream.linear.gather [spmem:s5], $0x4000, $0x38;
	[tilespmem:$0x18080] =	vst v63  }
0x6a: {  	_ =	swait.ge [sflag:s18], $0x4000  }
0x6b: {  	[sflag:s18] =	ssyncset.done $0x0  }
0x6c: {  	[sflag:s18] =	ssyncadd.s32 $0xFFFFC000  }
0x6d: {  	[hbm4b:s10+s3] =	stream.linear.scatter [tilespmem:s17], [sflag:$0x2], $0x4000, $0x38;
	[tilespmem:$0x18080] =	vst v63  }
0x6e: {  	_ =	swait.ge [sflag:s18], $0x4000  }
0x6f: {  	[sflag:s18] =	ssyncset.done $0x0  }
0x70: {  	[sflag:s18] =	ssyncadd.s32 $0xFFFFC000  }
0x71: {  	[tilespmem:s17], [sflag:$0x2] =	stream.linear.gather [spmem:s6], $0x4000, $0x38;
	[tilespmem:$0x18080] =	vst v63  }
0x72: {  	_ =	swait.ge [sflag:s18], $0x4000  }
0x73: {  	[sflag:s18] =	ssyncset.done $0x0  }
0x74: {  	[sflag:s18] =	ssyncadd.s32 $0xFFFFC000  }
0x75: {  	[hbm4b:s11+s3] =	stream.linear.scatter [tilespmem:s17], [sflag:$0x2], $0x4000, $0x38;
	[tilespmem:$0x18080] =	vst v63  }
0x76: {  	_ =	swait.ge [sflag:s18], $0x4000  }
0x77: {  	[sflag:s18] =	ssyncset.done $0x0  }
0x78: {  	[sflag:s18] =	ssyncadd.s32 $0xFFFFC000  }
0x79: {  	[tilespmem:s17], [sflag:$0x2] =	stream.linear.gather [spmem:s7], $0x4000, $0x38;
	[tilespmem:$0x18080] =	vst v63  }
0x7a: {  	_ =	swait.ge [sflag:s18], $0x4000  }
0x7b: {  	[sflag:s18] =	ssyncset.done $0x0  }
0x7c: {  	[sflag:s18] =	ssyncadd.s32 $0xFFFFC000  }
0x7d: {  	[hbm4b:s12+s3] =	stream.linear.scatter [tilespmem:s17], [sflag:$0x2], $0x4000, $0x38;
	[tilespmem:$0x18080] =	vst v63  }
0x7e: {  	_ =	swait.ge [sflag:s18], $0x4000  }
0x7f: {  	[sflag:s18] =	ssyncset.done $0x0  }
0x80: {  	[sflag:s18] =	ssyncadd.s32 $0xFFFFC000  }
0x81: {  	[tilespmem:s17], [sflag:$0x2] =	stream.linear.gather [spmem:s8], $0x4000, $0x38;
	[tilespmem:$0x18080] =	vst v63  }
0x82: {  	s20 =	sadd.s32 $0x1, s20;
	_ =	swait.ge [sflag:s18], $0x4000  }
0x83: {  	p0 =	sne.s32 s20, s14;
	[sflag:s18] =	ssyncset.done $0x0  }
.Ltmp2:
0x84: {  	[sflag:s18] =	ssyncadd.s32 $0xFFFFC000;
	(pc) =	sbr.rel @p0 .LBB2_1-.Ltmp2, $4  }
0x85: {  	[hbm4b:s13+s3] =	stream.linear.scatter [tilespmem:s17], [sflag:$0x2], $0x4000, $0x38;
	[tilespmem:$0x18080] =	vst v63  }
0x86: {  	_ =	swait.ge [sflag:s18], $0x4000  }
0x87: {  	[sflag:s18] =	ssyncset.done $0x0  }
0x88: {  	[sflag:s18] =	ssyncadd.s32 $0xFFFFC000  }
0x89: {  	_ =	sfence.sel $0x180000  }
0x8a: {  	[bflag:$0x0] =	sbarrier.arrive $0xFFFF  }
0x8b: {  	p0 =	sne.s32 s1, $0x0;
	_ =	strace $0x9000004D  }
0x8c: {  	s0 =	sadd.s32 @!p0 $0x100000, s0;
	[bflag:$0x2] =	sbarrier.arrive $0xFFFF  }
0x8d: {  	[sflag:s0] =	ssyncadd.tile.s32 @!p0 $0x1;
	_ =	shalt  }
.Lfunc_end2:
_tile_overlayer_lowered:
.L_overlay_start_2:
0x8e: {  	(tag) =	ssettag $0x2  }
0x8f: {  	s0 =	rddreg [dreg:$0x0];
	s2 =	stileid.u32  }
0x90: {  	s1 =	rddreg [dreg:$0x1];
	p0 =	sne.s32 s2, $0x0  }
0x91: {  	s3 =	rddreg [dreg:$0x2];
	[bflag:$0x3] =	sbarrier.arrive $0xFFFF;
	s2 =	simm.s32 @!p0 $0x1C02  }
0x92: {  	[timem:s3], [sflag:s2] =	dma.local @!p0 [hbm:s0], s1  }
0x93: {  	s0 =	simm.s32 @!p0 $0x2  }
0x94: {  	_ =	swait.ge @!p0 [sflag:s0], s1  }
0x95: {  	s1 =	ssub.s32 @!p0 $0x0, s1;
	[sflag:s0] =	ssyncset.done @!p0 $0x0  }
0x96: {  	[sflag:s0] =	ssyncadd.s32 @!p0 s1  }
0x97: {  	[bflag:$0x3] =	sbarrier.arrive $0xFFFF  }
0x98: {  	_ =	shalt  }

// kernel: kernel.20.cloned.1.call-start
scs
__scs_entry_jumppad:
0x0: {  	(pc) =	sbr.rel $0x88, $3  }
0x1: {  	(tag) =	ssettag $0x0;
	lr =	simm.s32 $0x1  }
0x2: {  	[smem:$0x3F92] =	sst lr;
	_ =	strace $0xD0000000  }
0x3: {  	_ = 	snop  }
0x4: {  	_ = 	snop  }
0x5: {  	_ = 	snop  }
0x6: {  	_ = 	snop  }
0x7: {  	_ = 	snop  }
__scs_overlays_trampoline_lowered:
0x8: {  	[smem:$0x3FA1] =	sst s0  }
0x9: {  	[smem:$0x3FA2] =	sst s1  }
0xa: {  	[smem:$0x3FA3] =	sst s2  }
0xb: {  	[smem:$0x3FA4] =	sst s3  }
0xc: {  	[smem:$0x3FA5] =	sst s4  }
0xd: {  	[smem:$0x3FA6] =	sst s5  }
0xe: {  	[smem:$0x3FA7] =	sst s6  }
0xf: {  	[smem:$0x3FA8] =	sst s7  }
0x10: {  	[smem:$0x3FA9] =	sst s8  }
0x11: {  	[smem:$0x3FAA] =	sst s9;
	s0 =	simm.s32 @!p0 $0x0  }
0x12: {  	s1 =	sld [smem:$0x3F90];
	s0 =	simm.s32 @p0 $0x1  }
0x13: {  	[smem:$0x3FAB] =	sst s0;
	s0 =	simm.s32 @!p1 $0x0  }
0x14: {  	s2 =	sld [smem:$0x3F8F];
	s0 =	simm.s32 @p1 $0x1  }
0x15: {  	[smem:$0x3FAC] =	sst s0;
	s0 =	simm.s32 @!p2 $0x0  }
0x16: {  	s3 =	sld [smem:$0x3FDB];
	s0 =	simm.s32 @p2 $0x1  }
0x17: {  	s4 =	simm.s32 $0x1BF5;
	[smem:$0x3FAE] =	sst s0  }
0x18: {  	s0 =	sld [smem:$0x3F91];
	_ =	swait.ge [sflag:s4], $0x0  }
0x19: {  	s7 =	sld [smem:$0x3F92]  }
0x1a: {  	s8 =	sadd.s32 $0xFFFFE003, lr  }
0x1b: {  	s9 =	sadd.s32 $0xFFFFFEF7, lr;
	s5 =	simm.s32 $0xFFFFFFFF;
	p2 =	slt.u32 s8, $0xFFFFF086  }
0x1c: {  	p1 =	slt.u32 s9, $0xF7A;
	s5 =	simm.s32 @!p2 $0x0  }
0x1d: {  	s5 =	simm.s32 @p1 $0x1;
	p0 =	seq.s32 s7, s2  }
0x1e: {  	s7 =	smul.u32 @!p0 $0xF7A, s2;
	p2 =	seq.s32 @!p0 s5, $0x0  }
0x1f: {  	s9 =	smul.u32 $0xF7A, s1;
	s8 =	simm.s32 @!p0 $0x1BF5;
	p2 =	por !p2, p0  }
0x20: {  	[sflag:s8] =	ssyncset.s32 @!p0 $0xFFFFF086;
	s6 =	sadd.s32 @!p0 s3, s7;
	s7 =	simm.s32 @!p0 $0x108  }
0x21: {  	s3 =	sadd.s32 s3, s9;
	s6 =	sadd.s32 @!p0 $0x88, s6;
	s7 =	simm.s32 @p2 $0x1082  }
0x22: {  	[simem:s7], [sflag:s8] =	dma.local @!p0 [hbm:s6], $0xF7A  }
0x23: {  	s9 =	sor.u32 $0xD0000000, s2;
	s6 =	simm.s32 $0x108;
	_ =	swait.ge @!p0 [sflag:s8], $0x0  }
0x24: {  	s3 =	sadd.s32 $0x88, s3;
	s6 =	simm.s32 @!p1 $0x1082;
	[sflag:s4] =	ssyncset.s32 $0xFFFFF086  }
0x25: {  	[simem:s6], [sflag:s4] =	dma.local [hbm:s3], $0xF7A  }
0x26: {  	[smem:$0x3F92] =	sst s1;
	(tag) =	ssettag s2;
	_ =	strace s9  }
0x27: {  	s1 =	sld [smem:$0x3FA2]  }
0x28: {  	s2 =	sld [smem:$0x3FA3]  }
0x29: {  	s4 =	sld [smem:$0x3FA5]  }
0x2a: {  	p0 =	seq.s32 s5, $0x0;
	s5 =	sld [smem:$0x3FA6]  }
0x2b: {  	s6 =	sld [smem:$0x3FA7]  }
0x2c: {  	s7 =	sld [smem:$0x3FA8]  }
0x2d: {  	s3 =	simm.s32 $0x108;
	s8 =	sld [smem:$0x3FA9]  }
0x2e: {  	s3 =	simm.s32 @!p0 $0x1082;
	s9 =	sld [smem:$0x3FAA]  }
0x2f: {  	lr =	sadd.s32 s0, s3;
	s0 =	sld [smem:$0x3FA1]  }
0x30: {  	s3 =	sld [smem:$0x3FA4]  }
0x31: {  	[smem:$0x3FAD] =	sst s10  }
0x32: {  	s10 =	sld [smem:$0x3FAB];
	_ =	sdelay $0x3  }
0x33: {  	p0 =	seq.s32 s10, $0x1;
	s10 =	sld [smem:$0x3FAD];
	_ =	sdelay $0x3  }
0x34: {  	[smem:$0x3FAD] =	sst s10  }
0x35: {  	s10 =	sld [smem:$0x3FAC];
	_ =	sdelay $0x3  }
0x36: {  	p1 =	seq.s32 s10, $0x1;
	s10 =	sld [smem:$0x3FAD];
	_ =	sdelay $0x3  }
0x37: {  	[smem:$0x3FAD] =	sst s10  }
0x38: {  	s10 =	sld [smem:$0x3FAE]  }
0x39: {  	_ = 	snop;
	(pc) =	sbr.ind lr, $3  }
0x3a: {  	_ = 	snop  }
0x3b: {  	_ = 	snop  }
0x3c: {  	p2 =	seq.s32 s10, $0x1;
	s10 =	sld [smem:$0x3FAD]  }
0x3d: {  	_ =	shalt  }
0x3e: {  	_ =	shalt  }
0x3f: {  	_ =	shalt  }
0x40: {  	_ =	shalt  }
0x41: {  	_ =	shalt  }
0x42: {  	_ =	shalt  }
0x43: {  	_ =	shalt  }
0x44: {  	_ =	shalt  }
0x45: {  	_ =	shalt  }
0x46: {  	_ =	shalt  }
0x47: {  	_ =	shalt  }
0x48: {  	_ =	shalt  }
0x49: {  	_ =	shalt  }
0x4a: {  	_ =	shalt  }
0x4b: {  	_ =	shalt  }
0x4c: {  	_ =	shalt  }
0x4d: {  	_ =	shalt  }
0x4e: {  	_ =	shalt  }
0x4f: {  	_ =	shalt  }
0x50: {  	_ =	shalt  }
0x51: {  	_ =	shalt  }
0x52: {  	_ =	shalt  }
0x53: {  	_ =	shalt  }
0x54: {  	_ =	shalt  }
0x55: {  	_ =	shalt  }
0x56: {  	_ =	shalt  }
0x57: {  	_ =	shalt  }
0x58: {  	_ =	shalt  }
0x59: {  	_ =	shalt  }
0x5a: {  	_ =	shalt  }
0x5b: {  	_ =	shalt  }
0x5c: {  	_ =	shalt  }
0x5d: {  	_ =	shalt  }
0x5e: {  	_ =	shalt  }
0x5f: {  	_ =	shalt  }
0x60: {  	_ =	shalt  }
0x61: {  	_ =	shalt  }
0x62: {  	_ =	shalt  }
0x63: {  	_ =	shalt  }
0x64: {  	_ =	shalt  }
0x65: {  	_ =	shalt  }
0x66: {  	_ =	shalt  }
0x67: {  	_ =	shalt  }
0x68: {  	_ =	shalt  }
0x69: {  	_ =	shalt  }
0x6a: {  	_ =	shalt  }
0x6b: {  	_ =	shalt  }
0x6c: {  	_ =	shalt  }
0x6d: {  	_ =	shalt  }
0x6e: {  	_ =	shalt  }
0x6f: {  	_ =	shalt  }
0x70: {  	_ =	shalt  }
0x71: {  	_ =	shalt  }
0x72: {  	_ =	shalt  }
0x73: {  	_ =	shalt  }
0x74: {  	_ =	shalt  }
0x75: {  	_ =	shalt  }
0x76: {  	_ =	shalt  }
0x77: {  	_ =	shalt  }
0x78: {  	_ =	shalt  }
0x79: {  	_ =	shalt  }
0x7a: {  	_ =	shalt  }
0x7b: {  	_ =	shalt  }
0x7c: {  	_ =	shalt  }
0x7d: {  	_ =	shalt  }
0x7e: {  	_ =	shalt  }
0x7f: {  	_ =	shalt  }
0x80: {  	_ =	shalt  }
0x81: {  	_ =	shalt  }
0x82: {  	_ =	shalt  }
0x83: {  	_ =	shalt  }
0x84: {  	_ =	shalt  }
0x85: {  	_ =	shalt  }
0x86: {  	_ =	shalt  }
0x87: {  	_ =	shalt  }
.Lfunc_end0:
.L_simem_size_0:
called_computation.3_lowered:
.L_overlay_start_0:
0x88: {  	s2 =	sld [smem:$0x3FD9]  }
0x89: {  	s3 =	sld [smem:$0x3FFE];
	_ =	sdelay $0x1  }
0x8a: {  	s1 =	srdreg.scid  }
0x8b: {  	s0 =	sand.u32 $0x1, s1  }
0x8c: {  	s17 =	sshll.u32 s0, $0xA;
	s2 =	sadd.s32 s3, s2  }
0x8d: {  	s2 =	sadd.s32 s2, s17  }
0x8e: {  	[smem:$0x3FB9] =	sst s2  }
0x8f: {  	_ = 	snop  }
0x90: {  	s2 =	sld [smem:$0x3FD0];
	(tm) =	ssettm $0x1  }
0x91: {  	s18 =	sld [smem:$0x3FFB];
	_ =	sdelay $0x3  }
0x92: {  	_ =	strace s18  }
0x93: {  	s3 =	sld [smem:$0x3FFC];
	_ =	sdelay $0x3  }
0x94: {  	_ =	strace s3  }
0x95: {  	s3 =	sld [smem:$0x3FFD];
	_ =	sdelay $0x3  }
0x96: {  	_ =	strace s3  }
0x97: {  	_ =	strace $0x8FFFFFFF  }
0x98: {  	s19 =	sld [smem:$0x3FDB];
	_ =	sdelay $0x1  }
0x99: {  	s4 =	simm.s32 $_scs_section_size  }
0x9a: {  	s5 =	simm.s32 $_size__tile_overlayer_lowered;
	s6 =	simm.s32 $_tile_overlayer_lowered  }
0x9b: {  	s22 =	simm.s32 $0x1BFF;
	s21 =	sshll.u32 s6, $0x1;
	s3 =	sadd.s32 s4, s19  }
0x9c: {  	s7 =	simm.s32 $0x0;
	s20 =	sshll.u32 s5, $0x1;
	s5 =	sadd.s32 s21, s3  }
0x9d: {  	[timem:s7], [sflag:s22] =	dma.local [hbm:s5], s20  }
0x9e: {  	_ =	swait.ge [sflag:s22], s20  }
0x9f: {  	s4 =	ssub.s32 $0x0, s20;
	[sflag:s22] =	ssyncset.done $0x0  }
0xa0: {  	[sflag:s22] =	ssyncadd.s32 s4;
	_ =	sdelay $0x1  }
0xa1: {  	s23 =	simm.s32 $0x1B8B  }
0xa2: {  	_ =	swait.ge [sflag:s23], $0x1  }
0xa3: {  	[sflag:s23] =	ssyncset.done $0x0  }
0xa4: {  	s25 =	simm.s32 $0x1B8E;
	s24 =	sld [smem:$0x3FFE];
	[sflag:s23] =	ssyncadd.s32 $0xFFFFFFFF  }
0xa5: {  	s26 =	simm.s32 $execute0_lowered;
	[smem:$0x3FD2] =	sst s25  }
0xa6: {  	s5 =	sshll.u32 s26, $0x1;
	_ =	strace $0x8000004F;
	[dreg:$0x1] =	wrdreg $0xFFFFFFFF  }
0xa7: {  	s28 =	simm.s32 $_size_execute0_lowered;
	s3 =	sadd.s32 s3, s5;
	[dreg:$0x0] =	wrdreg $0x0  }
0xa8: {  	s5 =	sshll.u32 s28, $0x1;
	[dreg:$0x2] =	wrdreg s3  }
0xa9: {  	[dreg:$0x3] =	wrdreg s5  }
0xaa: {  	[dreg:$0x4] =	wrdreg $0xC0  }
0xab: {  	_ =	task [dreg:s7], $0x5FFFF  }
0xac: {  	[dreg:$0x1] =	wrdreg $0xFFFFFFFF  }
0xad: {  	[dreg:$0x0] =	wrdreg $0x60  }
0xae: {  	[dreg:$0x2] =	wrdreg s24  }
0xaf: {  	[dreg:$0x3] =	wrdreg s2  }
0xb0: {  	[dreg:$0x4] =	wrdreg $0x9  }
0xb1: {  	_ =	task.clear_ibuf [dreg:s7], $0x5FFFF;
	_ =	strace $0x9000004F  }
0xb2: {  	s29 =	simm.s32 $0x9;
	_ =	strace $0x80000051  }
0xb3: {  	_ =	swait.ge [sflag:s29], $0x1  }
0xb4: {  	[sflag:s29] =	ssyncadd.s32 $0xFFFFFFFF  }
0xb5: {  	_ =	strace $0x90000051  }
0xb6: {  	_ =	sfence  }
0xb7: {  	s30 =	sld [smem:$0x0];
	_ =	sdelay $0x2  }
0xb8: {  	s31 =	sshll.u32 s1, $0xD;
	s1 =	sshrl.u32 s1, $0x2  }
0xb9: {  	s3 =	sand.u32 $0x4000, s31;
	s1 =	sadd.s32 s1, s30  }
0xba: {  	s0 =	sor.u32 s3, s0;
	s1 =	sshll.u32 s1, $0x11  }
0xbb: {  	s0 =	sor.u32 s1, s0  }
0xbc: {  	s0 =	sadd.s32 $0x8F2B, s0  }
0xbd: {  	[sflag:s0] =	ssyncadd.remote.s32 $0x1  }
0xbe: {  	_ =	sfence.sel $0xFFFF  }
0xbf: {  	[dreg:$0x0] =	wrdreg $0xFFFFFFFF;
	(pc) =	sbr.abs _section_cstart, $3  }
0xc0: {  	[dreg:$0x1] =	wrdreg $0xFFFFFFFF  }
0xc1: {  	_ =	task.clear_ibuf [dreg:s7], $0x2FFFF;
	_ =	strace $0x9FFFFFFF  }
0xc2: {  	(tm) =	ssettm $0x7FFFFFFF  }
0xc3: {  	_ =	shalt  }
tec
execute0_lowered:
.L_overlay_start_1:
0x0: {  	(tag) =	ssettag $0x1  }
0x1: {  	s3 =	rddreg [dreg:$0x0]  }
0x2: {  	s5 =	rddreg [dreg:$0x1];
	s1 =	stileid.u32  }
0x3: {  	s2 =	simm.s32 $0x0;
	s4 =	srdreg.scid;
	s6 =	smul.u32 $0x50000, s1  }
0x4: {  	[smem:$0x7FF] =	sst s2;
	s4 =	sand.u32 $0x1, s4;
	s10 =	smul.u32 $0x1400, s1  }
0x5: {  	s0 =	rddreg [dreg:$0x2];
	_ =	strace $0x80000050;
	s8 =	smul.u32 $0x28000, s4  }
0x6: {  	s7 =	ssub.s32 $0x2, s4;
	s30 =	smul.u32 $0xA00, s4;
	s6 =	sadd.s32 s6, s3  }
0x7: {  	s9 =	sshrl.u32 s7, $0x1;
	s3 =	sadd.s32 $0x57C000, s3;
	s31 =	sadd.s32 s10, s5  }
0x8: {  	s10 =	simm.s32 $0x0;
	s7 =	ssub.s32 s7, s9;
	s6 =	sadd.s32 s8, s6  }
0x9: {  	s8 =	simm.s32 $0x80;
	s9 =	simm.s32 $0x1;
	s4 =	smax.u32 s7, $0x1  }
0xa: {  	s5 =	sadd.s32 $0x4000, s6;
	s6 =	sadd.s32 s30, s31;
	s7 =	simm.s32 $0x2  }
.LBB2_1:
0xb: {  	s11 =	sadd.s32 $0x0, s6  }
0xc: {  	[tilespmem:s2], [sflag:$0x2] =	stream.linear.gather [hbm4b:s11+s2], $0x80, $0x38;
	[tilespmem:$0x4080] =	vst v63  }
0xd: {  	_ =	swait.ge [sflag:s7], $0x80  }
0xe: {  	[sflag:s7] =	ssyncset.done $0x0  }
0xf: {  	[sflag:s7] =	ssyncadd.s32 $0xFFFFFF80  }
0x10: {  	[tilespmem:s8], [sflag:$0x1] =	stream.indirect.gather [hbm4b:s3+s8], $0x80, s2, s8, $0xb8;
	[tilespmem:$0x4080] =	vst v63  }
0x11: {  	_ =	swait.ge [sflag:s9], $0x4000  }
0x12: {  	[sflag:s9] =	ssyncset.done $0x0  }
0x13: {  	[sflag:s9] =	ssyncadd.s32 $0xFFFFC000  }
0x14: {  	[hbm4b:s5+s2] =	stream.linear.scatter [tilespmem:s8], [sflag:$0x2], $0x4000, $0x38;
	[tilespmem:$0x4080] =	vst v63  }
0x15: {  	s12 =	simm.s32 $0x20;
	_ =	swait.ge [sflag:s7], $0x4000  }
0x16: {  	s13 =	simm.s32 $0x40;
	s11 =	sadd.s32 $0x800, s5;
	[sflag:s7] =	ssyncset.done $0x0  }
.LBB2_2:
0x17: {  	s14 =	sadd.s32 s12, s6  }
0x18: {  	[sflag:s7] =	ssyncadd.s32 $0xFFFFC000;
	s12 =	smov.u32 s13;
	s15 =	sadd.s32 $0x20, s13  }
0x19: {  	[tilespmem:s2], [sflag:$0x2] =	stream.linear.gather [hbm4b:s14+s2], $0x80, $0x38;
	[tilespmem:$0x4080] =	vst v63  }
0x1a: {  	p0 =	sne.s32 s13, $0x9E0;
	_ =	swait.ge [sflag:s7], $0x80  }
0x1b: {  	[sflag:s7] =	ssyncset.done $0x0  }
0x1c: {  	[sflag:s7] =	ssyncadd.s32 $0xFFFFFF80  }
0x1d: {  	[tilespmem:s8], [sflag:$0x1] =	stream.indirect.gather [hbm4b:s3+s8], $0x80, s2, s8, $0xb8;
	[tilespmem:$0x4080] =	vst v63  }
0x1e: {  	_ =	swait.ge [sflag:s9], $0x4000  }
.Ltmp0:
0x1f: {  	[sflag:s9] =	ssyncset.done $0x0;
	(pc) =	sbr.rel @p0 .LBB2_2-.Ltmp0, $4  }
0x20: {  	[sflag:s9] =	ssyncadd.s32 $0xFFFFC000  }
0x21: {  	[hbm4b:s11+s2] =	stream.linear.scatter [tilespmem:s8], [sflag:$0x2], $0x4000, $0x38;
	[tilespmem:$0x4080] =	vst v63  }
0x22: {  	_ =	swait.ge [sflag:s7], $0x4000  }
0x23: {  	s13 =	smov.u32 s15;
	s11 =	sadd.s32 $0x800, s11;
	[sflag:s7] =	ssyncset.done $0x0  }
0x24: {  	s12 =	sadd.s32 s12, s6;
	[sflag:s7] =	ssyncadd.s32 $0xFFFFC000  }
0x25: {  	[tilespmem:s2], [sflag:$0x2] =	stream.linear.gather [hbm4b:s12+s2], $0x80, $0x38;
	[tilespmem:$0x4080] =	vst v63  }
0x26: {  	_ =	swait.ge [sflag:s7], $0x80  }
0x27: {  	[sflag:s7] =	ssyncset.done $0x0  }
0x28: {  	[sflag:s7] =	ssyncadd.s32 $0xFFFFFF80  }
0x29: {  	[tilespmem:s8], [sflag:$0x1] =	stream.indirect.gather [hbm4b:s3+s8], $0x80, s2, s8, $0xb8;
	[tilespmem:$0x4080] =	vst v63  }
0x2a: {  	s10 =	sadd.s32 $0x1, s10;
	_ =	swait.ge [sflag:s9], $0x4000  }
0x2b: {  	p0 =	sne.s32 s10, s4;
	[sflag:s9] =	ssyncset.done $0x0  }
.Ltmp1:
0x2c: {  	[sflag:s9] =	ssyncadd.s32 $0xFFFFC000;
	(pc) =	sbr.rel @p0 .LBB2_1-.Ltmp1, $4  }
0x2d: {  	[hbm4b:s11+s2] =	stream.linear.scatter [tilespmem:s8], [sflag:$0x2], $0x4000, $0x38;
	[tilespmem:$0x4080] =	vst v63  }
0x2e: {  	_ =	swait.ge [sflag:s7], $0x4000  }
0x2f: {  	[sflag:s7] =	ssyncset.done $0x0  }
0x30: {  	[sflag:s7] =	ssyncadd.s32 $0xFFFFC000  }
0x31: {  	_ =	sfence.sel $0x180000  }
0x32: {  	[bflag:$0x0] =	sbarrier.arrive $0xFFFF  }
0x33: {  	p0 =	sne.s32 s1, $0x0;
	_ =	strace $0x90000050  }
0x34: {  	s0 =	sadd.s32 @!p0 $0x100000, s0;
	[bflag:$0x2] =	sbarrier.arrive $0xFFFF  }
0x35: {  	[sflag:s0] =	ssyncadd.tile.s32 @!p0 $0x1;
	_ =	shalt  }
.Lfunc_end2:
_tile_overlayer_lowered:
.L_overlay_start_2:
0x36: {  	(tag) =	ssettag $0x2  }
0x37: {  	s0 =	rddreg [dreg:$0x0];
	s2 =	stileid.u32  }
0x38: {  	s1 =	rddreg [dreg:$0x1];
	p0 =	sne.s32 s2, $0x0  }
0x39: {  	s3 =	rddreg [dreg:$0x2];
	[bflag:$0x3] =	sbarrier.arrive $0xFFFF;
	s2 =	simm.s32 @!p0 $0x1C02  }
0x3a: {  	[timem:s3], [sflag:s2] =	dma.local @!p0 [hbm:s0], s1  }
0x3b: {  	s0 =	simm.s32 @!p0 $0x2  }
0x3c: {  	_ =	swait.ge @!p0 [sflag:s0], s1  }
0x3d: {  	s1 =	ssub.s32 @!p0 $0x0, s1;
	[sflag:s0] =	ssyncset.done @!p0 $0x0  }
0x3e: {  	[sflag:s0] =	ssyncadd.s32 @!p0 s1  }
0x3f: {  	[bflag:$0x3] =	sbarrier.arrive $0xFFFF  }
0x40: {  	_ =	shalt  }

// kernel: kernel.23.cloned.1.call-start
scs
__scs_entry_jumppad:
0x0: {  	(pc) =	sbr.rel $0x88, $3  }
0x1: {  	(tag) =	ssettag $0x0;
	lr =	simm.s32 $0x1  }
0x2: {  	[smem:$0x3F92] =	sst lr;
	_ =	strace $0xD0000000  }
0x3: {  	_ = 	snop  }
0x4: {  	_ = 	snop  }
0x5: {  	_ = 	snop  }
0x6: {  	_ = 	snop  }
0x7: {  	_ = 	snop  }
__scs_overlays_trampoline_lowered:
0x8: {  	[smem:$0x3FA1] =	sst s0  }
0x9: {  	[smem:$0x3FA2] =	sst s1  }
0xa: {  	[smem:$0x3FA3] =	sst s2  }
0xb: {  	[smem:$0x3FA4] =	sst s3  }
0xc: {  	[smem:$0x3FA5] =	sst s4  }
0xd: {  	[smem:$0x3FA6] =	sst s5  }
0xe: {  	[smem:$0x3FA7] =	sst s6  }
0xf: {  	[smem:$0x3FA8] =	sst s7  }
0x10: {  	[smem:$0x3FA9] =	sst s8  }
0x11: {  	[smem:$0x3FAA] =	sst s9;
	s0 =	simm.s32 @!p0 $0x0  }
0x12: {  	s1 =	sld [smem:$0x3F90];
	s0 =	simm.s32 @p0 $0x1  }
0x13: {  	[smem:$0x3FAB] =	sst s0;
	s0 =	simm.s32 @!p1 $0x0  }
0x14: {  	s2 =	sld [smem:$0x3F8F];
	s0 =	simm.s32 @p1 $0x1  }
0x15: {  	[smem:$0x3FAC] =	sst s0;
	s0 =	simm.s32 @!p2 $0x0  }
0x16: {  	s3 =	sld [smem:$0x3FDB];
	s0 =	simm.s32 @p2 $0x1  }
0x17: {  	s4 =	simm.s32 $0x1BF5;
	[smem:$0x3FAE] =	sst s0  }
0x18: {  	s0 =	sld [smem:$0x3F91];
	_ =	swait.ge [sflag:s4], $0x0  }
0x19: {  	s7 =	sld [smem:$0x3F92]  }
0x1a: {  	s8 =	sadd.s32 $0xFFFFE003, lr  }
0x1b: {  	s9 =	sadd.s32 $0xFFFFFEF7, lr;
	s5 =	simm.s32 $0xFFFFFFFF;
	p2 =	slt.u32 s8, $0xFFFFF086  }
0x1c: {  	p1 =	slt.u32 s9, $0xF7A;
	s5 =	simm.s32 @!p2 $0x0  }
0x1d: {  	s5 =	simm.s32 @p1 $0x1;
	p0 =	seq.s32 s7, s2  }
0x1e: {  	s7 =	smul.u32 @!p0 $0xF7A, s2;
	p2 =	seq.s32 @!p0 s5, $0x0  }
0x1f: {  	s9 =	smul.u32 $0xF7A, s1;
	s8 =	simm.s32 @!p0 $0x1BF5;
	p2 =	por !p2, p0  }
0x20: {  	[sflag:s8] =	ssyncset.s32 @!p0 $0xFFFFF086;
	s6 =	sadd.s32 @!p0 s3, s7;
	s7 =	simm.s32 @!p0 $0x108  }
0x21: {  	s3 =	sadd.s32 s3, s9;
	s6 =	sadd.s32 @!p0 $0x88, s6;
	s7 =	simm.s32 @p2 $0x1082  }
0x22: {  	[simem:s7], [sflag:s8] =	dma.local @!p0 [hbm:s6], $0xF7A  }
0x23: {  	s9 =	sor.u32 $0xD0000000, s2;
	s6 =	simm.s32 $0x108;
	_ =	swait.ge @!p0 [sflag:s8], $0x0  }
0x24: {  	s3 =	sadd.s32 $0x88, s3;
	s6 =	simm.s32 @!p1 $0x1082;
	[sflag:s4] =	ssyncset.s32 $0xFFFFF086  }
0x25: {  	[simem:s6], [sflag:s4] =	dma.local [hbm:s3], $0xF7A  }
0x26: {  	[smem:$0x3F92] =	sst s1;
	(tag) =	ssettag s2;
	_ =	strace s9  }
0x27: {  	s1 =	sld [smem:$0x3FA2]  }
0x28: {  	s2 =	sld [smem:$0x3FA3]  }
0x29: {  	s4 =	sld [smem:$0x3FA5]  }
0x2a: {  	p0 =	seq.s32 s5, $0x0;
	s5 =	sld [smem:$0x3FA6]  }
0x2b: {  	s6 =	sld [smem:$0x3FA7]  }
0x2c: {  	s7 =	sld [smem:$0x3FA8]  }
0x2d: {  	s3 =	simm.s32 $0x108;
	s8 =	sld [smem:$0x3FA9]  }
0x2e: {  	s3 =	simm.s32 @!p0 $0x1082;
	s9 =	sld [smem:$0x3FAA]  }
0x2f: {  	lr =	sadd.s32 s0, s3;
	s0 =	sld [smem:$0x3FA1]  }
0x30: {  	s3 =	sld [smem:$0x3FA4]  }
0x31: {  	[smem:$0x3FAD] =	sst s10  }
0x32: {  	s10 =	sld [smem:$0x3FAB];
	_ =	sdelay $0x3  }
0x33: {  	p0 =	seq.s32 s10, $0x1;
	s10 =	sld [smem:$0x3FAD];
	_ =	sdelay $0x3  }
0x34: {  	[smem:$0x3FAD] =	sst s10  }
0x35: {  	s10 =	sld [smem:$0x3FAC];
	_ =	sdelay $0x3  }
0x36: {  	p1 =	seq.s32 s10, $0x1;
	s10 =	sld [smem:$0x3FAD];
	_ =	sdelay $0x3  }
0x37: {  	[smem:$0x3FAD] =	sst s10  }
0x38: {  	s10 =	sld [smem:$0x3FAE]  }
0x39: {  	_ = 	snop;
	(pc) =	sbr.ind lr, $3  }
0x3a: {  	_ = 	snop  }
0x3b: {  	_ = 	snop  }
0x3c: {  	p2 =	seq.s32 s10, $0x1;
	s10 =	sld [smem:$0x3FAD]  }
0x3d: {  	_ =	shalt  }
0x3e: {  	_ =	shalt  }
0x3f: {  	_ =	shalt  }
0x40: {  	_ =	shalt  }
0x41: {  	_ =	shalt  }
0x42: {  	_ =	shalt  }
0x43: {  	_ =	shalt  }
0x44: {  	_ =	shalt  }
0x45: {  	_ =	shalt  }
0x46: {  	_ =	shalt  }
0x47: {  	_ =	shalt  }
0x48: {  	_ =	shalt  }
0x49: {  	_ =	shalt  }
0x4a: {  	_ =	shalt  }
0x4b: {  	_ =	shalt  }
0x4c: {  	_ =	shalt  }
0x4d: {  	_ =	shalt  }
0x4e: {  	_ =	shalt  }
0x4f: {  	_ =	shalt  }
0x50: {  	_ =	shalt  }
0x51: {  	_ =	shalt  }
0x52: {  	_ =	shalt  }
0x53: {  	_ =	shalt  }
0x54: {  	_ =	shalt  }
0x55: {  	_ =	shalt  }
0x56: {  	_ =	shalt  }
0x57: {  	_ =	shalt  }
0x58: {  	_ =	shalt  }
0x59: {  	_ =	shalt  }
0x5a: {  	_ =	shalt  }
0x5b: {  	_ =	shalt  }
0x5c: {  	_ =	shalt  }
0x5d: {  	_ =	shalt  }
0x5e: {  	_ =	shalt  }
0x5f: {  	_ =	shalt  }
0x60: {  	_ =	shalt  }
0x61: {  	_ =	shalt  }
0x62: {  	_ =	shalt  }
0x63: {  	_ =	shalt  }
0x64: {  	_ =	shalt  }
0x65: {  	_ =	shalt  }
0x66: {  	_ =	shalt  }
0x67: {  	_ =	shalt  }
0x68: {  	_ =	shalt  }
0x69: {  	_ =	shalt  }
0x6a: {  	_ =	shalt  }
0x6b: {  	_ =	shalt  }
0x6c: {  	_ =	shalt  }
0x6d: {  	_ =	shalt  }
0x6e: {  	_ =	shalt  }
0x6f: {  	_ =	shalt  }
0x70: {  	_ =	shalt  }
0x71: {  	_ =	shalt  }
0x72: {  	_ =	shalt  }
0x73: {  	_ =	shalt  }
0x74: {  	_ =	shalt  }
0x75: {  	_ =	shalt  }
0x76: {  	_ =	shalt  }
0x77: {  	_ =	shalt  }
0x78: {  	_ =	shalt  }
0x79: {  	_ =	shalt  }
0x7a: {  	_ =	shalt  }
0x7b: {  	_ =	shalt  }
0x7c: {  	_ =	shalt  }
0x7d: {  	_ =	shalt  }
0x7e: {  	_ =	shalt  }
0x7f: {  	_ =	shalt  }
0x80: {  	_ =	shalt  }
0x81: {  	_ =	shalt  }
0x82: {  	_ =	shalt  }
0x83: {  	_ =	shalt  }
0x84: {  	_ =	shalt  }
0x85: {  	_ =	shalt  }
0x86: {  	_ =	shalt  }
0x87: {  	_ =	shalt  }
.Lfunc_end0:
.L_simem_size_0:
called_computation.4_lowered:
.L_overlay_start_0:
0x88: {  	s2 =	sld [smem:$0x3FD9]  }
0x89: {  	s3 =	sld [smem:$0x3FFE];
	_ =	sdelay $0x1  }
0x8a: {  	s1 =	srdreg.scid  }
0x8b: {  	s0 =	sand.u32 $0x1, s1  }
0x8c: {  	s17 =	sshll.u32 s0, $0xA;
	s2 =	sadd.s32 s3, s2  }
0x8d: {  	s2 =	sadd.s32 s2, s17  }
0x8e: {  	[smem:$0x3FB9] =	sst s2  }
0x8f: {  	_ = 	snop  }
0x90: {  	s2 =	sld [smem:$0x3FD0];
	(tm) =	ssettm $0x1  }
0x91: {  	s18 =	sld [smem:$0x3FFB];
	_ =	sdelay $0x3  }
0x92: {  	_ =	strace s18  }
0x93: {  	s3 =	sld [smem:$0x3FFC];
	_ =	sdelay $0x3  }
0x94: {  	_ =	strace s3  }
0x95: {  	s3 =	sld [smem:$0x3FFD];
	_ =	sdelay $0x3  }
0x96: {  	_ =	strace s3  }
0x97: {  	_ =	strace $0x8FFFFFFF  }
0x98: {  	s19 =	sld [smem:$0x3FDB];
	_ =	sdelay $0x1  }
0x99: {  	s4 =	simm.s32 $_scs_section_size  }
0x9a: {  	s5 =	simm.s32 $_size__tile_overlayer_lowered;
	s6 =	simm.s32 $_tile_overlayer_lowered  }
0x9b: {  	s22 =	simm.s32 $0x1BFF;
	s21 =	sshll.u32 s6, $0x1;
	s3 =	sadd.s32 s4, s19  }
0x9c: {  	s7 =	simm.s32 $0x0;
	s20 =	sshll.u32 s5, $0x1;
	s5 =	sadd.s32 s21, s3  }
0x9d: {  	[timem:s7], [sflag:s22] =	dma.local [hbm:s5], s20  }
0x9e: {  	_ =	swait.ge [sflag:s22], s20  }
0x9f: {  	s4 =	ssub.s32 $0x0, s20;
	[sflag:s22] =	ssyncset.done $0x0  }
0xa0: {  	[sflag:s22] =	ssyncadd.s32 s4;
	_ =	sdelay $0x1  }
0xa1: {  	s23 =	simm.s32 $0x1B8B  }
0xa2: {  	_ =	swait.ge [sflag:s23], $0x1  }
0xa3: {  	[sflag:s23] =	ssyncset.done $0x0  }
0xa4: {  	s25 =	simm.s32 $0x1B8E;
	s24 =	sld [smem:$0x3FFE];
	[sflag:s23] =	ssyncadd.s32 $0xFFFFFFFF  }
0xa5: {  	s26 =	simm.s32 $execute0_lowered;
	[smem:$0x3FD2] =	sst s25  }
0xa6: {  	s5 =	sshll.u32 s26, $0x1;
	_ =	strace $0x80000052;
	[dreg:$0x1] =	wrdreg $0xFFFFFFFF  }
0xa7: {  	s28 =	simm.s32 $_size_execute0_lowered;
	s3 =	sadd.s32 s3, s5;
	[dreg:$0x0] =	wrdreg $0x0  }
0xa8: {  	s5 =	sshll.u32 s28, $0x1;
	[dreg:$0x2] =	wrdreg s3  }
0xa9: {  	[dreg:$0x3] =	wrdreg s5  }
0xaa: {  	[dreg:$0x4] =	wrdreg $0xC0  }
0xab: {  	_ =	task [dreg:s7], $0x5FFFF  }
0xac: {  	[dreg:$0x1] =	wrdreg $0xFFFFFFFF  }
0xad: {  	[dreg:$0x0] =	wrdreg $0x60  }
0xae: {  	[dreg:$0x2] =	wrdreg s24  }
0xaf: {  	[dreg:$0x3] =	wrdreg s2  }
0xb0: {  	[dreg:$0x4] =	wrdreg $0x40800  }
0xb1: {  	[dreg:$0x5] =	wrdreg $0x9  }
0xb2: {  	_ =	task.clear_ibuf [dreg:s7], $0x6FFFF;
	_ =	strace $0x90000052  }
0xb3: {  	s29 =	simm.s32 $0x9;
	_ =	strace $0x80000054  }
0xb4: {  	_ =	swait.ge [sflag:s29], $0x1  }
0xb5: {  	[sflag:s29] =	ssyncadd.s32 $0xFFFFFFFF  }
0xb6: {  	_ =	strace $0x90000054  }
0xb7: {  	_ =	sfence  }
0xb8: {  	s30 =	sld [smem:$0x0];
	_ =	sdelay $0x2  }
0xb9: {  	s31 =	sshll.u32 s1, $0xD;
	s1 =	sshrl.u32 s1, $0x2  }
0xba: {  	s3 =	sand.u32 $0x4000, s31;
	s1 =	sadd.s32 s1, s30  }
0xbb: {  	s0 =	sor.u32 s3, s0;
	s1 =	sshll.u32 s1, $0x11  }
0xbc: {  	s0 =	sor.u32 s1, s0  }
0xbd: {  	s0 =	sadd.s32 $0x8F2B, s0  }
0xbe: {  	[sflag:s0] =	ssyncadd.remote.s32 $0x1  }
0xbf: {  	_ =	sfence.sel $0xFFFF  }
0xc0: {  	[dreg:$0x0] =	wrdreg $0xFFFFFFFF;
	(pc) =	sbr.abs _section_cstart, $3  }
0xc1: {  	[dreg:$0x1] =	wrdreg $0xFFFFFFFF  }
0xc2: {  	_ =	task.clear_ibuf [dreg:s7], $0x2FFFF;
	_ =	strace $0x9FFFFFFF  }
0xc3: {  	(tm) =	ssettm $0x7FFFFFFF  }
tec
execute0_lowered:
.L_overlay_start_1:
0x0: {  	(tag) =	ssettag $0x1  }
0x1: {  	s4 =	rddreg [dreg:$0x0]  }
0x2: {  	s15 =	rddreg [dreg:$0x1]  }
0x3: {  	s2 =	rddreg [dreg:$0x2];
	s1 =	stileid.u32  }
0x4: {  	s0 =	rddreg [dreg:$0x3];
	s6 =	smul.u32 $0x50000, s1  }
0x5: {  	s5 =	srdreg.scid;
	s9 =	smul.u32 $0x14000, s1  }
0x6: {  	s3 =	simm.s32 $0x0;
	s14 =	sand.u32 $0x1, s5;
	s20 =	smul.u32 $0x1400, s1  }
0x7: {  	[smem:$0x7FF] =	sst s3;
	s19 =	smul.u32 $0x140000, s14  }
0x8: {  	s13 =	sadd.s32 $0x4000, s4;
	_ =	strace $0x80000053;
	s29 =	smul.u32 $0x28000, s14  }
0x9: {  	s5 =	ssub.s32 $0x2, s14;
	s30 =	smul.u32 $0xA00, s14;
	s16 =	sadd.s32 s6, s4  }
0xa: {  	s26 =	sshrl.u32 s5, $0x1;
	s28 =	sshrl.u32 s6, $0x2;
	s10 =	sadd.s32 $0x4000, s9  }
0xb: {  	s11 =	sadd.s32 $0x8000, s9;
	s12 =	sadd.s32 $0xC000, s9;
	s18 =	sadd.s32 $0x10000, s9  }
0xc: {  	s31 =	sadd.s32 s20, s15;
	s20 =	simm.s32 $0x0;
	s17 =	ssub.s32 s5, s26  }
0xd: {  	s4 =	sadd.s32 s28, s2;
	s5 =	sadd.s32 s10, s2;
	s6 =	sadd.s32 s11, s2  }
0xe: {  	s7 =	sadd.s32 s12, s2;
	s8 =	sadd.s32 s18, s2;
	s9 =	sadd.s32 s9, s19  }
0xf: {  	s10 =	sadd.s32 s19, s10;
	s11 =	sadd.s32 s19, s11;
	s12 =	sadd.s32 s19, s12  }
0x10: {  	s18 =	sadd.s32 s19, s18;
	s16 =	sadd.s32 s29, s16;
	s19 =	simm.s32 $0x1  }
0x11: {  	s9 =	sshrl.u32 s9, $0x3;
	s10 =	sshrl.u32 s10, $0x3;
	s11 =	sshrl.u32 s11, $0x3  }
0x12: {  	s12 =	sshrl.u32 s12, $0x3;
	s18 =	sshrl.u32 s18, $0x3;
	s14 =	smax.u32 s17, $0x1  }
0x13: {  	s15 =	sadd.s32 $0xF5E000, s16;
	s16 =	sadd.s32 s30, s31;
	s17 =	simm.s32 $0x80  }
0x14: {  	s9 =	sadd.s32 s13, s9;
	s10 =	sadd.s32 s13, s10;
	s11 =	sadd.s32 s13, s11  }
0x15: {  	v0 =	vimm.f32 $0.0e+00;
	s12 =	sadd.s32 s13, s12;
	s13 =	sadd.s32 s13, s18;
	s18 =	simm.s32 $0x2  }
.LBB2_1:
0x16: {  	s21 =	simm.s32 $0x0;
	s22 =	simm.s32 $0x200  }
.LBB2_2:
0x17: {  	p0 =	sne.s32 s22, $0xFE00;
	[tilespmem:s21+$0xF0] =	vst v0  }
0x18: {  	[tilespmem:s21+$0x80] =	vst v0  }
0x19: {  	[tilespmem:s21+$0x90] =	vst v0  }
.Ltmp0:
0x1a: {  	[tilespmem:s21+$0xA0] =	vst v0;
	(pc) =	sbr.rel @p0 .LBB2_2-.Ltmp0, $4  }
0x1b: {  	[tilespmem:s21+$0xB0] =	vst v0  }
0x1c: {  	[tilespmem:s21+$0xC0] =	vst v0  }
0x1d: {  	[tilespmem:s21+$0xD0] =	vst v0  }
0x1e: {  	[tilespmem:s21+$0xE0] =	vst v0;
	s21 =	sshra.s32 s22, $0x2;
	s22 =	sadd.s32 $0x200, s22  }
0x1f: {  	[tilespmem:s21+$0xF0] =	vst v0  }
0x20: {  	[tilespmem:s21+$0x80] =	vst v0  }
0x21: {  	[tilespmem:s21+$0x90] =	vst v0  }
0x22: {  	[tilespmem:s21+$0xA0] =	vst v0  }
0x23: {  	[tilespmem:s21+$0xB0] =	vst v0  }
0x24: {  	[tilespmem:s21+$0xC0] =	vst v0  }
0x25: {  	[tilespmem:s21+$0xD0] =	vst v0  }
0x26: {  	[tilespmem:s21+$0xE0] =	vst v0  }
0x27: {  	[spmem:s4] =	stream.linear.scatter [tilespmem:s17], [sflag:$0x2], $0x4000, $0x38;
	[tilespmem:$0x18080] =	vst v63  }
0x28: {  	_ =	swait.ge [sflag:s18], $0x4000  }
0x29: {  	[sflag:s18] =	ssyncset.done $0x0  }
0x2a: {  	[sflag:s18] =	ssyncadd.s32 $0xFFFFC000  }
0x2b: {  	[spmem:s5] =	stream.linear.scatter [tilespmem:s17], [sflag:$0x2], $0x4000, $0x38;
	[tilespmem:$0x18080] =	vst v63  }
0x2c: {  	_ =	swait.ge [sflag:s18], $0x4000  }
0x2d: {  	[sflag:s18] =	ssyncset.done $0x0  }
0x2e: {  	[sflag:s18] =	ssyncadd.s32 $0xFFFFC000  }
0x2f: {  	[spmem:s6] =	stream.linear.scatter [tilespmem:s17], [sflag:$0x2], $0x4000, $0x38;
	[tilespmem:$0x18080] =	vst v63  }
0x30: {  	_ =	swait.ge [sflag:s18], $0x4000  }
0x31: {  	[sflag:s18] =	ssyncset.done $0x0  }
0x32: {  	[sflag:s18] =	ssyncadd.s32 $0xFFFFC000  }
0x33: {  	[spmem:s7] =	stream.linear.scatter [tilespmem:s17], [sflag:$0x2], $0x4000, $0x38;
	[tilespmem:$0x18080] =	vst v63  }
0x34: {  	_ =	swait.ge [sflag:s18], $0x4000  }
0x35: {  	[sflag:s18] =	ssyncset.done $0x0  }
0x36: {  	[sflag:s18] =	ssyncadd.s32 $0xFFFFC000  }
0x37: {  	[spmem:s8] =	stream.linear.scatter [tilespmem:s17], [sflag:$0x2], $0x4000, $0x38;
	[tilespmem:$0x18080] =	vst v63  }
0x38: {  	_ =	swait.ge [sflag:s18], $0x4000  }
0x39: {  	[sflag:s18] =	ssyncset.done $0x0  }
0x3a: {  	[sflag:s18] =	ssyncadd.s32 $0xFFFFC000  }
0x3b: {  	s31 =	sadd.s32 $0x10, s16;
	[bflag:$0x0] =	sbarrier.arrive $0xFFFF  }
0x3c: {  	[tilespmem:s3], [sflag:$0x2] =	stream.linear.gather [hbm4b:s31+s3], $0x80, $0x38;
	[tilespmem:$0x18080] =	vst v63  }
0x3d: {  	_ =	swait.ge [sflag:s18], $0x80  }
0x3e: {  	[sflag:s18] =	ssyncset.done $0x0  }
0x3f: {  	[sflag:s18] =	ssyncadd.s32 $0xFFFFFF80  }
0x40: {  	[tilespmem:s17], [sflag:$0x1] =	stream.linear.gather [hbm4b:s15+s3], $0x4000, $0x38;
	[tilespmem:$0x18080] =	vst v63  }
0x41: {  	_ =	swait.ge [sflag:s19], $0x4000  }
0x42: {  	[sflag:s19] =	ssyncset.done $0x0  }
0x43: {  	[sflag:s19] =	ssyncadd.s32 $0xFFFFC000  }
0x44: {  	[spmem:s2] =	stream.indirect.scatter.add.f32 [tilespmem:s17], [sflag:$0x2], $0x80, s3, s17, $0xb8;
	[tilespmem:$0x18080] =	vst v63  }
0x45: {  	s22 =	simm.s32 $0x30;
	_ =	swait.ge [sflag:s18], $0x4000  }
0x46: {  	s23 =	simm.s32 $0x50;
	s21 =	sadd.s32 $0x800, s15;
	[sflag:s18] =	ssyncset.done $0x0  }
.LBB2_4:
0x47: {  	s24 =	sadd.s32 s22, s16  }
0x48: {  	[sflag:s18] =	ssyncadd.s32 $0xFFFFC000;
	s22 =	smov.u32 s23;
	s25 =	sadd.s32 $0x20, s23  }
0x49: {  	[tilespmem:s3], [sflag:$0x2] =	stream.linear.gather [hbm4b:s24+s3], $0x80, $0x38;
	[tilespmem:$0x18080] =	vst v63  }
0x4a: {  	p0 =	sne.s32 s23, $0x9F0;
	_ =	swait.ge [sflag:s18], $0x80  }
0x4b: {  	[sflag:s18] =	ssyncset.done $0x0  }
0x4c: {  	[sflag:s18] =	ssyncadd.s32 $0xFFFFFF80  }
0x4d: {  	[tilespmem:s17], [sflag:$0x1] =	stream.linear.gather [hbm4b:s21+s3], $0x4000, $0x38;
	[tilespmem:$0x18080] =	vst v63  }
0x4e: {  	_ =	swait.ge [sflag:s19], $0x4000  }
.Ltmp1:
0x4f: {  	[sflag:s19] =	ssyncset.done $0x0;
	(pc) =	sbr.rel @p0 .LBB2_4-.Ltmp1, $4  }
0x50: {  	[sflag:s19] =	ssyncadd.s32 $0xFFFFC000  }
0x51: {  	[spmem:s2] =	stream.indirect.scatter.add.f32 [tilespmem:s17], [sflag:$0x2], $0x80, s3, s17, $0xb8;
	[tilespmem:$0x18080] =	vst v63  }
0x52: {  	_ =	swait.ge [sflag:s18], $0x4000  }
0x53: {  	s23 =	smov.u32 s25;
	s21 =	sadd.s32 $0x800, s21;
	[sflag:s18] =	ssyncset.done $0x0  }
0x54: {  	s22 =	sadd.s32 s22, s16;
	[sflag:s18] =	ssyncadd.s32 $0xFFFFC000  }
0x55: {  	[tilespmem:s3], [sflag:$0x2] =	stream.linear.gather [hbm4b:s22+s3], $0x80, $0x38;
	[tilespmem:$0x18080] =	vst v63  }
0x56: {  	_ =	swait.ge [sflag:s18], $0x80  }
0x57: {  	[sflag:s18] =	ssyncset.done $0x0  }
0x58: {  	[sflag:s18] =	ssyncadd.s32 $0xFFFFFF80  }
0x59: {  	[tilespmem:s17], [sflag:$0x1] =	stream.linear.gather [hbm4b:s21+s3], $0x4000, $0x38;
	[tilespmem:$0x18080] =	vst v63  }
0x5a: {  	_ =	swait.ge [sflag:s19], $0x4000  }
0x5b: {  	[sflag:s19] =	ssyncset.done $0x0  }
0x5c: {  	[sflag:s19] =	ssyncadd.s32 $0xFFFFC000  }
0x5d: {  	[spmem:s2] =	stream.indirect.scatter.add.f32 [tilespmem:s17], [sflag:$0x2], $0x80, s3, s17, $0xb8;
	[tilespmem:$0x18080] =	vst v63  }
0x5e: {  	_ =	swait.ge [sflag:s18], $0x4000  }
0x5f: {  	[sflag:s18] =	ssyncset.done $0x0  }
0x60: {  	[sflag:s18] =	ssyncadd.s32 $0xFFFFC000  }
0x61: {  	[bflag:$0x0] =	sbarrier.arrive $0xFFFF  }
0x62: {  	[tilespmem:s17], [sflag:$0x2] =	stream.linear.gather [spmem:s4], $0x4000, $0x38;
	[tilespmem:$0x18080] =	vst v63  }
0x63: {  	_ =	swait.ge [sflag:s18], $0x4000  }
0x64: {  	[sflag:s18] =	ssyncset.done $0x0  }
0x65: {  	[sflag:s18] =	ssyncadd.s32 $0xFFFFC000  }
0x66: {  	[hbm4b:s9+s3] =	stream.linear.scatter [tilespmem:s17], [sflag:$0x2], $0x4000, $0x38;
	[tilespmem:$0x18080] =	vst v63  }
0x67: {  	_ =	swait.ge [sflag:s18], $0x4000  }
0x68: {  	[sflag:s18] =	ssyncset.done $0x0  }
0x69: {  	[sflag:s18] =	ssyncadd.s32 $0xFFFFC000  }
0x6a: {  	[tilespmem:s17], [sflag:$0x2] =	stream.linear.gather [spmem:s5], $0x4000, $0x38;
	[tilespmem:$0x18080] =	vst v63  }
0x6b: {  	_ =	swait.ge [sflag:s18], $0x4000  }
0x6c: {  	[sflag:s18] =	ssyncset.done $0x0  }
0x6d: {  	[sflag:s18] =	ssyncadd.s32 $0xFFFFC000  }
0x6e: {  	[hbm4b:s10+s3] =	stream.linear.scatter [tilespmem:s17], [sflag:$0x2], $0x4000, $0x38;
	[tilespmem:$0x18080] =	vst v63  }
0x6f: {  	_ =	swait.ge [sflag:s18], $0x4000  }
0x70: {  	[sflag:s18] =	ssyncset.done $0x0  }
0x71: {  	[sflag:s18] =	ssyncadd.s32 $0xFFFFC000  }
0x72: {  	[tilespmem:s17], [sflag:$0x2] =	stream.linear.gather [spmem:s6], $0x4000, $0x38;
	[tilespmem:$0x18080] =	vst v63  }
0x73: {  	_ =	swait.ge [sflag:s18], $0x4000  }
0x74: {  	[sflag:s18] =	ssyncset.done $0x0  }
0x75: {  	[sflag:s18] =	ssyncadd.s32 $0xFFFFC000  }
0x76: {  	[hbm4b:s11+s3] =	stream.linear.scatter [tilespmem:s17], [sflag:$0x2], $0x4000, $0x38;
	[tilespmem:$0x18080] =	vst v63  }
0x77: {  	_ =	swait.ge [sflag:s18], $0x4000  }
0x78: {  	[sflag:s18] =	ssyncset.done $0x0  }
0x79: {  	[sflag:s18] =	ssyncadd.s32 $0xFFFFC000  }
0x7a: {  	[tilespmem:s17], [sflag:$0x2] =	stream.linear.gather [spmem:s7], $0x4000, $0x38;
	[tilespmem:$0x18080] =	vst v63  }
0x7b: {  	_ =	swait.ge [sflag:s18], $0x4000  }
0x7c: {  	[sflag:s18] =	ssyncset.done $0x0  }
0x7d: {  	[sflag:s18] =	ssyncadd.s32 $0xFFFFC000  }
0x7e: {  	[hbm4b:s12+s3] =	stream.linear.scatter [tilespmem:s17], [sflag:$0x2], $0x4000, $0x38;
	[tilespmem:$0x18080] =	vst v63  }
0x7f: {  	_ =	swait.ge [sflag:s18], $0x4000  }
0x80: {  	[sflag:s18] =	ssyncset.done $0x0  }
0x81: {  	[sflag:s18] =	ssyncadd.s32 $0xFFFFC000  }
0x82: {  	[tilespmem:s17], [sflag:$0x2] =	stream.linear.gather [spmem:s8], $0x4000, $0x38;
	[tilespmem:$0x18080] =	vst v63  }
0x83: {  	s20 =	sadd.s32 $0x1, s20;
	_ =	swait.ge [sflag:s18], $0x4000  }
0x84: {  	p0 =	sne.s32 s20, s14;
	[sflag:s18] =	ssyncset.done $0x0  }
.Ltmp2:
0x85: {  	[sflag:s18] =	ssyncadd.s32 $0xFFFFC000;
	(pc) =	sbr.rel @p0 .LBB2_1-.Ltmp2, $4  }
0x86: {  	[hbm4b:s13+s3] =	stream.linear.scatter [tilespmem:s17], [sflag:$0x2], $0x4000, $0x38;
	[tilespmem:$0x18080] =	vst v63  }
0x87: {  	_ =	swait.ge [sflag:s18], $0x4000  }
0x88: {  	[sflag:s18] =	ssyncset.done $0x0  }
0x89: {  	[sflag:s18] =	ssyncadd.s32 $0xFFFFC000  }
0x8a: {  	_ =	sfence.sel $0x180000  }
0x8b: {  	[bflag:$0x0] =	sbarrier.arrive $0xFFFF  }
0x8c: {  	p0 =	sne.s32 s1, $0x0;
	_ =	strace $0x90000053  }
0x8d: {  	s0 =	sadd.s32 @!p0 $0x100000, s0;
	[bflag:$0x2] =	sbarrier.arrive $0xFFFF  }
0x8e: {  	[sflag:s0] =	ssyncadd.tile.s32 @!p0 $0x1;
	_ =	shalt  }
.Lfunc_end2:
_tile_overlayer_lowered:
.L_overlay_start_2:
0x8f: {  	(tag) =	ssettag $0x2  }
0x90: {  	s0 =	rddreg [dreg:$0x0];
	s2 =	stileid.u32  }
0x91: {  	s1 =	rddreg [dreg:$0x1];
	p0 =	sne.s32 s2, $0x0  }
0x92: {  	s3 =	rddreg [dreg:$0x2];
	[bflag:$0x3] =	sbarrier.arrive $0xFFFF;
	s2 =	simm.s32 @!p0 $0x1C02  }
0x93: {  	[timem:s3], [sflag:s2] =	dma.local @!p0 [hbm:s0], s1  }
0x94: {  	s0 =	simm.s32 @!p0 $0x2  }
0x95: {  	_ =	swait.ge @!p0 [sflag:s0], s1  }
0x96: {  	s1 =	ssub.s32 @!p0 $0x0, s1;
	[sflag:s0] =	ssyncset.done @!p0 $0x0  }
0x97: {  	[sflag:s0] =	ssyncadd.s32 @!p0 s1  }
0x98: {  	[bflag:$0x3] =	sbarrier.arrive $0xFFFF  }
0x99: {  	_ =	shalt  }

</sc_bundles>
